<compile_context>
chip_gen: v7x
topology: tpu7x:2x2x1
jax: 0.10.2.dev20260603
libtpu: 0.0.44.dev20260713+nightly
codegen_flags: <defaults>
</compile_context>

<pallas_src>
import functools

import jax
import jax.numpy as jnp
from jax import lax
from jax.experimental import pallas as pl
from jax.experimental.pallas import tpu as pltpu
from jax.experimental.pallas import tpu_sc as plsc

N_NODES = 100000
N_EDGES = 6400000
EPS = 1e-15

NC = 2
NS = 16
NW = NC * NS
E_PER_W = N_EDGES // NW
B = 2000
NCHUNK = E_PER_W // B


def _rsqrt(s):
    bits = plsc.bitcast(s, jnp.int32)
    r = plsc.bitcast(jnp.int32(0x5F3759DF) - (bits >> 1), jnp.float32)
    for _ in range(3):
        r = r * (1.5 - 0.5 * s * r * r)
    return r


def _distance_body(rx, ry, rz, idx_i_hbm, idx_j_hbm, ox_hbm, oy_hbm, oz_hbm,
                   out_hbm, tab_v,
                   iiA, ijA, offA, accA, outA,
                   iiB, ijB, offB, accB, outB,
                   semA, semB, wsemA, wsemB):
    wid = lax.axis_index("s") * NC + lax.axis_index("c")
    base = wid * E_PER_W
    bufA = (iiA, ijA, offA, accA, outA, semA, wsemA)
    bufB = (iiB, ijB, offB, accB, outB, semB, wsemB)

    for p, (tab_hbm, po_hbm) in enumerate(
            [(rx, ox_hbm), (ry, oy_hbm), (rz, oz_hbm)]):
        pltpu.sync_copy(tab_hbm, tab_v)

        def issue_in(c_idx, buf, p=p, po_hbm=po_hbm):
            ii_v, ij_v, off_v, acc_v, _, sem, _ = buf
            start = base + c_idx * B
            pltpu.async_copy(idx_i_hbm.at[pl.ds(start, B)], ii_v, sem)
            pltpu.async_copy(idx_j_hbm.at[pl.ds(start, B)], ij_v, sem)
            pltpu.async_copy(po_hbm.at[pl.ds(start, B)], off_v, sem)
            if p > 0:
                pltpu.async_copy(out_hbm.at[pl.ds(start, B)], acc_v, sem)

        def drain_in(buf, p=p, po_hbm=po_hbm):
            ii_v, ij_v, off_v, acc_v, _, sem, _ = buf
            s0 = pl.ds(base, B)
            pltpu.make_async_copy(idx_i_hbm.at[s0], ii_v, sem).wait()
            pltpu.make_async_copy(idx_j_hbm.at[s0], ij_v, sem).wait()
            pltpu.make_async_copy(po_hbm.at[s0], off_v, sem).wait()
            if p > 0:
                pltpu.make_async_copy(out_hbm.at[s0], acc_v, sem).wait()

        def issue_write(c_idx, buf):
            out_v, _, wsem = buf[4:]
            start = base + c_idx * B
            pltpu.async_copy(out_v, out_hbm.at[pl.ds(start, B)], wsem)

        def wait_write(buf):
            out_v, _, wsem = buf[4:]
            pltpu.make_async_copy(out_v, out_hbm.at[pl.ds(base, B)],
                                  wsem).wait()

        def compute(buf, p=p):
            ii_v, ij_v, off_v, acc_v, out_v = buf[:5]

            def vec_body(k, carry2):
                s = pl.ds(k * 16, 16)
                xi = plsc.load_gather(tab_v, [ii_v[s]])
                xj = plsc.load_gather(tab_v, [ij_v[s]])
                d = xi - xj - off_v[s] + EPS
                sq = d * d
                if p == 0:
                    out_v[s] = sq
                elif p == 1:
                    out_v[s] = acc_v[s] + sq
                else:
                    ss = acc_v[s] + sq
                    out_v[s] = ss * _rsqrt(ss)
                return carry2

            lax.fori_loop(0, B // 16, vec_body, 0, unroll=4)

        issue_in(0, bufA)
        issue_in(1, bufB)

        def step(t, carry):
            for half, buf in ((0, bufA), (1, bufB)):
                c = 2 * t + half
                drain_in(buf)

                @pl.when(t > 0)
                def _():
                    wait_write(buf)

                compute(buf)
                issue_write(c, buf)
                issue_in(lax.rem(c + 2, NCHUNK), buf)
            return carry

        lax.fori_loop(0, NCHUNK // 2, step, 0)
        drain_in(bufA)
        drain_in(bufB)
        wait_write(bufA)
        wait_write(bufB)


@functools.partial(
    pl.kernel,
    out_type=jax.ShapeDtypeStruct((N_EDGES,), jnp.float32),
    mesh=plsc.VectorSubcoreMesh(core_axis_name="c", subcore_axis_name="s"),
    compiler_params=pltpu.CompilerParams(
        needs_layout_passes=False, use_tc_tiling_on_sc=False),
    scratch_types=[
        pltpu.VMEM((N_NODES,), jnp.float32),
        pltpu.VMEM((B,), jnp.int32),
        pltpu.VMEM((B,), jnp.int32),
        pltpu.VMEM((B,), jnp.float32),
        pltpu.VMEM((B,), jnp.float32),
        pltpu.VMEM((B,), jnp.float32),
        pltpu.VMEM((B,), jnp.int32),
        pltpu.VMEM((B,), jnp.int32),
        pltpu.VMEM((B,), jnp.float32),
        pltpu.VMEM((B,), jnp.float32),
        pltpu.VMEM((B,), jnp.float32),
        pltpu.SemaphoreType.DMA,
        pltpu.SemaphoreType.DMA,
        pltpu.SemaphoreType.DMA,
        pltpu.SemaphoreType.DMA,
    ],
)
def _distance_kernel(rx, ry, rz, idx_i_hbm, idx_j_hbm, ox_hbm, oy_hbm, oz_hbm,
                     out_hbm, tab_v,
                     iiA, ijA, offA, accA, outA,
                     iiB, ijB, offB, accB, outB,
                     semA, semB, wsemA, wsemB):
    _distance_body(rx, ry, rz, idx_i_hbm, idx_j_hbm, ox_hbm, oy_hbm, oz_hbm,
                   out_hbm, tab_v,
                   iiA, ijA, offA, accA, outA,
                   iiB, ijB, offB, accB, outB,
                   semA, semB, wsemA, wsemB)


def kernel(Ra, idx_i, idx_j, offsets):
    raT = Ra.T
    offT = offsets.T
    return _distance_kernel(raT[0], raT[1], raT[2], idx_i, idx_j,
                            offT[0], offT[1], offT[2])

# --- scband reference (transcript-rebuilt; emitter-appended) ---
"""Pipeline reference for scband-distance-layer-63273458204898 (READ-ONLY COPY).

The authoritative reference and input builder live on the scoring server;
editing this copy changes nothing except your own understanding.
"""

import jax, jax.numpy as jnp
import numpy as np

N_NODES = 100000
N_EDGES = 6400000
EPS = 1e-15


def setup_inputs(seed: int = 0) -> dict:
    key = jax.random.key(seed)
    k1, k2, k3, k4 = jax.random.split(key, 4)
    Ra = jax.random.normal(k1, (N_NODES, 3), dtype=jnp.float32)
    idx_i = jax.random.randint(k2, (N_EDGES,), 0, N_NODES, dtype=jnp.int32)
    idx_j = jax.random.randint(k3, (N_EDGES,), 0, N_NODES, dtype=jnp.int32)
    offsets = jax.random.normal(k4, (N_EDGES, 3), dtype=jnp.float32)
    return {"Ra": Ra, "idx_i": idx_i, "idx_j": idx_j, "offsets": offsets}


def reference(Ra, idx_i, idx_j, offsets):
    # gather positions of each endpoint of every pair (SparseCore gather)
    Ri = jnp.take(Ra, idx_i, axis=0)
    Rj = jnp.take(Ra, idx_j, axis=0)
    Rj_ = Rj + offsets
    # F.pairwise_distance(Ri, Rj_, eps=1e-15): p=2 norm of (Ri - Rj_ + eps)
    diff = Ri - Rj_ + EPS
    Dij = jnp.sqrt(jnp.sum(diff * diff, axis=-1))
    return Dij

if __name__ == "__main__":
    import jax
    _d = setup_inputs()
    print(jax.jit(kernel)(*tuple(_d.values())))

</pallas_src>

<mosaic_0001>
#map = affine_map<(d0, d1) -> (0)>
module attributes {stable_mosaic.version = 14 : i64} {
  func.func @_distance_kernel(%arg0: i32, %arg1: i32, %arg2: memref<100000xf32, #tpu.memory_space<hbm>>, %arg3: memref<100000xf32, #tpu.memory_space<hbm>>, %arg4: memref<100000xf32, #tpu.memory_space<hbm>>, %arg5: memref<6400000xi32, #tpu.memory_space<hbm>>, %arg6: memref<6400000xi32, #tpu.memory_space<hbm>>, %arg7: memref<6400000xf32, #tpu.memory_space<hbm>>, %arg8: memref<6400000xf32, #tpu.memory_space<hbm>>, %arg9: memref<6400000xf32, #tpu.memory_space<hbm>>, %arg10: memref<6400000xf32, #tpu.memory_space<hbm>>, %arg11: memref<100000xf32, #tpu.memory_space<vmem>>, %arg12: memref<2000xi32, #tpu.memory_space<vmem>>, %arg13: memref<2000xi32, #tpu.memory_space<vmem>>, %arg14: memref<2000xf32, #tpu.memory_space<vmem>>, %arg15: memref<2000xf32, #tpu.memory_space<vmem>>, %arg16: memref<2000xf32, #tpu.memory_space<vmem>>, %arg17: memref<2000xi32, #tpu.memory_space<vmem>>, %arg18: memref<2000xi32, #tpu.memory_space<vmem>>, %arg19: memref<2000xf32, #tpu.memory_space<vmem>>, %arg20: memref<2000xf32, #tpu.memory_space<vmem>>, %arg21: memref<2000xf32, #tpu.memory_space<vmem>>, %arg22: memref<!tpu.dma_semaphore, #tpu.memory_space<semaphore_mem>>, %arg23: memref<!tpu.dma_semaphore, #tpu.memory_space<semaphore_mem>>, %arg24: memref<!tpu.dma_semaphore, #tpu.memory_space<semaphore_mem>>, %arg25: memref<!tpu.dma_semaphore, #tpu.memory_space<semaphore_mem>>) attributes {dimension_semantics = [#tpu.dimension_semantics<core_parallel>, #tpu.dimension_semantics<subcore_parallel>], iteration_bounds = array<i64: 2, 16>, scalar_prefetch = 0 : i64, scratch_operands = 15 : i64, tpu.core_type = #tpu.core_type<sc_vector_subcore>, window_params = [{transform_indices = #map}, {transform_indices = #map}, {transform_indices = #map}, {transform_indices = #map}, {transform_indices = #map}, {transform_indices = #map}, {transform_indices = #map}, {transform_indices = #map}, {transform_indices = #map}]} {
    %mul3A = arith.constant 2 : i32
    %mul3A_0 = arith.muli %arg1, %mul3A : i32
    %add3A = arith.addi %mul3A_0, %arg0 : i32
    %mul3A_1 = arith.constant 200000 : i32
    %mul3A_2 = arith.muli %add3A, %mul3A_1 : i32
    "tpu.region"() ({
      %run_scoped3A = tpu.sem_alloc : memref<!tpu.dma_semaphore, #tpu.memory_space<semaphore_mem>>
      tpu.enqueue_dma source(%arg2 : memref<100000xf32, #tpu.memory_space<hbm>>) target(%arg11 : memref<100000xf32, #tpu.memory_space<vmem>>) target_semaphore(%run_scoped3A : memref<!tpu.dma_semaphore, #tpu.memory_space<semaphore_mem>>)
      tpu.wait_dma2 semaphore(%run_scoped3A : memref<!tpu.dma_semaphore, #tpu.memory_space<semaphore_mem>>) src(%arg2 : memref<100000xf32, #tpu.memory_space<hbm>>) dst(%arg11 : memref<100000xf32, #tpu.memory_space<vmem>>)
      tpu.yield
    }) : () -> ()
    %add3A_3 = arith.constant 0 : i32
    %add3A_4 = arith.addi %mul3A_2, %add3A_3 : i32
    %dma_start3A = tpu.memref_slice %arg5[%add3A_4] : memref<6400000xi32, #tpu.memory_space<hbm>> -> memref<2000xi32, #tpu.memory_space<hbm>>
    %dma_start3A_5 = tpu.memref_slice %arg5[%add3A_4] : memref<6400000xi32, #tpu.memory_space<hbm>> -> memref<2000xi32, #tpu.memory_space<hbm>>
    tpu.enqueue_dma source(%dma_start3A_5 : memref<2000xi32, #tpu.memory_space<hbm>>) target(%arg12 : memref<2000xi32, #tpu.memory_space<vmem>>) target_semaphore(%arg22 : memref<!tpu.dma_semaphore, #tpu.memory_space<semaphore_mem>>)
    %dma_start3A_6 = tpu.memref_slice %arg6[%add3A_4] : memref<6400000xi32, #tpu.memory_space<hbm>> -> memref<2000xi32, #tpu.memory_space<hbm>>
    %dma_start3A_7 = tpu.memref_slice %arg6[%add3A_4] : memref<6400000xi32, #tpu.memory_space<hbm>> -> memref<2000xi32, #tpu.memory_space<hbm>>
    tpu.enqueue_dma source(%dma_start3A_7 : memref<2000xi32, #tpu.memory_space<hbm>>) target(%arg13 : memref<2000xi32, #tpu.memory_space<vmem>>) target_semaphore(%arg22 : memref<!tpu.dma_semaphore, #tpu.memory_space<semaphore_mem>>)
    %dma_start3A_8 = tpu.memref_slice %arg7[%add3A_4] : memref<6400000xf32, #tpu.memory_space<hbm>> -> memref<2000xf32, #tpu.memory_space<hbm>>
    %dma_start3A_9 = tpu.memref_slice %arg7[%add3A_4] : memref<6400000xf32, #tpu.memory_space<hbm>> -> memref<2000xf32, #tpu.memory_space<hbm>>
    tpu.enqueue_dma source(%dma_start3A_9 : memref<2000xf32, #tpu.memory_space<hbm>>) target(%arg14 : memref<2000xf32, #tpu.memory_space<vmem>>) target_semaphore(%arg22 : memref<!tpu.dma_semaphore, #tpu.memory_space<semaphore_mem>>)
    %add3A_10 = arith.constant 2000 : i32
    %add3A_11 = arith.addi %mul3A_2, %add3A_10 : i32
    %dma_start3A_12 = tpu.memref_slice %arg5[%add3A_11] : memref<6400000xi32, #tpu.memory_space<hbm>> -> memref<2000xi32, #tpu.memory_space<hbm>>
    %dma_start3A_13 = tpu.memref_slice %arg5[%add3A_11] : memref<6400000xi32, #tpu.memory_space<hbm>> -> memref<2000xi32, #tpu.memory_space<hbm>>
    tpu.enqueue_dma source(%dma_start3A_13 : memref<2000xi32, #tpu.memory_space<hbm>>) target(%arg17 : memref<2000xi32, #tpu.memory_space<vmem>>) target_semaphore(%arg23 : memref<!tpu.dma_semaphore, #tpu.memory_space<semaphore_mem>>)
    %dma_start3A_14 = tpu.memref_slice %arg6[%add3A_11] : memref<6400000xi32, #tpu.memory_space<hbm>> -> memref<2000xi32, #tpu.memory_space<hbm>>
    %dma_start3A_15 = tpu.memref_slice %arg6[%add3A_11] : memref<6400000xi32, #tpu.memory_space<hbm>> -> memref<2000xi32, #tpu.memory_space<hbm>>
    tpu.enqueue_dma source(%dma_start3A_15 : memref<2000xi32, #tpu.memory_space<hbm>>) target(%arg18 : memref<2000xi32, #tpu.memory_space<vmem>>) target_semaphore(%arg23 : memref<!tpu.dma_semaphore, #tpu.memory_space<semaphore_mem>>)
    %dma_start3A_16 = tpu.memref_slice %arg7[%add3A_11] : memref<6400000xf32, #tpu.memory_space<hbm>> -> memref<2000xf32, #tpu.memory_space<hbm>>
    %dma_start3A_17 = tpu.memref_slice %arg7[%add3A_11] : memref<6400000xf32, #tpu.memory_space<hbm>> -> memref<2000xf32, #tpu.memory_space<hbm>>
    tpu.enqueue_dma source(%dma_start3A_17 : memref<2000xf32, #tpu.memory_space<hbm>>) target(%arg19 : memref<2000xf32, #tpu.memory_space<vmem>>) target_semaphore(%arg23 : memref<!tpu.dma_semaphore, #tpu.memory_space<semaphore_mem>>)
    %scan3A = arith.constant 0 : i32
    %scan3A_18 = arith.constant 0 : i32
    %scan3A_19 = arith.constant 50 : i32
    %scan3A_20 = arith.addi %scan3A_18, %scan3A_19 : i32
    %scan3A_21 = arith.constant 1 : i32
    scf.for %scan3A_130 = %scan3A_18 to %scan3A_20 step %scan3A_21  : i32 {
      %mul3A_131 = arith.constant 2 : i32
      %mul3A_132 = arith.muli %mul3A_131, %scan3A_130 : i32
      %add3A_133 = arith.constant 0 : i32
      %add3A_134 = arith.addi %mul3A_132, %add3A_133 : i32
      %dma_wait3A_135 = tpu.memref_slice %arg5[%mul3A_2] : memref<6400000xi32, #tpu.memory_space<hbm>> -> memref<2000xi32, #tpu.memory_space<hbm>>
      %dma_wait3A_136 = tpu.memref_slice %arg5[%mul3A_2] : memref<6400000xi32, #tpu.memory_space<hbm>> -> memref<2000xi32, #tpu.memory_space<hbm>>
      tpu.wait_dma2 semaphore(%arg22 : memref<!tpu.dma_semaphore, #tpu.memory_space<semaphore_mem>>) src(%dma_wait3A_136 : memref<2000xi32, #tpu.memory_space<hbm>>) dst(%arg12 : memref<2000xi32, #tpu.memory_space<vmem>>)
      %dma_wait3A_137 = tpu.memref_slice %arg6[%mul3A_2] : memref<6400000xi32, #tpu.memory_space<hbm>> -> memref<2000xi32, #tpu.memory_space<hbm>>
      %dma_wait3A_138 = tpu.memref_slice %arg6[%mul3A_2] : memref<6400000xi32, #tpu.memory_space<hbm>> -> memref<2000xi32, #tpu.memory_space<hbm>>
      tpu.wait_dma2 semaphore(%arg22 : memref<!tpu.dma_semaphore, #tpu.memory_space<semaphore_mem>>) src(%dma_wait3A_138 : memref<2000xi32, #tpu.memory_space<hbm>>) dst(%arg13 : memref<2000xi32, #tpu.memory_space<vmem>>)
      %dma_wait3A_139 = tpu.memref_slice %arg7[%mul3A_2] : memref<6400000xf32, #tpu.memory_space<hbm>> -> memref<2000xf32, #tpu.memory_space<hbm>>
      %dma_wait3A_140 = tpu.memref_slice %arg7[%mul3A_2] : memref<6400000xf32, #tpu.memory_space<hbm>> -> memref<2000xf32, #tpu.memory_space<hbm>>
      tpu.wait_dma2 semaphore(%arg22 : memref<!tpu.dma_semaphore, #tpu.memory_space<semaphore_mem>>) src(%dma_wait3A_140 : memref<2000xf32, #tpu.memory_space<hbm>>) dst(%arg14 : memref<2000xf32, #tpu.memory_space<vmem>>)
      %gt3A = arith.constant 0 : i32
      %gt3A_141 = arith.cmpi sgt, %scan3A_130, %gt3A : i32
      %convert_element_type3A = arith.extui %gt3A_141 : i1 to i32
      %cond3A = arith.constant 0 : i32
      %cond3A_142 = arith.cmpi ne, %convert_element_type3A, %cond3A : i32
      scf.if %cond3A_142 {
        %dma_wait3A_241 = tpu.memref_slice %arg10[%mul3A_2] : memref<6400000xf32, #tpu.memory_space<hbm>> -> memref<2000xf32, #tpu.memory_space<hbm>>
        %dma_wait3A_242 = tpu.memref_slice %arg10[%mul3A_2] : memref<6400000xf32, #tpu.memory_space<hbm>> -> memref<2000xf32, #tpu.memory_space<hbm>>
        tpu.wait_dma2 semaphore(%arg24 : memref<!tpu.dma_semaphore, #tpu.memory_space<semaphore_mem>>) src(%arg16 : memref<2000xf32, #tpu.memory_space<vmem>>) dst(%dma_wait3A_242 : memref<2000xf32, #tpu.memory_space<hbm>>)
      } else {
      }
      %scan3A_143 = arith.constant 0 : i32
      %scan3A_144 = arith.constant 0 : i32
      %scan3A_145 = arith.constant 124 : i32
      %scan3A_146 = arith.addi %scan3A_144, %scan3A_145 : i32
      %scan3A_147 = arith.constant 4 : i32
      scf.for %scan3A_241 = %scan3A_144 to %scan3A_146 step %scan3A_147  : i32 {
        %mul3A_242 = arith.constant 16 : i32
        %mul3A_243 = arith.muli %scan3A_241, %mul3A_242 : i32
        %get3A_244 = arith.index_cast %mul3A_243 : i32 to index
        %get3A_245 = tpu.vector_load %arg12[%get3A_244] {strides = array<i32>} : memref<2000xi32, #tpu.memory_space<vmem>>, vector<16xi32>,
        %gather3A_246 = tpu.vector_load_idx %arg11[%get3A_245] : memref<100000xf32, #tpu.memory_space<vmem>>[vector<16xi32>], vector<16xf32>,
        %get3A_247 = arith.index_cast %mul3A_243 : i32 to index
        %get3A_248 = tpu.vector_load %arg13[%get3A_247] {strides = array<i32>} : memref<2000xi32, #tpu.memory_space<vmem>>, vector<16xi32>,
        %gather3A_249 = tpu.vector_load_idx %arg11[%get3A_248] : memref<100000xf32, #tpu.memory_space<vmem>>[vector<16xi32>], vector<16xf32>,
        %sub3A_250 = arith.subf %gather3A_246, %gather3A_249 : vector<16xf32>
        %get3A_251 = arith.index_cast %mul3A_243 : i32 to index
        %get3A_252 = tpu.vector_load %arg14[%get3A_251] {strides = array<i32>} : memref<2000xf32, #tpu.memory_space<vmem>>, vector<16xf32>,
        %sub3A_253 = arith.subf %sub3A_250, %get3A_252 : vector<16xf32>
        %add3A_254 = arith.constant 1.000000e-15 : f32
        %add3A_255 = vector.broadcast %add3A_254 : f32 to vector<16xf32>
        %add3A_256 = arith.addf %sub3A_253, %add3A_255 : vector<16xf32>
        %mul3A_257 = arith.mulf %add3A_256, %add3A_256 : vector<16xf32>
        %swap3A_258 = arith.index_cast %mul3A_243 : i32 to index
        %swap3A_259 = tpu.vector_load %arg16[%swap3A_258] {strides = array<i32>} : memref<2000xf32, #tpu.memory_space<vmem>>, vector<16xf32>,
        tpu.vector_store %arg16[%swap3A_258], %mul3A_257 {strides = array<i32>} : memref<2000xf32, #tpu.memory_space<vmem>>, vector<16xf32>,
        %scan3A_260 = arith.constant 1 : i32
        %scan3A_261 = arith.addi %scan3A_241, %scan3A_260 : i32
        %mul3A_262 = arith.constant 16 : i32
        %mul3A_263 = arith.muli %scan3A_261, %mul3A_262 : i32
        %get3A_264 = arith.index_cast %mul3A_263 : i32 to index
        %get3A_265 = tpu.vector_load %arg12[%get3A_264] {strides = array<i32>} : memref<2000xi32, #tpu.memory_space<vmem>>, vector<16xi32>,
        %gather3A_266 = tpu.vector_load_idx %arg11[%get3A_265] : memref<100000xf32, #tpu.memory_space<vmem>>[vector<16xi32>], vector<16xf32>,
        %get3A_267 = arith.index_cast %mul3A_263 : i32 to index
        %get3A_268 = tpu.vector_load %arg13[%get3A_267] {strides = array<i32>} : memref<2000xi32, #tpu.memory_space<vmem>>, vector<16xi32>,
        %gather3A_269 = tpu.vector_load_idx %arg11[%get3A_268] : memref<100000xf32, #tpu.memory_space<vmem>>[vector<16xi32>], vector<16xf32>,
        %sub3A_270 = arith.subf %gather3A_266, %gather3A_269 : vector<16xf32>
        %get3A_271 = arith.index_cast %mul3A_263 : i32 to index
        %get3A_272 = tpu.vector_load %arg14[%get3A_271] {strides = array<i32>} : memref<2000xf32, #tpu.memory_space<vmem>>, vector<16xf32>,
        %sub3A_273 = arith.subf %sub3A_270, %get3A_272 : vector<16xf32>
        %add3A_274 = arith.constant 1.000000e-15 : f32
        %add3A_275 = vector.broadcast %add3A_274 : f32 to vector<16xf32>
        %add3A_276 = arith.addf %sub3A_273, %add3A_275 : vector<16xf32>
        %mul3A_277 = arith.mulf %add3A_276, %add3A_276 : vector<16xf32>
        %swap3A_278 = arith.index_cast %mul3A_263 : i32 to index
        %swap3A_279 = tpu.vector_load %arg16[%swap3A_278] {strides = array<i32>} : memref<2000xf32, #tpu.memory_space<vmem>>, vector<16xf32>,
        tpu.vector_store %arg16[%swap3A_278], %mul3A_277 {strides = array<i32>} : memref<2000xf32, #tpu.memory_space<vmem>>, vector<16xf32>,
        %scan3A_280 = arith.constant 2 : i32
        %scan3A_281 = arith.addi %scan3A_241, %scan3A_280 : i32
        %mul3A_282 = arith.constant 16 : i32
        %mul3A_283 = arith.muli %scan3A_281, %mul3A_282 : i32
        %get3A_284 = arith.index_cast %mul3A_283 : i32 to index
        %get3A_285 = tpu.vector_load %arg12[%get3A_284] {strides = array<i32>} : memref<2000xi32, #tpu.memory_space<vmem>>, vector<16xi32>,
        %gather3A_286 = tpu.vector_load_idx %arg11[%get3A_285] : memref<100000xf32, #tpu.memory_space<vmem>>[vector<16xi32>], vector<16xf32>,
        %get3A_287 = arith.index_cast %mul3A_283 : i32 to index
        %get3A_288 = tpu.vector_load %arg13[%get3A_287] {strides = array<i32>} : memref<2000xi32, #tpu.memory_space<vmem>>, vector<16xi32>,
        %gather3A_289 = tpu.vector_load_idx %arg11[%get3A_288] : memref<100000xf32, #tpu.memory_space<vmem>>[vector<16xi32>], vector<16xf32>,
        %sub3A_290 = arith.subf %gather3A_286, %gather3A_289 : vector<16xf32>
        %get3A_291 = arith.index_cast %mul3A_283 : i32 to index
        %get3A_292 = tpu.vector_load %arg14[%get3A_291] {strides = array<i32>} : memref<2000xf32, #tpu.memory_space<vmem>>, vector<16xf32>,
        %sub3A_293 = arith.subf %sub3A_290, %get3A_292 : vector<16xf32>
        %add3A_294 = arith.constant 1.000000e-15 : f32
        %add3A_295 = vector.broadcast %add3A_294 : f32 to vector<16xf32>
        %add3A_296 = arith.addf %sub3A_293, %add3A_295 : vector<16xf32>
        %mul3A_297 = arith.mulf %add3A_296, %add3A_296 : vector<16xf32>
        %swap3A_298 = arith.index_cast %mul3A_283 : i32 to index
        %swap3A_299 = tpu.vector_load %arg16[%swap3A_298] {strides = array<i32>} : memref<2000xf32, #tpu.memory_space<vmem>>, vector<16xf32>,
        tpu.vector_store %arg16[%swap3A_298], %mul3A_297 {strides = array<i32>} : memref<2000xf32, #tpu.memory_space<vmem>>, vector<16xf32>,
        %scan3A_300 = arith.constant 3 : i32
        %scan3A_301 = arith.addi %scan3A_241, %scan3A_300 : i32
        %mul3A_302 = arith.constant 16 : i32
        %mul3A_303 = arith.muli %scan3A_301, %mul3A_302 : i32
        %get3A_304 = arith.index_cast %mul3A_303 : i32 to index
        %get3A_305 = tpu.vector_load %arg12[%get3A_304] {strides = array<i32>} : memref<2000xi32, #tpu.memory_space<vmem>>, vector<16xi32>,
        %gather3A_306 = tpu.vector_load_idx %arg11[%get3A_305] : memref<100000xf32, #tpu.memory_space<vmem>>[vector<16xi32>], vector<16xf32>,
        %get3A_307 = arith.index_cast %mul3A_303 : i32 to index
        %get3A_308 = tpu.vector_load %arg13[%get3A_307] {strides = array<i32>} : memref<2000xi32, #tpu.memory_space<vmem>>, vector<16xi32>,
        %gather3A_309 = tpu.vector_load_idx %arg11[%get3A_308] : memref<100000xf32, #tpu.memory_space<vmem>>[vector<16xi32>], vector<16xf32>,
        %sub3A_310 = arith.subf %gather3A_306, %gather3A_309 : vector<16xf32>
        %get3A_311 = arith.index_cast %mul3A_303 : i32 to index
        %get3A_312 = tpu.vector_load %arg14[%get3A_311] {strides = array<i32>} : memref<2000xf32, #tpu.memory_space<vmem>>, vector<16xf32>,
        %sub3A_313 = arith.subf %sub3A_310, %get3A_312 : vector<16xf32>
        %add3A_314 = arith.constant 1.000000e-15 : f32
        %add3A_315 = vector.broadcast %add3A_314 : f32 to vector<16xf32>
        %add3A_316 = arith.addf %sub3A_313, %add3A_315 : vector<16xf32>
        %mul3A_317 = arith.mulf %add3A_316, %add3A_316 : vector<16xf32>
        %swap3A_318 = arith.index_cast %mul3A_303 : i32 to index
        %swap3A_319 = tpu.vector_load %arg16[%swap3A_318] {strides = array<i32>} : memref<2000xf32, #tpu.memory_space<vmem>>, vector<16xf32>,
        tpu.vector_store %arg16[%swap3A_318], %mul3A_317 {strides = array<i32>} : memref<2000xf32, #tpu.memory_space<vmem>>, vector<16xf32>,
      }
      %scan3A_148 = arith.constant 124 : i32
      %scan3A_149 = arith.addi %scan3A_144, %scan3A_148 : i32
      %mul3A_150 = arith.constant 16 : i32
      %mul3A_151 = arith.muli %scan3A_149, %mul3A_150 : i32
      %get3A = arith.index_cast %mul3A_151 : i32 to index
      %get3A_152 = tpu.vector_load %arg12[%get3A] {strides = array<i32>} : memref<2000xi32, #tpu.memory_space<vmem>>, vector<16xi32>,
      %gather3A = tpu.vector_load_idx %arg11[%get3A_152] : memref<100000xf32, #tpu.memory_space<vmem>>[vector<16xi32>], vector<16xf32>,
      %get3A_153 = arith.index_cast %mul3A_151 : i32 to index
      %get3A_154 = tpu.vector_load %arg13[%get3A_153] {strides = array<i32>} : memref<2000xi32, #tpu.memory_space<vmem>>, vector<16xi32>,
      %gather3A_155 = tpu.vector_load_idx %arg11[%get3A_154] : memref<100000xf32, #tpu.memory_space<vmem>>[vector<16xi32>], vector<16xf32>,
      %sub3A = arith.subf %gather3A, %gather3A_155 : vector<16xf32>
      %get3A_156 = arith.index_cast %mul3A_151 : i32 to index
      %get3A_157 = tpu.vector_load %arg14[%get3A_156] {strides = array<i32>} : memref<2000xf32, #tpu.memory_space<vmem>>, vector<16xf32>,
      %sub3A_158 = arith.subf %sub3A, %get3A_157 : vector<16xf32>
      %add3A_159 = arith.constant 1.000000e-15 : f32
      %add3A_160 = vector.broadcast %add3A_159 : f32 to vector<16xf32>
      %add3A_161 = arith.addf %sub3A_158, %add3A_160 : vector<16xf32>
      %mul3A_162 = arith.mulf %add3A_161, %add3A_161 : vector<16xf32>
      %swap3A = arith.index_cast %mul3A_151 : i32 to index
      %swap3A_163 = tpu.vector_load %arg16[%swap3A] {strides = array<i32>} : memref<2000xf32, #tpu.memory_space<vmem>>, vector<16xf32>,
      tpu.vector_store %arg16[%swap3A], %mul3A_162 {strides = array<i32>} : memref<2000xf32, #tpu.memory_space<vmem>>, vector<16xf32>,
      %scan3A_164 = arith.constant 125 : i32
      %mul3A_165 = arith.constant 2000 : i32
      %mul3A_166 = arith.muli %add3A_134, %mul3A_165 : i32
      %add3A_167 = arith.addi %mul3A_2, %mul3A_166 : i32
      %dma_start3A_168 = tpu.memref_slice %arg10[%add3A_167] : memref<6400000xf32, #tpu.memory_space<hbm>> -> memref<2000xf32, #tpu.memory_space<hbm>>
      %dma_start3A_169 = tpu.memref_slice %arg10[%add3A_167] : memref<6400000xf32, #tpu.memory_space<hbm>> -> memref<2000xf32, #tpu.memory_space<hbm>>
      tpu.enqueue_dma source(%arg16 : memref<2000xf32, #tpu.memory_space<vmem>>) target(%dma_start3A_169 : memref<2000xf32, #tpu.memory_space<hbm>>) target_semaphore(%arg24 : memref<!tpu.dma_semaphore, #tpu.memory_space<semaphore_mem>>)
      %add3A_170 = arith.constant 2 : i32
      %add3A_171 = arith.addi %add3A_134, %add3A_170 : i32
      %rem3A = arith.constant 100 : i32
      %rem3A_172 = arith.remsi %add3A_171, %rem3A : i32
      %mul3A_173 = arith.constant 2000 : i32
      %mul3A_174 = arith.muli %rem3A_172, %mul3A_173 : i32
      %add3A_175 = arith.addi %mul3A_2, %mul3A_174 : i32
      %dma_start3A_176 = tpu.memref_slice %arg5[%add3A_175] : memref<6400000xi32, #tpu.memory_space<hbm>> -> memref<2000xi32, #tpu.memory_space<hbm>>
      %dma_start3A_177 = tpu.memref_slice %arg5[%add3A_175] : memref<6400000xi32, #tpu.memory_space<hbm>> -> memref<2000xi32, #tpu.memory_space<hbm>>
      tpu.enqueue_dma source(%dma_start3A_177 : memref<2000xi32, #tpu.memory_space<hbm>>) target(%arg12 : memref<2000xi32, #tpu.memory_space<vmem>>) target_semaphore(%arg22 : memref<!tpu.dma_semaphore, #tpu.memory_space<semaphore_mem>>)
      %dma_start3A_178 = tpu.memref_slice %arg6[%add3A_175] : memref<6400000xi32, #tpu.memory_space<hbm>> -> memref<2000xi32, #tpu.memory_space<hbm>>
      %dma_start3A_179 = tpu.memref_slice %arg6[%add3A_175] : memref<6400000xi32, #tpu.memory_space<hbm>> -> memref<2000xi32, #tpu.memory_space<hbm>>
      tpu.enqueue_dma source(%dma_start3A_179 : memref<2000xi32, #tpu.memory_space<hbm>>) target(%arg13 : memref<2000xi32, #tpu.memory_space<vmem>>) target_semaphore(%arg22 : memref<!tpu.dma_semaphore, #tpu.memory_space<semaphore_mem>>)
      %dma_start3A_180 = tpu.memref_slice %arg7[%add3A_175] : memref<6400000xf32, #tpu.memory_space<hbm>> -> memref<2000xf32, #tpu.memory_space<hbm>>
      %dma_start3A_181 = tpu.memref_slice %arg7[%add3A_175] : memref<6400000xf32, #tpu.memory_space<hbm>> -> memref<2000xf32, #tpu.memory_space<hbm>>
      tpu.enqueue_dma source(%dma_start3A_181 : memref<2000xf32, #tpu.memory_space<hbm>>) target(%arg14 : memref<2000xf32, #tpu.memory_space<vmem>>) target_semaphore(%arg22 : memref<!tpu.dma_semaphore, #tpu.memory_space<semaphore_mem>>)
      %mul3A_182 = arith.constant 2 : i32
      %mul3A_183 = arith.muli %mul3A_182, %scan3A_130 : i32
      %add3A_184 = arith.constant 1 : i32
      %add3A_185 = arith.addi %mul3A_183, %add3A_184 : i32
      %dma_wait3A_186 = tpu.memref_slice %arg5[%mul3A_2] : memref<6400000xi32, #tpu.memory_space<hbm>> -> memref<2000xi32, #tpu.memory_space<hbm>>
      %dma_wait3A_187 = tpu.memref_slice %arg5[%mul3A_2] : memref<6400000xi32, #tpu.memory_space<hbm>> -> memref<2000xi32, #tpu.memory_space<hbm>>
      tpu.wait_dma2 semaphore(%arg23 : memref<!tpu.dma_semaphore, #tpu.memory_space<semaphore_mem>>) src(%dma_wait3A_187 : memref<2000xi32, #tpu.memory_space<hbm>>) dst(%arg17 : memref<2000xi32, #tpu.memory_space<vmem>>)
      %dma_wait3A_188 = tpu.memref_slice %arg6[%mul3A_2] : memref<6400000xi32, #tpu.memory_space<hbm>> -> memref<2000xi32, #tpu.memory_space<hbm>>
      %dma_wait3A_189 = tpu.memref_slice %arg6[%mul3A_2] : memref<6400000xi32, #tpu.memory_space<hbm>> -> memref<2000xi32, #tpu.memory_space<hbm>>
      tpu.wait_dma2 semaphore(%arg23 : memref<!tpu.dma_semaphore, #tpu.memory_space<semaphore_mem>>) src(%dma_wait3A_189 : memref<2000xi32, #tpu.memory_space<hbm>>) dst(%arg18 : memref<2000xi32, #tpu.memory_space<vmem>>)
      %dma_wait3A_190 = tpu.memref_slice %arg7[%mul3A_2] : memref<6400000xf32, #tpu.memory_space<hbm>> -> memref<2000xf32, #tpu.memory_space<hbm>>
      %dma_wait3A_191 = tpu.memref_slice %arg7[%mul3A_2] : memref<6400000xf32, #tpu.memory_space<hbm>> -> memref<2000xf32, #tpu.memory_space<hbm>>
      tpu.wait_dma2 semaphore(%arg23 : memref<!tpu.dma_semaphore, #tpu.memory_space<semaphore_mem>>) src(%dma_wait3A_191 : memref<2000xf32, #tpu.memory_space<hbm>>) dst(%arg19 : memref<2000xf32, #tpu.memory_space<vmem>>)
      %gt3A_192 = arith.constant 0 : i32
      %gt3A_193 = arith.cmpi sgt, %scan3A_130, %gt3A_192 : i32
      %convert_element_type3A_194 = arith.extui %gt3A_193 : i1 to i32
      %cond3A_195 = arith.constant 0 : i32
      %cond3A_196 = arith.cmpi ne, %convert_element_type3A_194, %cond3A_195 : i32
      scf.if %cond3A_196 {
        %dma_wait3A_241 = tpu.memref_slice %arg10[%mul3A_2] : memref<6400000xf32, #tpu.memory_space<hbm>> -> memref<2000xf32, #tpu.memory_space<hbm>>
        %dma_wait3A_242 = tpu.memref_slice %arg10[%mul3A_2] : memref<6400000xf32, #tpu.memory_space<hbm>> -> memref<2000xf32, #tpu.memory_space<hbm>>
        tpu.wait_dma2 semaphore(%arg25 : memref<!tpu.dma_semaphore, #tpu.memory_space<semaphore_mem>>) src(%arg21 : memref<2000xf32, #tpu.memory_space<vmem>>) dst(%dma_wait3A_242 : memref<2000xf32, #tpu.memory_space<hbm>>)
      } else {
      }
      %scan3A_197 = arith.constant 0 : i32
      %scan3A_198 = arith.constant 0 : i32
      %scan3A_199 = arith.constant 124 : i32
      %scan3A_200 = arith.addi %scan3A_198, %scan3A_199 : i32
      %scan3A_201 = arith.constant 4 : i32
      scf.for %scan3A_241 = %scan3A_198 to %scan3A_200 step %scan3A_201  : i32 {
        %mul3A_242 = arith.constant 16 : i32
        %mul3A_243 = arith.muli %scan3A_241, %mul3A_242 : i32
        %get3A_244 = arith.index_cast %mul3A_243 : i32 to index
        %get3A_245 = tpu.vector_load %arg17[%get3A_244] {strides = array<i32>} : memref<2000xi32, #tpu.memory_space<vmem>>, vector<16xi32>,
        %gather3A_246 = tpu.vector_load_idx %arg11[%get3A_245] : memref<100000xf32, #tpu.memory_space<vmem>>[vector<16xi32>], vector<16xf32>,
        %get3A_247 = arith.index_cast %mul3A_243 : i32 to index
        %get3A_248 = tpu.vector_load %arg18[%get3A_247] {strides = array<i32>} : memref<2000xi32, #tpu.memory_space<vmem>>, vector<16xi32>,
        %gather3A_249 = tpu.vector_load_idx %arg11[%get3A_248] : memref<100000xf32, #tpu.memory_space<vmem>>[vector<16xi32>], vector<16xf32>,
        %sub3A_250 = arith.subf %gather3A_246, %gather3A_249 : vector<16xf32>
        %get3A_251 = arith.index_cast %mul3A_243 : i32 to index
        %get3A_252 = tpu.vector_load %arg19[%get3A_251] {strides = array<i32>} : memref<2000xf32, #tpu.memory_space<vmem>>, vector<16xf32>,
        %sub3A_253 = arith.subf %sub3A_250, %get3A_252 : vector<16xf32>
        %add3A_254 = arith.constant 1.000000e-15 : f32
        %add3A_255 = vector.broadcast %add3A_254 : f32 to vector<16xf32>
        %add3A_256 = arith.addf %sub3A_253, %add3A_255 : vector<16xf32>
        %mul3A_257 = arith.mulf %add3A_256, %add3A_256 : vector<16xf32>
        %swap3A_258 = arith.index_cast %mul3A_243 : i32 to index
        %swap3A_259 = tpu.vector_load %arg21[%swap3A_258] {strides = array<i32>} : memref<2000xf32, #tpu.memory_space<vmem>>, vector<16xf32>,
        tpu.vector_store %arg21[%swap3A_258], %mul3A_257 {strides = array<i32>} : memref<2000xf32, #tpu.memory_space<vmem>>, vector<16xf32>,
        %scan3A_260 = arith.constant 1 : i32
        %scan3A_261 = arith.addi %scan3A_241, %scan3A_260 : i32
        %mul3A_262 = arith.constant 16 : i32
        %mul3A_263 = arith.muli %scan3A_261, %mul3A_262 : i32
        %get3A_264 = arith.index_cast %mul3A_263 : i32 to index
        %get3A_265 = tpu.vector_load %arg17[%get3A_264] {strides = array<i32>} : memref<2000xi32, #tpu.memory_space<vmem>>, vector<16xi32>,
        %gather3A_266 = tpu.vector_load_idx %arg11[%get3A_265] : memref<100000xf32, #tpu.memory_space<vmem>>[vector<16xi32>], vector<16xf32>,
        %get3A_267 = arith.index_cast %mul3A_263 : i32 to index
        %get3A_268 = tpu.vector_load %arg18[%get3A_267] {strides = array<i32>} : memref<2000xi32, #tpu.memory_space<vmem>>, vector<16xi32>,
        %gather3A_269 = tpu.vector_load_idx %arg11[%get3A_268] : memref<100000xf32, #tpu.memory_space<vmem>>[vector<16xi32>], vector<16xf32>,
        %sub3A_270 = arith.subf %gather3A_266, %gather3A_269 : vector<16xf32>
        %get3A_271 = arith.index_cast %mul3A_263 : i32 to index
        %get3A_272 = tpu.vector_load %arg19[%get3A_271] {strides = array<i32>} : memref<2000xf32, #tpu.memory_space<vmem>>, vector<16xf32>,
        %sub3A_273 = arith.subf %sub3A_270, %get3A_272 : vector<16xf32>
        %add3A_274 = arith.constant 1.000000e-15 : f32
        %add3A_275 = vector.broadcast %add3A_274 : f32 to vector<16xf32>
        %add3A_276 = arith.addf %sub3A_273, %add3A_275 : vector<16xf32>
        %mul3A_277 = arith.mulf %add3A_276, %add3A_276 : vector<16xf32>
        %swap3A_278 = arith.index_cast %mul3A_263 : i32 to index
        %swap3A_279 = tpu.vector_load %arg21[%swap3A_278] {strides = array<i32>} : memref<2000xf32, #tpu.memory_space<vmem>>, vector<16xf32>,
        tpu.vector_store %arg21[%swap3A_278], %mul3A_277 {strides = array<i32>} : memref<2000xf32, #tpu.memory_space<vmem>>, vector<16xf32>,
        %scan3A_280 = arith.constant 2 : i32
        %scan3A_281 = arith.addi %scan3A_241, %scan3A_280 : i32
        %mul3A_282 = arith.constant 16 : i32
        %mul3A_283 = arith.muli %scan3A_281, %mul3A_282 : i32
        %get3A_284 = arith.index_cast %mul3A_283 : i32 to index
        %get3A_285 = tpu.vector_load %arg17[%get3A_284] {strides = array<i32>} : memref<2000xi32, #tpu.memory_space<vmem>>, vector<16xi32>,
        %gather3A_286 = tpu.vector_load_idx %arg11[%get3A_285] : memref<100000xf32, #tpu.memory_space<vmem>>[vector<16xi32>], vector<16xf32>,
        %get3A_287 = arith.index_cast %mul3A_283 : i32 to index
        %get3A_288 = tpu.vector_load %arg18[%get3A_287] {strides = array<i32>} : memref<2000xi32, #tpu.memory_space<vmem>>, vector<16xi32>,
        %gather3A_289 = tpu.vector_load_idx %arg11[%get3A_288] : memref<100000xf32, #tpu.memory_space<vmem>>[vector<16xi32>], vector<16xf32>,
        %sub3A_290 = arith.subf %gather3A_286, %gather3A_289 : vector<16xf32>
        %get3A_291 = arith.index_cast %mul3A_283 : i32 to index
        %get3A_292 = tpu.vector_load %arg19[%get3A_291] {strides = array<i32>} : memref<2000xf32, #tpu.memory_space<vmem>>, vector<16xf32>,
        %sub3A_293 = arith.subf %sub3A_290, %get3A_292 : vector<16xf32>
        %add3A_294 = arith.constant 1.000000e-15 : f32
        %add3A_295 = vector.broadcast %add3A_294 : f32 to vector<16xf32>
        %add3A_296 = arith.addf %sub3A_293, %add3A_295 : vector<16xf32>
        %mul3A_297 = arith.mulf %add3A_296, %add3A_296 : vector<16xf32>
        %swap3A_298 = arith.index_cast %mul3A_283 : i32 to index
        %swap3A_299 = tpu.vector_load %arg21[%swap3A_298] {strides = array<i32>} : memref<2000xf32, #tpu.memory_space<vmem>>, vector<16xf32>,
        tpu.vector_store %arg21[%swap3A_298], %mul3A_297 {strides = array<i32>} : memref<2000xf32, #tpu.memory_space<vmem>>, vector<16xf32>,
        %scan3A_300 = arith.constant 3 : i32
        %scan3A_301 = arith.addi %scan3A_241, %scan3A_300 : i32
        %mul3A_302 = arith.constant 16 : i32
        %mul3A_303 = arith.muli %scan3A_301, %mul3A_302 : i32
        %get3A_304 = arith.index_cast %mul3A_303 : i32 to index
        %get3A_305 = tpu.vector_load %arg17[%get3A_304] {strides = array<i32>} : memref<2000xi32, #tpu.memory_space<vmem>>, vector<16xi32>,
        %gather3A_306 = tpu.vector_load_idx %arg11[%get3A_305] : memref<100000xf32, #tpu.memory_space<vmem>>[vector<16xi32>], vector<16xf32>,
        %get3A_307 = arith.index_cast %mul3A_303 : i32 to index
        %get3A_308 = tpu.vector_load %arg18[%get3A_307] {strides = array<i32>} : memref<2000xi32, #tpu.memory_space<vmem>>, vector<16xi32>,
        %gather3A_309 = tpu.vector_load_idx %arg11[%get3A_308] : memref<100000xf32, #tpu.memory_space<vmem>>[vector<16xi32>], vector<16xf32>,
        %sub3A_310 = arith.subf %gather3A_306, %gather3A_309 : vector<16xf32>
        %get3A_311 = arith.index_cast %mul3A_303 : i32 to index
        %get3A_312 = tpu.vector_load %arg19[%get3A_311] {strides = array<i32>} : memref<2000xf32, #tpu.memory_space<vmem>>, vector<16xf32>,
        %sub3A_313 = arith.subf %sub3A_310, %get3A_312 : vector<16xf32>
        %add3A_314 = arith.constant 1.000000e-15 : f32
        %add3A_315 = vector.broadcast %add3A_314 : f32 to vector<16xf32>
        %add3A_316 = arith.addf %sub3A_313, %add3A_315 : vector<16xf32>
        %mul3A_317 = arith.mulf %add3A_316, %add3A_316 : vector<16xf32>
        %swap3A_318 = arith.index_cast %mul3A_303 : i32 to index
        %swap3A_319 = tpu.vector_load %arg21[%swap3A_318] {strides = array<i32>} : memref<2000xf32, #tpu.memory_space<vmem>>, vector<16xf32>,
        tpu.vector_store %arg21[%swap3A_318], %mul3A_317 {strides = array<i32>} : memref<2000xf32, #tpu.memory_space<vmem>>, vector<16xf32>,
      }
      %scan3A_202 = arith.constant 124 : i32
      %scan3A_203 = arith.addi %scan3A_198, %scan3A_202 : i32
      %mul3A_204 = arith.constant 16 : i32
      %mul3A_205 = arith.muli %scan3A_203, %mul3A_204 : i32
      %get3A_206 = arith.index_cast %mul3A_205 : i32 to index
      %get3A_207 = tpu.vector_load %arg17[%get3A_206] {strides = array<i32>} : memref<2000xi32, #tpu.memory_space<vmem>>, vector<16xi32>,
      %gather3A_208 = tpu.vector_load_idx %arg11[%get3A_207] : memref<100000xf32, #tpu.memory_space<vmem>>[vector<16xi32>], vector<16xf32>,
      %get3A_209 = arith.index_cast %mul3A_205 : i32 to index
      %get3A_210 = tpu.vector_load %arg18[%get3A_209] {strides = array<i32>} : memref<2000xi32, #tpu.memory_space<vmem>>, vector<16xi32>,
      %gather3A_211 = tpu.vector_load_idx %arg11[%get3A_210] : memref<100000xf32, #tpu.memory_space<vmem>>[vector<16xi32>], vector<16xf32>,
      %sub3A_212 = arith.subf %gather3A_208, %gather3A_211 : vector<16xf32>
      %get3A_213 = arith.index_cast %mul3A_205 : i32 to index
      %get3A_214 = tpu.vector_load %arg19[%get3A_213] {strides = array<i32>} : memref<2000xf32, #tpu.memory_space<vmem>>, vector<16xf32>,
      %sub3A_215 = arith.subf %sub3A_212, %get3A_214 : vector<16xf32>
      %add3A_216 = arith.constant 1.000000e-15 : f32
      %add3A_217 = vector.broadcast %add3A_216 : f32 to vector<16xf32>
      %add3A_218 = arith.addf %sub3A_215, %add3A_217 : vector<16xf32>
      %mul3A_219 = arith.mulf %add3A_218, %add3A_218 : vector<16xf32>
      %swap3A_220 = arith.index_cast %mul3A_205 : i32 to index
      %swap3A_221 = tpu.vector_load %arg21[%swap3A_220] {strides = array<i32>} : memref<2000xf32, #tpu.memory_space<vmem>>, vector<16xf32>,
      tpu.vector_store %arg21[%swap3A_220], %mul3A_219 {strides = array<i32>} : memref<2000xf32, #tpu.memory_space<vmem>>, vector<16xf32>,
      %scan3A_222 = arith.constant 125 : i32
      %mul3A_223 = arith.constant 2000 : i32
      %mul3A_224 = arith.muli %add3A_185, %mul3A_223 : i32
      %add3A_225 = arith.addi %mul3A_2, %mul3A_224 : i32
      %dma_start3A_226 = tpu.memref_slice %arg10[%add3A_225] : memref<6400000xf32, #tpu.memory_space<hbm>> -> memref<2000xf32, #tpu.memory_space<hbm>>
      %dma_start3A_227 = tpu.memref_slice %arg10[%add3A_225] : memref<6400000xf32, #tpu.memory_space<hbm>> -> memref<2000xf32, #tpu.memory_space<hbm>>
      tpu.enqueue_dma source(%arg21 : memref<2000xf32, #tpu.memory_space<vmem>>) target(%dma_start3A_227 : memref<2000xf32, #tpu.memory_space<hbm>>) target_semaphore(%arg25 : memref<!tpu.dma_semaphore, #tpu.memory_space<semaphore_mem>>)
      %add3A_228 = arith.constant 2 : i32
      %add3A_229 = arith.addi %add3A_185, %add3A_228 : i32
      %rem3A_230 = arith.constant 100 : i32
      %rem3A_231 = arith.remsi %add3A_229, %rem3A_230 : i32
      %mul3A_232 = arith.constant 2000 : i32
      %mul3A_233 = arith.muli %rem3A_231, %mul3A_232 : i32
      %add3A_234 = arith.addi %mul3A_2, %mul3A_233 : i32
      %dma_start3A_235 = tpu.memref_slice %arg5[%add3A_234] : memref<6400000xi32, #tpu.memory_space<hbm>> -> memref<2000xi32, #tpu.memory_space<hbm>>
      %dma_start3A_236 = tpu.memref_slice %arg5[%add3A_234] : memref<6400000xi32, #tpu.memory_space<hbm>> -> memref<2000xi32, #tpu.memory_space<hbm>>
      tpu.enqueue_dma source(%dma_start3A_236 : memref<2000xi32, #tpu.memory_space<hbm>>) target(%arg17 : memref<2000xi32, #tpu.memory_space<vmem>>) target_semaphore(%arg23 : memref<!tpu.dma_semaphore, #tpu.memory_space<semaphore_mem>>)
      %dma_start3A_237 = tpu.memref_slice %arg6[%add3A_234] : memref<6400000xi32, #tpu.memory_space<hbm>> -> memref<2000xi32, #tpu.memory_space<hbm>>
      %dma_start3A_238 = tpu.memref_slice %arg6[%add3A_234] : memref<6400000xi32, #tpu.memory_space<hbm>> -> memref<2000xi32, #tpu.memory_space<hbm>>
      tpu.enqueue_dma source(%dma_start3A_238 : memref<2000xi32, #tpu.memory_space<hbm>>) target(%arg18 : memref<2000xi32, #tpu.memory_space<vmem>>) target_semaphore(%arg23 : memref<!tpu.dma_semaphore, #tpu.memory_space<semaphore_mem>>)
      %dma_start3A_239 = tpu.memref_slice %arg7[%add3A_234] : memref<6400000xf32, #tpu.memory_space<hbm>> -> memref<2000xf32, #tpu.memory_space<hbm>>
      %dma_start3A_240 = tpu.memref_slice %arg7[%add3A_234] : memref<6400000xf32, #tpu.memory_space<hbm>> -> memref<2000xf32, #tpu.memory_space<hbm>>
      tpu.enqueue_dma source(%dma_start3A_240 : memref<2000xf32, #tpu.memory_space<hbm>>) target(%arg19 : memref<2000xf32, #tpu.memory_space<vmem>>) target_semaphore(%arg23 : memref<!tpu.dma_semaphore, #tpu.memory_space<semaphore_mem>>)
    }
    %scan3A_22 = arith.constant 50 : i32
    %dma_wait3A = tpu.memref_slice %arg5[%mul3A_2] : memref<6400000xi32, #tpu.memory_space<hbm>> -> memref<2000xi32, #tpu.memory_space<hbm>>
    %dma_wait3A_23 = tpu.memref_slice %arg5[%mul3A_2] : memref<6400000xi32, #tpu.memory_space<hbm>> -> memref<2000xi32, #tpu.memory_space<hbm>>
    tpu.wait_dma2 semaphore(%arg22 : memref<!tpu.dma_semaphore, #tpu.memory_space<semaphore_mem>>) src(%dma_wait3A_23 : memref<2000xi32, #tpu.memory_space<hbm>>) dst(%arg12 : memref<2000xi32, #tpu.memory_space<vmem>>)
    %dma_wait3A_24 = tpu.memref_slice %arg6[%mul3A_2] : memref<6400000xi32, #tpu.memory_space<hbm>> -> memref<2000xi32, #tpu.memory_space<hbm>>
    %dma_wait3A_25 = tpu.memref_slice %arg6[%mul3A_2] : memref<6400000xi32, #tpu.memory_space<hbm>> -> memref<2000xi32, #tpu.memory_space<hbm>>
    tpu.wait_dma2 semaphore(%arg22 : memref<!tpu.dma_semaphore, #tpu.memory_space<semaphore_mem>>) src(%dma_wait3A_25 : memref<2000xi32, #tpu.memory_space<hbm>>) dst(%arg13 : memref<2000xi32, #tpu.memory_space<vmem>>)
    %dma_wait3A_26 = tpu.memref_slice %arg7[%mul3A_2] : memref<6400000xf32, #tpu.memory_space<hbm>> -> memref<2000xf32, #tpu.memory_space<hbm>>
    %dma_wait3A_27 = tpu.memref_slice %arg7[%mul3A_2] : memref<6400000xf32, #tpu.memory_space<hbm>> -> memref<2000xf32, #tpu.memory_space<hbm>>
    tpu.wait_dma2 semaphore(%arg22 : memref<!tpu.dma_semaphore, #tpu.memory_space<semaphore_mem>>) src(%dma_wait3A_27 : memref<2000xf32, #tpu.memory_space<hbm>>) dst(%arg14 : memref<2000xf32, #tpu.memory_space<vmem>>)
    %dma_wait3A_28 = tpu.memref_slice %arg5[%mul3A_2] : memref<6400000xi32, #tpu.memory_space<hbm>> -> memref<2000xi32, #tpu.memory_space<hbm>>
    %dma_wait3A_29 = tpu.memref_slice %arg5[%mul3A_2] : memref<6400000xi32, #tpu.memory_space<hbm>> -> memref<2000xi32, #tpu.memory_space<hbm>>
    tpu.wait_dma2 semaphore(%arg23 : memref<!tpu.dma_semaphore, #tpu.memory_space<semaphore_mem>>) src(%dma_wait3A_29 : memref<2000xi32, #tpu.memory_space<hbm>>) dst(%arg17 : memref<2000xi32, #tpu.memory_space<vmem>>)
    %dma_wait3A_30 = tpu.memref_slice %arg6[%mul3A_2] : memref<6400000xi32, #tpu.memory_space<hbm>> -> memref<2000xi32, #tpu.memory_space<hbm>>
    %dma_wait3A_31 = tpu.memref_slice %arg6[%mul3A_2] : memref<6400000xi32, #tpu.memory_space<hbm>> -> memref<2000xi32, #tpu.memory_space<hbm>>
    tpu.wait_dma2 semaphore(%arg23 : memref<!tpu.dma_semaphore, #tpu.memory_space<semaphore_mem>>) src(%dma_wait3A_31 : memref<2000xi32, #tpu.memory_space<hbm>>) dst(%arg18 : memref<2000xi32, #tpu.memory_space<vmem>>)
    %dma_wait3A_32 = tpu.memref_slice %arg7[%mul3A_2] : memref<6400000xf32, #tpu.memory_space<hbm>> -> memref<2000xf32, #tpu.memory_space<hbm>>
    %dma_wait3A_33 = tpu.memref_slice %arg7[%mul3A_2] : memref<6400000xf32, #tpu.memory_space<hbm>> -> memref<2000xf32, #tpu.memory_space<hbm>>
    tpu.wait_dma2 semaphore(%arg23 : memref<!tpu.dma_semaphore, #tpu.memory_space<semaphore_mem>>) src(%dma_wait3A_33 : memref<2000xf32, #tpu.memory_space<hbm>>) dst(%arg19 : memref<2000xf32, #tpu.memory_space<vmem>>)
    %dma_wait3A_34 = tpu.memref_slice %arg10[%mul3A_2] : memref<6400000xf32, #tpu.memory_space<hbm>> -> memref<2000xf32, #tpu.memory_space<hbm>>
    %dma_wait3A_35 = tpu.memref_slice %arg10[%mul3A_2] : memref<6400000xf32, #tpu.memory_space<hbm>> -> memref<2000xf32, #tpu.memory_space<hbm>>
    tpu.wait_dma2 semaphore(%arg24 : memref<!tpu.dma_semaphore, #tpu.memory_space<semaphore_mem>>) src(%arg16 : memref<2000xf32, #tpu.memory_space<vmem>>) dst(%dma_wait3A_35 : memref<2000xf32, #tpu.memory_space<hbm>>)
    %dma_wait3A_36 = tpu.memref_slice %arg10[%mul3A_2] : memref<6400000xf32, #tpu.memory_space<hbm>> -> memref<2000xf32, #tpu.memory_space<hbm>>
    %dma_wait3A_37 = tpu.memref_slice %arg10[%mul3A_2] : memref<6400000xf32, #tpu.memory_space<hbm>> -> memref<2000xf32, #tpu.memory_space<hbm>>
    tpu.wait_dma2 semaphore(%arg25 : memref<!tpu.dma_semaphore, #tpu.memory_space<semaphore_mem>>) src(%arg21 : memref<2000xf32, #tpu.memory_space<vmem>>) dst(%dma_wait3A_37 : memref<2000xf32, #tpu.memory_space<hbm>>)
    "tpu.region"() ({
      %run_scoped3A = tpu.sem_alloc : memref<!tpu.dma_semaphore, #tpu.memory_space<semaphore_mem>>
      tpu.enqueue_dma source(%arg3 : memref<100000xf32, #tpu.memory_space<hbm>>) target(%arg11 : memref<100000xf32, #tpu.memory_space<vmem>>) target_semaphore(%run_scoped3A : memref<!tpu.dma_semaphore, #tpu.memory_space<semaphore_mem>>)
      tpu.wait_dma2 semaphore(%run_scoped3A : memref<!tpu.dma_semaphore, #tpu.memory_space<semaphore_mem>>) src(%arg3 : memref<100000xf32, #tpu.memory_space<hbm>>) dst(%arg11 : memref<100000xf32, #tpu.memory_space<vmem>>)
      tpu.yield
    }) : () -> ()
    %add3A_38 = arith.constant 0 : i32
    %add3A_39 = arith.addi %mul3A_2, %add3A_38 : i32
    %dma_start3A_40 = tpu.memref_slice %arg5[%add3A_39] : memref<6400000xi32, #tpu.memory_space<hbm>> -> memref<2000xi32, #tpu.memory_space<hbm>>
    %dma_start3A_41 = tpu.memref_slice %arg5[%add3A_39] : memref<6400000xi32, #tpu.memory_space<hbm>> -> memref<2000xi32, #tpu.memory_space<hbm>>
    tpu.enqueue_dma source(%dma_start3A_41 : memref<2000xi32, #tpu.memory_space<hbm>>) target(%arg12 : memref<2000xi32, #tpu.memory_space<vmem>>) target_semaphore(%arg22 : memref<!tpu.dma_semaphore, #tpu.memory_space<semaphore_mem>>)
    %dma_start3A_42 = tpu.memref_slice %arg6[%add3A_39] : memref<6400000xi32, #tpu.memory_space<hbm>> -> memref<2000xi32, #tpu.memory_space<hbm>>
    %dma_start3A_43 = tpu.memref_slice %arg6[%add3A_39] : memref<6400000xi32, #tpu.memory_space<hbm>> -> memref<2000xi32, #tpu.memory_space<hbm>>
    tpu.enqueue_dma source(%dma_start3A_43 : memref<2000xi32, #tpu.memory_space<hbm>>) target(%arg13 : memref<2000xi32, #tpu.memory_space<vmem>>) target_semaphore(%arg22 : memref<!tpu.dma_semaphore, #tpu.memory_space<semaphore_mem>>)
    %dma_start3A_44 = tpu.memref_slice %arg8[%add3A_39] : memref<6400000xf32, #tpu.memory_space<hbm>> -> memref<2000xf32, #tpu.memory_space<hbm>>
    %dma_start3A_45 = tpu.memref_slice %arg8[%add3A_39] : memref<6400000xf32, #tpu.memory_space<hbm>> -> memref<2000xf32, #tpu.memory_space<hbm>>
    tpu.enqueue_dma source(%dma_start3A_45 : memref<2000xf32, #tpu.memory_space<hbm>>) target(%arg14 : memref<2000xf32, #tpu.memory_space<vmem>>) target_semaphore(%arg22 : memref<!tpu.dma_semaphore, #tpu.memory_space<semaphore_mem>>)
    %dma_start3A_46 = tpu.memref_slice %arg10[%add3A_39] : memref<6400000xf32, #tpu.memory_space<hbm>> -> memref<2000xf32, #tpu.memory_space<hbm>>
    %dma_start3A_47 = tpu.memref_slice %arg10[%add3A_39] : memref<6400000xf32, #tpu.memory_space<hbm>> -> memref<2000xf32, #tpu.memory_space<hbm>>
    tpu.enqueue_dma source(%dma_start3A_47 : memref<2000xf32, #tpu.memory_space<hbm>>) target(%arg15 : memref<2000xf32, #tpu.memory_space<vmem>>) target_semaphore(%arg22 : memref<!tpu.dma_semaphore, #tpu.memory_space<semaphore_mem>>)
    %add3A_48 = arith.constant 2000 : i32
    %add3A_49 = arith.addi %mul3A_2, %add3A_48 : i32
    %dma_start3A_50 = tpu.memref_slice %arg5[%add3A_49] : memref<6400000xi32, #tpu.memory_space<hbm>> -> memref<2000xi32, #tpu.memory_space<hbm>>
    %dma_start3A_51 = tpu.memref_slice %arg5[%add3A_49] : memref<6400000xi32, #tpu.memory_space<hbm>> -> memref<2000xi32, #tpu.memory_space<hbm>>
    tpu.enqueue_dma source(%dma_start3A_51 : memref<2000xi32, #tpu.memory_space<hbm>>) target(%arg17 : memref<2000xi32, #tpu.memory_space<vmem>>) target_semaphore(%arg23 : memref<!tpu.dma_semaphore, #tpu.memory_space<semaphore_mem>>)
    %dma_start3A_52 = tpu.memref_slice %arg6[%add3A_49] : memref<6400000xi32, #tpu.memory_space<hbm>> -> memref<2000xi32, #tpu.memory_space<hbm>>
    %dma_start3A_53 = tpu.memref_slice %arg6[%add3A_49] : memref<6400000xi32, #tpu.memory_space<hbm>> -> memref<2000xi32, #tpu.memory_space<hbm>>
    tpu.enqueue_dma source(%dma_start3A_53 : memref<2000xi32, #tpu.memory_space<hbm>>) target(%arg18 : memref<2000xi32, #tpu.memory_space<vmem>>) target_semaphore(%arg23 : memref<!tpu.dma_semaphore, #tpu.memory_space<semaphore_mem>>)
    %dma_start3A_54 = tpu.memref_slice %arg8[%add3A_49] : memref<6400000xf32, #tpu.memory_space<hbm>> -> memref<2000xf32, #tpu.memory_space<hbm>>
    %dma_start3A_55 = tpu.memref_slice %arg8[%add3A_49] : memref<6400000xf32, #tpu.memory_space<hbm>> -> memref<2000xf32, #tpu.memory_space<hbm>>
    tpu.enqueue_dma source(%dma_start3A_55 : memref<2000xf32, #tpu.memory_space<hbm>>) target(%arg19 : memref<2000xf32, #tpu.memory_space<vmem>>) target_semaphore(%arg23 : memref<!tpu.dma_semaphore, #tpu.memory_space<semaphore_mem>>)
    %dma_start3A_56 = tpu.memref_slice %arg10[%add3A_49] : memref<6400000xf32, #tpu.memory_space<hbm>> -> memref<2000xf32, #tpu.memory_space<hbm>>
    %dma_start3A_57 = tpu.memref_slice %arg10[%add3A_49] : memref<6400000xf32, #tpu.memory_space<hbm>> -> memref<2000xf32, #tpu.memory_space<hbm>>
    tpu.enqueue_dma source(%dma_start3A_57 : memref<2000xf32, #tpu.memory_space<hbm>>) target(%arg20 : memref<2000xf32, #tpu.memory_space<vmem>>) target_semaphore(%arg23 : memref<!tpu.dma_semaphore, #tpu.memory_space<semaphore_mem>>)
    %scan3A_58 = arith.constant 0 : i32
    %scan3A_59 = arith.constant 0 : i32
    %scan3A_60 = arith.constant 50 : i32
    %scan3A_61 = arith.addi %scan3A_59, %scan3A_60 : i32
    %scan3A_62 = arith.constant 1 : i32
    scf.for %scan3A_130 = %scan3A_59 to %scan3A_61 step %scan3A_62  : i32 {
      %mul3A_131 = arith.constant 2 : i32
      %mul3A_132 = arith.muli %mul3A_131, %scan3A_130 : i32
      %add3A_133 = arith.constant 0 : i32
      %add3A_134 = arith.addi %mul3A_132, %add3A_133 : i32
      %dma_wait3A_135 = tpu.memref_slice %arg5[%mul3A_2] : memref<6400000xi32, #tpu.memory_space<hbm>> -> memref<2000xi32, #tpu.memory_space<hbm>>
      %dma_wait3A_136 = tpu.memref_slice %arg5[%mul3A_2] : memref<6400000xi32, #tpu.memory_space<hbm>> -> memref<2000xi32, #tpu.memory_space<hbm>>
      tpu.wait_dma2 semaphore(%arg22 : memref<!tpu.dma_semaphore, #tpu.memory_space<semaphore_mem>>) src(%dma_wait3A_136 : memref<2000xi32, #tpu.memory_space<hbm>>) dst(%arg12 : memref<2000xi32, #tpu.memory_space<vmem>>)
      %dma_wait3A_137 = tpu.memref_slice %arg6[%mul3A_2] : memref<6400000xi32, #tpu.memory_space<hbm>> -> memref<2000xi32, #tpu.memory_space<hbm>>
      %dma_wait3A_138 = tpu.memref_slice %arg6[%mul3A_2] : memref<6400000xi32, #tpu.memory_space<hbm>> -> memref<2000xi32, #tpu.memory_space<hbm>>
      tpu.wait_dma2 semaphore(%arg22 : memref<!tpu.dma_semaphore, #tpu.memory_space<semaphore_mem>>) src(%dma_wait3A_138 : memref<2000xi32, #tpu.memory_space<hbm>>) dst(%arg13 : memref<2000xi32, #tpu.memory_space<vmem>>)
      %dma_wait3A_139 = tpu.memref_slice %arg8[%mul3A_2] : memref<6400000xf32, #tpu.memory_space<hbm>> -> memref<2000xf32, #tpu.memory_space<hbm>>
      %dma_wait3A_140 = tpu.memref_slice %arg8[%mul3A_2] : memref<6400000xf32, #tpu.memory_space<hbm>> -> memref<2000xf32, #tpu.memory_space<hbm>>
      tpu.wait_dma2 semaphore(%arg22 : memref<!tpu.dma_semaphore, #tpu.memory_space<semaphore_mem>>) src(%dma_wait3A_140 : memref<2000xf32, #tpu.memory_space<hbm>>) dst(%arg14 : memref<2000xf32, #tpu.memory_space<vmem>>)
      %dma_wait3A_141 = tpu.memref_slice %arg10[%mul3A_2] : memref<6400000xf32, #tpu.memory_space<hbm>> -> memref<2000xf32, #tpu.memory_space<hbm>>
      %dma_wait3A_142 = tpu.memref_slice %arg10[%mul3A_2] : memref<6400000xf32, #tpu.memory_space<hbm>> -> memref<2000xf32, #tpu.memory_space<hbm>>
      tpu.wait_dma2 semaphore(%arg22 : memref<!tpu.dma_semaphore, #tpu.memory_space<semaphore_mem>>) src(%dma_wait3A_142 : memref<2000xf32, #tpu.memory_space<hbm>>) dst(%arg15 : memref<2000xf32, #tpu.memory_space<vmem>>)
      %gt3A = arith.constant 0 : i32
      %gt3A_143 = arith.cmpi sgt, %scan3A_130, %gt3A : i32
      %convert_element_type3A = arith.extui %gt3A_143 : i1 to i32
      %cond3A = arith.constant 0 : i32
      %cond3A_144 = arith.cmpi ne, %convert_element_type3A, %cond3A : i32
      scf.if %cond3A_144 {
        %dma_wait3A_255 = tpu.memref_slice %arg10[%mul3A_2] : memref<6400000xf32, #tpu.memory_space<hbm>> -> memref<2000xf32, #tpu.memory_space<hbm>>
        %dma_wait3A_256 = tpu.memref_slice %arg10[%mul3A_2] : memref<6400000xf32, #tpu.memory_space<hbm>> -> memref<2000xf32, #tpu.memory_space<hbm>>
        tpu.wait_dma2 semaphore(%arg24 : memref<!tpu.dma_semaphore, #tpu.memory_space<semaphore_mem>>) src(%arg16 : memref<2000xf32, #tpu.memory_space<vmem>>) dst(%dma_wait3A_256 : memref<2000xf32, #tpu.memory_space<hbm>>)
      } else {
      }
      %scan3A_145 = arith.constant 0 : i32
      %scan3A_146 = arith.constant 0 : i32
      %scan3A_147 = arith.constant 124 : i32
      %scan3A_148 = arith.addi %scan3A_146, %scan3A_147 : i32
      %scan3A_149 = arith.constant 4 : i32
      scf.for %scan3A_255 = %scan3A_146 to %scan3A_148 step %scan3A_149  : i32 {
        %mul3A_256 = arith.constant 16 : i32
        %mul3A_257 = arith.muli %scan3A_255, %mul3A_256 : i32
        %get3A_258 = arith.index_cast %mul3A_257 : i32 to index
        %get3A_259 = tpu.vector_load %arg12[%get3A_258] {strides = array<i32>} : memref<2000xi32, #tpu.memory_space<vmem>>, vector<16xi32>,
        %gather3A_260 = tpu.vector_load_idx %arg11[%get3A_259] : memref<100000xf32, #tpu.memory_space<vmem>>[vector<16xi32>], vector<16xf32>,
        %get3A_261 = arith.index_cast %mul3A_257 : i32 to index
        %get3A_262 = tpu.vector_load %arg13[%get3A_261] {strides = array<i32>} : memref<2000xi32, #tpu.memory_space<vmem>>, vector<16xi32>,
        %gather3A_263 = tpu.vector_load_idx %arg11[%get3A_262] : memref<100000xf32, #tpu.memory_space<vmem>>[vector<16xi32>], vector<16xf32>,
        %sub3A_264 = arith.subf %gather3A_260, %gather3A_263 : vector<16xf32>
        %get3A_265 = arith.index_cast %mul3A_257 : i32 to index
        %get3A_266 = tpu.vector_load %arg14[%get3A_265] {strides = array<i32>} : memref<2000xf32, #tpu.memory_space<vmem>>, vector<16xf32>,
        %sub3A_267 = arith.subf %sub3A_264, %get3A_266 : vector<16xf32>
        %add3A_268 = arith.constant 1.000000e-15 : f32
        %add3A_269 = vector.broadcast %add3A_268 : f32 to vector<16xf32>
        %add3A_270 = arith.addf %sub3A_267, %add3A_269 : vector<16xf32>
        %mul3A_271 = arith.mulf %add3A_270, %add3A_270 : vector<16xf32>
        %get3A_272 = arith.index_cast %mul3A_257 : i32 to index
        %get3A_273 = tpu.vector_load %arg15[%get3A_272] {strides = array<i32>} : memref<2000xf32, #tpu.memory_space<vmem>>, vector<16xf32>,
        %add3A_274 = arith.addf %get3A_273, %mul3A_271 : vector<16xf32>
        %swap3A_275 = arith.index_cast %mul3A_257 : i32 to index
        %swap3A_276 = tpu.vector_load %arg16[%swap3A_275] {strides = array<i32>} : memref<2000xf32, #tpu.memory_space<vmem>>, vector<16xf32>,
        tpu.vector_store %arg16[%swap3A_275], %add3A_274 {strides = array<i32>} : memref<2000xf32, #tpu.memory_space<vmem>>, vector<16xf32>,
        %scan3A_277 = arith.constant 1 : i32
        %scan3A_278 = arith.addi %scan3A_255, %scan3A_277 : i32
        %mul3A_279 = arith.constant 16 : i32
        %mul3A_280 = arith.muli %scan3A_278, %mul3A_279 : i32
        %get3A_281 = arith.index_cast %mul3A_280 : i32 to index
        %get3A_282 = tpu.vector_load %arg12[%get3A_281] {strides = array<i32>} : memref<2000xi32, #tpu.memory_space<vmem>>, vector<16xi32>,
        %gather3A_283 = tpu.vector_load_idx %arg11[%get3A_282] : memref<100000xf32, #tpu.memory_space<vmem>>[vector<16xi32>], vector<16xf32>,
        %get3A_284 = arith.index_cast %mul3A_280 : i32 to index
        %get3A_285 = tpu.vector_load %arg13[%get3A_284] {strides = array<i32>} : memref<2000xi32, #tpu.memory_space<vmem>>, vector<16xi32>,
        %gather3A_286 = tpu.vector_load_idx %arg11[%get3A_285] : memref<100000xf32, #tpu.memory_space<vmem>>[vector<16xi32>], vector<16xf32>,
        %sub3A_287 = arith.subf %gather3A_283, %gather3A_286 : vector<16xf32>
        %get3A_288 = arith.index_cast %mul3A_280 : i32 to index
        %get3A_289 = tpu.vector_load %arg14[%get3A_288] {strides = array<i32>} : memref<2000xf32, #tpu.memory_space<vmem>>, vector<16xf32>,
        %sub3A_290 = arith.subf %sub3A_287, %get3A_289 : vector<16xf32>
        %add3A_291 = arith.constant 1.000000e-15 : f32
        %add3A_292 = vector.broadcast %add3A_291 : f32 to vector<16xf32>
        %add3A_293 = arith.addf %sub3A_290, %add3A_292 : vector<16xf32>
        %mul3A_294 = arith.mulf %add3A_293, %add3A_293 : vector<16xf32>
        %get3A_295 = arith.index_cast %mul3A_280 : i32 to index
        %get3A_296 = tpu.vector_load %arg15[%get3A_295] {strides = array<i32>} : memref<2000xf32, #tpu.memory_space<vmem>>, vector<16xf32>,
        %add3A_297 = arith.addf %get3A_296, %mul3A_294 : vector<16xf32>
        %swap3A_298 = arith.index_cast %mul3A_280 : i32 to index
        %swap3A_299 = tpu.vector_load %arg16[%swap3A_298] {strides = array<i32>} : memref<2000xf32, #tpu.memory_space<vmem>>, vector<16xf32>,
        tpu.vector_store %arg16[%swap3A_298], %add3A_297 {strides = array<i32>} : memref<2000xf32, #tpu.memory_space<vmem>>, vector<16xf32>,
        %scan3A_300 = arith.constant 2 : i32
        %scan3A_301 = arith.addi %scan3A_255, %scan3A_300 : i32
        %mul3A_302 = arith.constant 16 : i32
        %mul3A_303 = arith.muli %scan3A_301, %mul3A_302 : i32
        %get3A_304 = arith.index_cast %mul3A_303 : i32 to index
        %get3A_305 = tpu.vector_load %arg12[%get3A_304] {strides = array<i32>} : memref<2000xi32, #tpu.memory_space<vmem>>, vector<16xi32>,
        %gather3A_306 = tpu.vector_load_idx %arg11[%get3A_305] : memref<100000xf32, #tpu.memory_space<vmem>>[vector<16xi32>], vector<16xf32>,
        %get3A_307 = arith.index_cast %mul3A_303 : i32 to index
        %get3A_308 = tpu.vector_load %arg13[%get3A_307] {strides = array<i32>} : memref<2000xi32, #tpu.memory_space<vmem>>, vector<16xi32>,
        %gather3A_309 = tpu.vector_load_idx %arg11[%get3A_308] : memref<100000xf32, #tpu.memory_space<vmem>>[vector<16xi32>], vector<16xf32>,
        %sub3A_310 = arith.subf %gather3A_306, %gather3A_309 : vector<16xf32>
        %get3A_311 = arith.index_cast %mul3A_303 : i32 to index
        %get3A_312 = tpu.vector_load %arg14[%get3A_311] {strides = array<i32>} : memref<2000xf32, #tpu.memory_space<vmem>>, vector<16xf32>,
        %sub3A_313 = arith.subf %sub3A_310, %get3A_312 : vector<16xf32>
        %add3A_314 = arith.constant 1.000000e-15 : f32
        %add3A_315 = vector.broadcast %add3A_314 : f32 to vector<16xf32>
        %add3A_316 = arith.addf %sub3A_313, %add3A_315 : vector<16xf32>
        %mul3A_317 = arith.mulf %add3A_316, %add3A_316 : vector<16xf32>
        %get3A_318 = arith.index_cast %mul3A_303 : i32 to index
        %get3A_319 = tpu.vector_load %arg15[%get3A_318] {strides = array<i32>} : memref<2000xf32, #tpu.memory_space<vmem>>, vector<16xf32>,
        %add3A_320 = arith.addf %get3A_319, %mul3A_317 : vector<16xf32>
        %swap3A_321 = arith.index_cast %mul3A_303 : i32 to index
        %swap3A_322 = tpu.vector_load %arg16[%swap3A_321] {strides = array<i32>} : memref<2000xf32, #tpu.memory_space<vmem>>, vector<16xf32>,
        tpu.vector_store %arg16[%swap3A_321], %add3A_320 {strides = array<i32>} : memref<2000xf32, #tpu.memory_space<vmem>>, vector<16xf32>,
        %scan3A_323 = arith.constant 3 : i32
        %scan3A_324 = arith.addi %scan3A_255, %scan3A_323 : i32
        %mul3A_325 = arith.constant 16 : i32
        %mul3A_326 = arith.muli %scan3A_324, %mul3A_325 : i32
        %get3A_327 = arith.index_cast %mul3A_326 : i32 to index
        %get3A_328 = tpu.vector_load %arg12[%get3A_327] {strides = array<i32>} : memref<2000xi32, #tpu.memory_space<vmem>>, vector<16xi32>,
        %gather3A_329 = tpu.vector_load_idx %arg11[%get3A_328] : memref<100000xf32, #tpu.memory_space<vmem>>[vector<16xi32>], vector<16xf32>,
        %get3A_330 = arith.index_cast %mul3A_326 : i32 to index
        %get3A_331 = tpu.vector_load %arg13[%get3A_330] {strides = array<i32>} : memref<2000xi32, #tpu.memory_space<vmem>>, vector<16xi32>,
        %gather3A_332 = tpu.vector_load_idx %arg11[%get3A_331] : memref<100000xf32, #tpu.memory_space<vmem>>[vector<16xi32>], vector<16xf32>,
        %sub3A_333 = arith.subf %gather3A_329, %gather3A_332 : vector<16xf32>
        %get3A_334 = arith.index_cast %mul3A_326 : i32 to index
        %get3A_335 = tpu.vector_load %arg14[%get3A_334] {strides = array<i32>} : memref<2000xf32, #tpu.memory_space<vmem>>, vector<16xf32>,
        %sub3A_336 = arith.subf %sub3A_333, %get3A_335 : vector<16xf32>
        %add3A_337 = arith.constant 1.000000e-15 : f32
        %add3A_338 = vector.broadcast %add3A_337 : f32 to vector<16xf32>
        %add3A_339 = arith.addf %sub3A_336, %add3A_338 : vector<16xf32>
        %mul3A_340 = arith.mulf %add3A_339, %add3A_339 : vector<16xf32>
        %get3A_341 = arith.index_cast %mul3A_326 : i32 to index
        %get3A_342 = tpu.vector_load %arg15[%get3A_341] {strides = array<i32>} : memref<2000xf32, #tpu.memory_space<vmem>>, vector<16xf32>,
        %add3A_343 = arith.addf %get3A_342, %mul3A_340 : vector<16xf32>
        %swap3A_344 = arith.index_cast %mul3A_326 : i32 to index
        %swap3A_345 = tpu.vector_load %arg16[%swap3A_344] {strides = array<i32>} : memref<2000xf32, #tpu.memory_space<vmem>>, vector<16xf32>,
        tpu.vector_store %arg16[%swap3A_344], %add3A_343 {strides = array<i32>} : memref<2000xf32, #tpu.memory_space<vmem>>, vector<16xf32>,
      }
      %scan3A_150 = arith.constant 124 : i32
      %scan3A_151 = arith.addi %scan3A_146, %scan3A_150 : i32
      %mul3A_152 = arith.constant 16 : i32
      %mul3A_153 = arith.muli %scan3A_151, %mul3A_152 : i32
      %get3A = arith.index_cast %mul3A_153 : i32 to index
      %get3A_154 = tpu.vector_load %arg12[%get3A] {strides = array<i32>} : memref<2000xi32, #tpu.memory_space<vmem>>, vector<16xi32>,
      %gather3A = tpu.vector_load_idx %arg11[%get3A_154] : memref<100000xf32, #tpu.memory_space<vmem>>[vector<16xi32>], vector<16xf32>,
      %get3A_155 = arith.index_cast %mul3A_153 : i32 to index
      %get3A_156 = tpu.vector_load %arg13[%get3A_155] {strides = array<i32>} : memref<2000xi32, #tpu.memory_space<vmem>>, vector<16xi32>,
      %gather3A_157 = tpu.vector_load_idx %arg11[%get3A_156] : memref<100000xf32, #tpu.memory_space<vmem>>[vector<16xi32>], vector<16xf32>,
      %sub3A = arith.subf %gather3A, %gather3A_157 : vector<16xf32>
      %get3A_158 = arith.index_cast %mul3A_153 : i32 to index
      %get3A_159 = tpu.vector_load %arg14[%get3A_158] {strides = array<i32>} : memref<2000xf32, #tpu.memory_space<vmem>>, vector<16xf32>,
      %sub3A_160 = arith.subf %sub3A, %get3A_159 : vector<16xf32>
      %add3A_161 = arith.constant 1.000000e-15 : f32
      %add3A_162 = vector.broadcast %add3A_161 : f32 to vector<16xf32>
      %add3A_163 = arith.addf %sub3A_160, %add3A_162 : vector<16xf32>
      %mul3A_164 = arith.mulf %add3A_163, %add3A_163 : vector<16xf32>
      %get3A_165 = arith.index_cast %mul3A_153 : i32 to index
      %get3A_166 = tpu.vector_load %arg15[%get3A_165] {strides = array<i32>} : memref<2000xf32, #tpu.memory_space<vmem>>, vector<16xf32>,
      %add3A_167 = arith.addf %get3A_166, %mul3A_164 : vector<16xf32>
      %swap3A = arith.index_cast %mul3A_153 : i32 to index
      %swap3A_168 = tpu.vector_load %arg16[%swap3A] {strides = array<i32>} : memref<2000xf32, #tpu.memory_space<vmem>>, vector<16xf32>,
      tpu.vector_store %arg16[%swap3A], %add3A_167 {strides = array<i32>} : memref<2000xf32, #tpu.memory_space<vmem>>, vector<16xf32>,
      %scan3A_169 = arith.constant 125 : i32
      %mul3A_170 = arith.constant 2000 : i32
      %mul3A_171 = arith.muli %add3A_134, %mul3A_170 : i32
      %add3A_172 = arith.addi %mul3A_2, %mul3A_171 : i32
      %dma_start3A_173 = tpu.memref_slice %arg10[%add3A_172] : memref<6400000xf32, #tpu.memory_space<hbm>> -> memref<2000xf32, #tpu.memory_space<hbm>>
      %dma_start3A_174 = tpu.memref_slice %arg10[%add3A_172] : memref<6400000xf32, #tpu.memory_space<hbm>> -> memref<2000xf32, #tpu.memory_space<hbm>>
      tpu.enqueue_dma source(%arg16 : memref<2000xf32, #tpu.memory_space<vmem>>) target(%dma_start3A_174 : memref<2000xf32, #tpu.memory_space<hbm>>) target_semaphore(%arg24 : memref<!tpu.dma_semaphore, #tpu.memory_space<semaphore_mem>>)
      %add3A_175 = arith.constant 2 : i32
      %add3A_176 = arith.addi %add3A_134, %add3A_175 : i32
      %rem3A = arith.constant 100 : i32
      %rem3A_177 = arith.remsi %add3A_176, %rem3A : i32
      %mul3A_178 = arith.constant 2000 : i32
      %mul3A_179 = arith.muli %rem3A_177, %mul3A_178 : i32
      %add3A_180 = arith.addi %mul3A_2, %mul3A_179 : i32
      %dma_start3A_181 = tpu.memref_slice %arg5[%add3A_180] : memref<6400000xi32, #tpu.memory_space<hbm>> -> memref<2000xi32, #tpu.memory_space<hbm>>
      %dma_start3A_182 = tpu.memref_slice %arg5[%add3A_180] : memref<6400000xi32, #tpu.memory_space<hbm>> -> memref<2000xi32, #tpu.memory_space<hbm>>
      tpu.enqueue_dma source(%dma_start3A_182 : memref<2000xi32, #tpu.memory_space<hbm>>) target(%arg12 : memref<2000xi32, #tpu.memory_space<vmem>>) target_semaphore(%arg22 : memref<!tpu.dma_semaphore, #tpu.memory_space<semaphore_mem>>)
      %dma_start3A_183 = tpu.memref_slice %arg6[%add3A_180] : memref<6400000xi32, #tpu.memory_space<hbm>> -> memref<2000xi32, #tpu.memory_space<hbm>>
      %dma_start3A_184 = tpu.memref_slice %arg6[%add3A_180] : memref<6400000xi32, #tpu.memory_space<hbm>> -> memref<2000xi32, #tpu.memory_space<hbm>>
      tpu.enqueue_dma source(%dma_start3A_184 : memref<2000xi32, #tpu.memory_space<hbm>>) target(%arg13 : memref<2000xi32, #tpu.memory_space<vmem>>) target_semaphore(%arg22 : memref<!tpu.dma_semaphore, #tpu.memory_space<semaphore_mem>>)
      %dma_start3A_185 = tpu.memref_slice %arg8[%add3A_180] : memref<6400000xf32, #tpu.memory_space<hbm>> -> memref<2000xf32, #tpu.memory_space<hbm>>
      %dma_start3A_186 = tpu.memref_slice %arg8[%add3A_180] : memref<6400000xf32, #tpu.memory_space<hbm>> -> memref<2000xf32, #tpu.memory_space<hbm>>
      tpu.enqueue_dma source(%dma_start3A_186 : memref<2000xf32, #tpu.memory_space<hbm>>) target(%arg14 : memref<2000xf32, #tpu.memory_space<vmem>>) target_semaphore(%arg22 : memref<!tpu.dma_semaphore, #tpu.memory_space<semaphore_mem>>)
      %dma_start3A_187 = tpu.memref_slice %arg10[%add3A_180] : memref<6400000xf32, #tpu.memory_space<hbm>> -> memref<2000xf32, #tpu.memory_space<hbm>>
      %dma_start3A_188 = tpu.memref_slice %arg10[%add3A_180] : memref<6400000xf32, #tpu.memory_space<hbm>> -> memref<2000xf32, #tpu.memory_space<hbm>>
      tpu.enqueue_dma source(%dma_start3A_188 : memref<2000xf32, #tpu.memory_space<hbm>>) target(%arg15 : memref<2000xf32, #tpu.memory_space<vmem>>) target_semaphore(%arg22 : memref<!tpu.dma_semaphore, #tpu.memory_space<semaphore_mem>>)
      %mul3A_189 = arith.constant 2 : i32
      %mul3A_190 = arith.muli %mul3A_189, %scan3A_130 : i32
      %add3A_191 = arith.constant 1 : i32
      %add3A_192 = arith.addi %mul3A_190, %add3A_191 : i32
      %dma_wait3A_193 = tpu.memref_slice %arg5[%mul3A_2] : memref<6400000xi32, #tpu.memory_space<hbm>> -> memref<2000xi32, #tpu.memory_space<hbm>>
      %dma_wait3A_194 = tpu.memref_slice %arg5[%mul3A_2] : memref<6400000xi32, #tpu.memory_space<hbm>> -> memref<2000xi32, #tpu.memory_space<hbm>>
      tpu.wait_dma2 semaphore(%arg23 : memref<!tpu.dma_semaphore, #tpu.memory_space<semaphore_mem>>) src(%dma_wait3A_194 : memref<2000xi32, #tpu.memory_space<hbm>>) dst(%arg17 : memref<2000xi32, #tpu.memory_space<vmem>>)
      %dma_wait3A_195 = tpu.memref_slice %arg6[%mul3A_2] : memref<6400000xi32, #tpu.memory_space<hbm>> -> memref<2000xi32, #tpu.memory_space<hbm>>
      %dma_wait3A_196 = tpu.memref_slice %arg6[%mul3A_2] : memref<6400000xi32, #tpu.memory_space<hbm>> -> memref<2000xi32, #tpu.memory_space<hbm>>
      tpu.wait_dma2 semaphore(%arg23 : memref<!tpu.dma_semaphore, #tpu.memory_space<semaphore_mem>>) src(%dma_wait3A_196 : memref<2000xi32, #tpu.memory_space<hbm>>) dst(%arg18 : memref<2000xi32, #tpu.memory_space<vmem>>)
      %dma_wait3A_197 = tpu.memref_slice %arg8[%mul3A_2] : memref<6400000xf32, #tpu.memory_space<hbm>> -> memref<2000xf32, #tpu.memory_space<hbm>>
      %dma_wait3A_198 = tpu.memref_slice %arg8[%mul3A_2] : memref<6400000xf32, #tpu.memory_space<hbm>> -> memref<2000xf32, #tpu.memory_space<hbm>>
      tpu.wait_dma2 semaphore(%arg23 : memref<!tpu.dma_semaphore, #tpu.memory_space<semaphore_mem>>) src(%dma_wait3A_198 : memref<2000xf32, #tpu.memory_space<hbm>>) dst(%arg19 : memref<2000xf32, #tpu.memory_space<vmem>>)
      %dma_wait3A_199 = tpu.memref_slice %arg10[%mul3A_2] : memref<6400000xf32, #tpu.memory_space<hbm>> -> memref<2000xf32, #tpu.memory_space<hbm>>
      %dma_wait3A_200 = tpu.memref_slice %arg10[%mul3A_2] : memref<6400000xf32, #tpu.memory_space<hbm>> -> memref<2000xf32, #tpu.memory_space<hbm>>
      tpu.wait_dma2 semaphore(%arg23 : memref<!tpu.dma_semaphore, #tpu.memory_space<semaphore_mem>>) src(%dma_wait3A_200 : memref<2000xf32, #tpu.memory_space<hbm>>) dst(%arg20 : memref<2000xf32, #tpu.memory_space<vmem>>)
      %gt3A_201 = arith.constant 0 : i32
      %gt3A_202 = arith.cmpi sgt, %scan3A_130, %gt3A_201 : i32
      %convert_element_type3A_203 = arith.extui %gt3A_202 : i1 to i32
      %cond3A_204 = arith.constant 0 : i32
      %cond3A_205 = arith.cmpi ne, %convert_element_type3A_203, %cond3A_204 : i32
      scf.if %cond3A_205 {
        %dma_wait3A_255 = tpu.memref_slice %arg10[%mul3A_2] : memref<6400000xf32, #tpu.memory_space<hbm>> -> memref<2000xf32, #tpu.memory_space<hbm>>
        %dma_wait3A_256 = tpu.memref_slice %arg10[%mul3A_2] : memref<6400000xf32, #tpu.memory_space<hbm>> -> memref<2000xf32, #tpu.memory_space<hbm>>
        tpu.wait_dma2 semaphore(%arg25 : memref<!tpu.dma_semaphore, #tpu.memory_space<semaphore_mem>>) src(%arg21 : memref<2000xf32, #tpu.memory_space<vmem>>) dst(%dma_wait3A_256 : memref<2000xf32, #tpu.memory_space<hbm>>)
      } else {
      }
      %scan3A_206 = arith.constant 0 : i32
      %scan3A_207 = arith.constant 0 : i32
      %scan3A_208 = arith.constant 124 : i32
      %scan3A_209 = arith.addi %scan3A_207, %scan3A_208 : i32
      %scan3A_210 = arith.constant 4 : i32
      scf.for %scan3A_255 = %scan3A_207 to %scan3A_209 step %scan3A_210  : i32 {
        %mul3A_256 = arith.constant 16 : i32
        %mul3A_257 = arith.muli %scan3A_255, %mul3A_256 : i32
        %get3A_258 = arith.index_cast %mul3A_257 : i32 to index
        %get3A_259 = tpu.vector_load %arg17[%get3A_258] {strides = array<i32>} : memref<2000xi32, #tpu.memory_space<vmem>>, vector<16xi32>,
        %gather3A_260 = tpu.vector_load_idx %arg11[%get3A_259] : memref<100000xf32, #tpu.memory_space<vmem>>[vector<16xi32>], vector<16xf32>,
        %get3A_261 = arith.index_cast %mul3A_257 : i32 to index
        %get3A_262 = tpu.vector_load %arg18[%get3A_261] {strides = array<i32>} : memref<2000xi32, #tpu.memory_space<vmem>>, vector<16xi32>,
        %gather3A_263 = tpu.vector_load_idx %arg11[%get3A_262] : memref<100000xf32, #tpu.memory_space<vmem>>[vector<16xi32>], vector<16xf32>,
        %sub3A_264 = arith.subf %gather3A_260, %gather3A_263 : vector<16xf32>
        %get3A_265 = arith.index_cast %mul3A_257 : i32 to index
        %get3A_266 = tpu.vector_load %arg19[%get3A_265] {strides = array<i32>} : memref<2000xf32, #tpu.memory_space<vmem>>, vector<16xf32>,
        %sub3A_267 = arith.subf %sub3A_264, %get3A_266 : vector<16xf32>
        %add3A_268 = arith.constant 1.000000e-15 : f32
        %add3A_269 = vector.broadcast %add3A_268 : f32 to vector<16xf32>
        %add3A_270 = arith.addf %sub3A_267, %add3A_269 : vector<16xf32>
        %mul3A_271 = arith.mulf %add3A_270, %add3A_270 : vector<16xf32>
        %get3A_272 = arith.index_cast %mul3A_257 : i32 to index
        %get3A_273 = tpu.vector_load %arg20[%get3A_272] {strides = array<i32>} : memref<2000xf32, #tpu.memory_space<vmem>>, vector<16xf32>,
        %add3A_274 = arith.addf %get3A_273, %mul3A_271 : vector<16xf32>
        %swap3A_275 = arith.index_cast %mul3A_257 : i32 to index
        %swap3A_276 = tpu.vector_load %arg21[%swap3A_275] {strides = array<i32>} : memref<2000xf32, #tpu.memory_space<vmem>>, vector<16xf32>,
        tpu.vector_store %arg21[%swap3A_275], %add3A_274 {strides = array<i32>} : memref<2000xf32, #tpu.memory_space<vmem>>, vector<16xf32>,
        %scan3A_277 = arith.constant 1 : i32
        %scan3A_278 = arith.addi %scan3A_255, %scan3A_277 : i32
        %mul3A_279 = arith.constant 16 : i32
        %mul3A_280 = arith.muli %scan3A_278, %mul3A_279 : i32
        %get3A_281 = arith.index_cast %mul3A_280 : i32 to index
        %get3A_282 = tpu.vector_load %arg17[%get3A_281] {strides = array<i32>} : memref<2000xi32, #tpu.memory_space<vmem>>, vector<16xi32>,
        %gather3A_283 = tpu.vector_load_idx %arg11[%get3A_282] : memref<100000xf32, #tpu.memory_space<vmem>>[vector<16xi32>], vector<16xf32>,
        %get3A_284 = arith.index_cast %mul3A_280 : i32 to index
        %get3A_285 = tpu.vector_load %arg18[%get3A_284] {strides = array<i32>} : memref<2000xi32, #tpu.memory_space<vmem>>, vector<16xi32>,
        %gather3A_286 = tpu.vector_load_idx %arg11[%get3A_285] : memref<100000xf32, #tpu.memory_space<vmem>>[vector<16xi32>], vector<16xf32>,
        %sub3A_287 = arith.subf %gather3A_283, %gather3A_286 : vector<16xf32>
        %get3A_288 = arith.index_cast %mul3A_280 : i32 to index
        %get3A_289 = tpu.vector_load %arg19[%get3A_288] {strides = array<i32>} : memref<2000xf32, #tpu.memory_space<vmem>>, vector<16xf32>,
        %sub3A_290 = arith.subf %sub3A_287, %get3A_289 : vector<16xf32>
        %add3A_291 = arith.constant 1.000000e-15 : f32
        %add3A_292 = vector.broadcast %add3A_291 : f32 to vector<16xf32>
        %add3A_293 = arith.addf %sub3A_290, %add3A_292 : vector<16xf32>
        %mul3A_294 = arith.mulf %add3A_293, %add3A_293 : vector<16xf32>
        %get3A_295 = arith.index_cast %mul3A_280 : i32 to index
        %get3A_296 = tpu.vector_load %arg20[%get3A_295] {strides = array<i32>} : memref<2000xf32, #tpu.memory_space<vmem>>, vector<16xf32>,
        %add3A_297 = arith.addf %get3A_296, %mul3A_294 : vector<16xf32>
        %swap3A_298 = arith.index_cast %mul3A_280 : i32 to index
        %swap3A_299 = tpu.vector_load %arg21[%swap3A_298] {strides = array<i32>} : memref<2000xf32, #tpu.memory_space<vmem>>, vector<16xf32>,
        tpu.vector_store %arg21[%swap3A_298], %add3A_297 {strides = array<i32>} : memref<2000xf32, #tpu.memory_space<vmem>>, vector<16xf32>,
        %scan3A_300 = arith.constant 2 : i32
        %scan3A_301 = arith.addi %scan3A_255, %scan3A_300 : i32
        %mul3A_302 = arith.constant 16 : i32
        %mul3A_303 = arith.muli %scan3A_301, %mul3A_302 : i32
        %get3A_304 = arith.index_cast %mul3A_303 : i32 to index
        %get3A_305 = tpu.vector_load %arg17[%get3A_304] {strides = array<i32>} : memref<2000xi32, #tpu.memory_space<vmem>>, vector<16xi32>,
        %gather3A_306 = tpu.vector_load_idx %arg11[%get3A_305] : memref<100000xf32, #tpu.memory_space<vmem>>[vector<16xi32>], vector<16xf32>,
        %get3A_307 = arith.index_cast %mul3A_303 : i32 to index
        %get3A_308 = tpu.vector_load %arg18[%get3A_307] {strides = array<i32>} : memref<2000xi32, #tpu.memory_space<vmem>>, vector<16xi32>,
        %gather3A_309 = tpu.vector_load_idx %arg11[%get3A_308] : memref<100000xf32, #tpu.memory_space<vmem>>[vector<16xi32>], vector<16xf32>,
        %sub3A_310 = arith.subf %gather3A_306, %gather3A_309 : vector<16xf32>
        %get3A_311 = arith.index_cast %mul3A_303 : i32 to index
        %get3A_312 = tpu.vector_load %arg19[%get3A_311] {strides = array<i32>} : memref<2000xf32, #tpu.memory_space<vmem>>, vector<16xf32>,
        %sub3A_313 = arith.subf %sub3A_310, %get3A_312 : vector<16xf32>
        %add3A_314 = arith.constant 1.000000e-15 : f32
        %add3A_315 = vector.broadcast %add3A_314 : f32 to vector<16xf32>
        %add3A_316 = arith.addf %sub3A_313, %add3A_315 : vector<16xf32>
        %mul3A_317 = arith.mulf %add3A_316, %add3A_316 : vector<16xf32>
        %get3A_318 = arith.index_cast %mul3A_303 : i32 to index
        %get3A_319 = tpu.vector_load %arg20[%get3A_318] {strides = array<i32>} : memref<2000xf32, #tpu.memory_space<vmem>>, vector<16xf32>,
        %add3A_320 = arith.addf %get3A_319, %mul3A_317 : vector<16xf32>
        %swap3A_321 = arith.index_cast %mul3A_303 : i32 to index
        %swap3A_322 = tpu.vector_load %arg21[%swap3A_321] {strides = array<i32>} : memref<2000xf32, #tpu.memory_space<vmem>>, vector<16xf32>,
        tpu.vector_store %arg21[%swap3A_321], %add3A_320 {strides = array<i32>} : memref<2000xf32, #tpu.memory_space<vmem>>, vector<16xf32>,
        %scan3A_323 = arith.constant 3 : i32
        %scan3A_324 = arith.addi %scan3A_255, %scan3A_323 : i32
        %mul3A_325 = arith.constant 16 : i32
        %mul3A_326 = arith.muli %scan3A_324, %mul3A_325 : i32
        %get3A_327 = arith.index_cast %mul3A_326 : i32 to index
        %get3A_328 = tpu.vector_load %arg17[%get3A_327] {strides = array<i32>} : memref<2000xi32, #tpu.memory_space<vmem>>, vector<16xi32>,
        %gather3A_329 = tpu.vector_load_idx %arg11[%get3A_328] : memref<100000xf32, #tpu.memory_space<vmem>>[vector<16xi32>], vector<16xf32>,
        %get3A_330 = arith.index_cast %mul3A_326 : i32 to index
        %get3A_331 = tpu.vector_load %arg18[%get3A_330] {strides = array<i32>} : memref<2000xi32, #tpu.memory_space<vmem>>, vector<16xi32>,
        %gather3A_332 = tpu.vector_load_idx %arg11[%get3A_331] : memref<100000xf32, #tpu.memory_space<vmem>>[vector<16xi32>], vector<16xf32>,
        %sub3A_333 = arith.subf %gather3A_329, %gather3A_332 : vector<16xf32>
        %get3A_334 = arith.index_cast %mul3A_326 : i32 to index
        %get3A_335 = tpu.vector_load %arg19[%get3A_334] {strides = array<i32>} : memref<2000xf32, #tpu.memory_space<vmem>>, vector<16xf32>,
        %sub3A_336 = arith.subf %sub3A_333, %get3A_335 : vector<16xf32>
        %add3A_337 = arith.constant 1.000000e-15 : f32
        %add3A_338 = vector.broadcast %add3A_337 : f32 to vector<16xf32>
        %add3A_339 = arith.addf %sub3A_336, %add3A_338 : vector<16xf32>
        %mul3A_340 = arith.mulf %add3A_339, %add3A_339 : vector<16xf32>
        %get3A_341 = arith.index_cast %mul3A_326 : i32 to index
        %get3A_342 = tpu.vector_load %arg20[%get3A_341] {strides = array<i32>} : memref<2000xf32, #tpu.memory_space<vmem>>, vector<16xf32>,
        %add3A_343 = arith.addf %get3A_342, %mul3A_340 : vector<16xf32>
        %swap3A_344 = arith.index_cast %mul3A_326 : i32 to index
        %swap3A_345 = tpu.vector_load %arg21[%swap3A_344] {strides = array<i32>} : memref<2000xf32, #tpu.memory_space<vmem>>, vector<16xf32>,
        tpu.vector_store %arg21[%swap3A_344], %add3A_343 {strides = array<i32>} : memref<2000xf32, #tpu.memory_space<vmem>>, vector<16xf32>,
      }
      %scan3A_211 = arith.constant 124 : i32
      %scan3A_212 = arith.addi %scan3A_207, %scan3A_211 : i32
      %mul3A_213 = arith.constant 16 : i32
      %mul3A_214 = arith.muli %scan3A_212, %mul3A_213 : i32
      %get3A_215 = arith.index_cast %mul3A_214 : i32 to index
      %get3A_216 = tpu.vector_load %arg17[%get3A_215] {strides = array<i32>} : memref<2000xi32, #tpu.memory_space<vmem>>, vector<16xi32>,
      %gather3A_217 = tpu.vector_load_idx %arg11[%get3A_216] : memref<100000xf32, #tpu.memory_space<vmem>>[vector<16xi32>], vector<16xf32>,
      %get3A_218 = arith.index_cast %mul3A_214 : i32 to index
      %get3A_219 = tpu.vector_load %arg18[%get3A_218] {strides = array<i32>} : memref<2000xi32, #tpu.memory_space<vmem>>, vector<16xi32>,
      %gather3A_220 = tpu.vector_load_idx %arg11[%get3A_219] : memref<100000xf32, #tpu.memory_space<vmem>>[vector<16xi32>], vector<16xf32>,
      %sub3A_221 = arith.subf %gather3A_217, %gather3A_220 : vector<16xf32>
      %get3A_222 = arith.index_cast %mul3A_214 : i32 to index
      %get3A_223 = tpu.vector_load %arg19[%get3A_222] {strides = array<i32>} : memref<2000xf32, #tpu.memory_space<vmem>>, vector<16xf32>,
      %sub3A_224 = arith.subf %sub3A_221, %get3A_223 : vector<16xf32>
      %add3A_225 = arith.constant 1.000000e-15 : f32
      %add3A_226 = vector.broadcast %add3A_225 : f32 to vector<16xf32>
      %add3A_227 = arith.addf %sub3A_224, %add3A_226 : vector<16xf32>
      %mul3A_228 = arith.mulf %add3A_227, %add3A_227 : vector<16xf32>
      %get3A_229 = arith.index_cast %mul3A_214 : i32 to index
      %get3A_230 = tpu.vector_load %arg20[%get3A_229] {strides = array<i32>} : memref<2000xf32, #tpu.memory_space<vmem>>, vector<16xf32>,
      %add3A_231 = arith.addf %get3A_230, %mul3A_228 : vector<16xf32>
      %swap3A_232 = arith.index_cast %mul3A_214 : i32 to index
      %swap3A_233 = tpu.vector_load %arg21[%swap3A_232] {strides = array<i32>} : memref<2000xf32, #tpu.memory_space<vmem>>, vector<16xf32>,
      tpu.vector_store %arg21[%swap3A_232], %add3A_231 {strides = array<i32>} : memref<2000xf32, #tpu.memory_space<vmem>>, vector<16xf32>,
      %scan3A_234 = arith.constant 125 : i32
      %mul3A_235 = arith.constant 2000 : i32
      %mul3A_236 = arith.muli %add3A_192, %mul3A_235 : i32
      %add3A_237 = arith.addi %mul3A_2, %mul3A_236 : i32
      %dma_start3A_238 = tpu.memref_slice %arg10[%add3A_237] : memref<6400000xf32, #tpu.memory_space<hbm>> -> memref<2000xf32, #tpu.memory_space<hbm>>
      %dma_start3A_239 = tpu.memref_slice %arg10[%add3A_237] : memref<6400000xf32, #tpu.memory_space<hbm>> -> memref<2000xf32, #tpu.memory_space<hbm>>
      tpu.enqueue_dma source(%arg21 : memref<2000xf32, #tpu.memory_space<vmem>>) target(%dma_start3A_239 : memref<2000xf32, #tpu.memory_space<hbm>>) target_semaphore(%arg25 : memref<!tpu.dma_semaphore, #tpu.memory_space<semaphore_mem>>)
      %add3A_240 = arith.constant 2 : i32
      %add3A_241 = arith.addi %add3A_192, %add3A_240 : i32
      %rem3A_242 = arith.constant 100 : i32
      %rem3A_243 = arith.remsi %add3A_241, %rem3A_242 : i32
      %mul3A_244 = arith.constant 2000 : i32
      %mul3A_245 = arith.muli %rem3A_243, %mul3A_244 : i32
      %add3A_246 = arith.addi %mul3A_2, %mul3A_245 : i32
      %dma_start3A_247 = tpu.memref_slice %arg5[%add3A_246] : memref<6400000xi32, #tpu.memory_space<hbm>> -> memref<2000xi32, #tpu.memory_space<hbm>>
      %dma_start3A_248 = tpu.memref_slice %arg5[%add3A_246] : memref<6400000xi32, #tpu.memory_space<hbm>> -> memref<2000xi32, #tpu.memory_space<hbm>>
      tpu.enqueue_dma source(%dma_start3A_248 : memref<2000xi32, #tpu.memory_space<hbm>>) target(%arg17 : memref<2000xi32, #tpu.memory_space<vmem>>) target_semaphore(%arg23 : memref<!tpu.dma_semaphore, #tpu.memory_space<semaphore_mem>>)
      %dma_start3A_249 = tpu.memref_slice %arg6[%add3A_246] : memref<6400000xi32, #tpu.memory_space<hbm>> -> memref<2000xi32, #tpu.memory_space<hbm>>
      %dma_start3A_250 = tpu.memref_slice %arg6[%add3A_246] : memref<6400000xi32, #tpu.memory_space<hbm>> -> memref<2000xi32, #tpu.memory_space<hbm>>
      tpu.enqueue_dma source(%dma_start3A_250 : memref<2000xi32, #tpu.memory_space<hbm>>) target(%arg18 : memref<2000xi32, #tpu.memory_space<vmem>>) target_semaphore(%arg23 : memref<!tpu.dma_semaphore, #tpu.memory_space<semaphore_mem>>)
      %dma_start3A_251 = tpu.memref_slice %arg8[%add3A_246] : memref<6400000xf32, #tpu.memory_space<hbm>> -> memref<2000xf32, #tpu.memory_space<hbm>>
      %dma_start3A_252 = tpu.memref_slice %arg8[%add3A_246] : memref<6400000xf32, #tpu.memory_space<hbm>> -> memref<2000xf32, #tpu.memory_space<hbm>>
      tpu.enqueue_dma source(%dma_start3A_252 : memref<2000xf32, #tpu.memory_space<hbm>>) target(%arg19 : memref<2000xf32, #tpu.memory_space<vmem>>) target_semaphore(%arg23 : memref<!tpu.dma_semaphore, #tpu.memory_space<semaphore_mem>>)
      %dma_start3A_253 = tpu.memref_slice %arg10[%add3A_246] : memref<6400000xf32, #tpu.memory_space<hbm>> -> memref<2000xf32, #tpu.memory_space<hbm>>
      %dma_start3A_254 = tpu.memref_slice %arg10[%add3A_246] : memref<6400000xf32, #tpu.memory_space<hbm>> -> memref<2000xf32, #tpu.memory_space<hbm>>
      tpu.enqueue_dma source(%dma_start3A_254 : memref<2000xf32, #tpu.memory_space<hbm>>) target(%arg20 : memref<2000xf32, #tpu.memory_space<vmem>>) target_semaphore(%arg23 : memref<!tpu.dma_semaphore, #tpu.memory_space<semaphore_mem>>)
    }
    %scan3A_63 = arith.constant 50 : i32
    %dma_wait3A_64 = tpu.memref_slice %arg5[%mul3A_2] : memref<6400000xi32, #tpu.memory_space<hbm>> -> memref<2000xi32, #tpu.memory_space<hbm>>
    %dma_wait3A_65 = tpu.memref_slice %arg5[%mul3A_2] : memref<6400000xi32, #tpu.memory_space<hbm>> -> memref<2000xi32, #tpu.memory_space<hbm>>
    tpu.wait_dma2 semaphore(%arg22 : memref<!tpu.dma_semaphore, #tpu.memory_space<semaphore_mem>>) src(%dma_wait3A_65 : memref<2000xi32, #tpu.memory_space<hbm>>) dst(%arg12 : memref<2000xi32, #tpu.memory_space<vmem>>)
    %dma_wait3A_66 = tpu.memref_slice %arg6[%mul3A_2] : memref<6400000xi32, #tpu.memory_space<hbm>> -> memref<2000xi32, #tpu.memory_space<hbm>>
    %dma_wait3A_67 = tpu.memref_slice %arg6[%mul3A_2] : memref<6400000xi32, #tpu.memory_space<hbm>> -> memref<2000xi32, #tpu.memory_space<hbm>>
    tpu.wait_dma2 semaphore(%arg22 : memref<!tpu.dma_semaphore, #tpu.memory_space<semaphore_mem>>) src(%dma_wait3A_67 : memref<2000xi32, #tpu.memory_space<hbm>>) dst(%arg13 : memref<2000xi32, #tpu.memory_space<vmem>>)
    %dma_wait3A_68 = tpu.memref_slice %arg8[%mul3A_2] : memref<6400000xf32, #tpu.memory_space<hbm>> -> memref<2000xf32, #tpu.memory_space<hbm>>
    %dma_wait3A_69 = tpu.memref_slice %arg8[%mul3A_2] : memref<6400000xf32, #tpu.memory_space<hbm>> -> memref<2000xf32, #tpu.memory_space<hbm>>
    tpu.wait_dma2 semaphore(%arg22 : memref<!tpu.dma_semaphore, #tpu.memory_space<semaphore_mem>>) src(%dma_wait3A_69 : memref<2000xf32, #tpu.memory_space<hbm>>) dst(%arg14 : memref<2000xf32, #tpu.memory_space<vmem>>)
    %dma_wait3A_70 = tpu.memref_slice %arg10[%mul3A_2] : memref<6400000xf32, #tpu.memory_space<hbm>> -> memref<2000xf32, #tpu.memory_space<hbm>>
    %dma_wait3A_71 = tpu.memref_slice %arg10[%mul3A_2] : memref<6400000xf32, #tpu.memory_space<hbm>> -> memref<2000xf32, #tpu.memory_space<hbm>>
    tpu.wait_dma2 semaphore(%arg22 : memref<!tpu.dma_semaphore, #tpu.memory_space<semaphore_mem>>) src(%dma_wait3A_71 : memref<2000xf32, #tpu.memory_space<hbm>>) dst(%arg15 : memref<2000xf32, #tpu.memory_space<vmem>>)
    %dma_wait3A_72 = tpu.memref_slice %arg5[%mul3A_2] : memref<6400000xi32, #tpu.memory_space<hbm>> -> memref<2000xi32, #tpu.memory_space<hbm>>
    %dma_wait3A_73 = tpu.memref_slice %arg5[%mul3A_2] : memref<6400000xi32, #tpu.memory_space<hbm>> -> memref<2000xi32, #tpu.memory_space<hbm>>
    tpu.wait_dma2 semaphore(%arg23 : memref<!tpu.dma_semaphore, #tpu.memory_space<semaphore_mem>>) src(%dma_wait3A_73 : memref<2000xi32, #tpu.memory_space<hbm>>) dst(%arg17 : memref<2000xi32, #tpu.memory_space<vmem>>)
    %dma_wait3A_74 = tpu.memref_slice %arg6[%mul3A_2] : memref<6400000xi32, #tpu.memory_space<hbm>> -> memref<2000xi32, #tpu.memory_space<hbm>>
    %dma_wait3A_75 = tpu.memref_slice %arg6[%mul3A_2] : memref<6400000xi32, #tpu.memory_space<hbm>> -> memref<2000xi32, #tpu.memory_space<hbm>>
    tpu.wait_dma2 semaphore(%arg23 : memref<!tpu.dma_semaphore, #tpu.memory_space<semaphore_mem>>) src(%dma_wait3A_75 : memref<2000xi32, #tpu.memory_space<hbm>>) dst(%arg18 : memref<2000xi32, #tpu.memory_space<vmem>>)
    %dma_wait3A_76 = tpu.memref_slice %arg8[%mul3A_2] : memref<6400000xf32, #tpu.memory_space<hbm>> -> memref<2000xf32, #tpu.memory_space<hbm>>
    %dma_wait3A_77 = tpu.memref_slice %arg8[%mul3A_2] : memref<6400000xf32, #tpu.memory_space<hbm>> -> memref<2000xf32, #tpu.memory_space<hbm>>
    tpu.wait_dma2 semaphore(%arg23 : memref<!tpu.dma_semaphore, #tpu.memory_space<semaphore_mem>>) src(%dma_wait3A_77 : memref<2000xf32, #tpu.memory_space<hbm>>) dst(%arg19 : memref<2000xf32, #tpu.memory_space<vmem>>)
    %dma_wait3A_78 = tpu.memref_slice %arg10[%mul3A_2] : memref<6400000xf32, #tpu.memory_space<hbm>> -> memref<2000xf32, #tpu.memory_space<hbm>>
    %dma_wait3A_79 = tpu.memref_slice %arg10[%mul3A_2] : memref<6400000xf32, #tpu.memory_space<hbm>> -> memref<2000xf32, #tpu.memory_space<hbm>>
    tpu.wait_dma2 semaphore(%arg23 : memref<!tpu.dma_semaphore, #tpu.memory_space<semaphore_mem>>) src(%dma_wait3A_79 : memref<2000xf32, #tpu.memory_space<hbm>>) dst(%arg20 : memref<2000xf32, #tpu.memory_space<vmem>>)
    %dma_wait3A_80 = tpu.memref_slice %arg10[%mul3A_2] : memref<6400000xf32, #tpu.memory_space<hbm>> -> memref<2000xf32, #tpu.memory_space<hbm>>
    %dma_wait3A_81 = tpu.memref_slice %arg10[%mul3A_2] : memref<6400000xf32, #tpu.memory_space<hbm>> -> memref<2000xf32, #tpu.memory_space<hbm>>
    tpu.wait_dma2 semaphore(%arg24 : memref<!tpu.dma_semaphore, #tpu.memory_space<semaphore_mem>>) src(%arg16 : memref<2000xf32, #tpu.memory_space<vmem>>) dst(%dma_wait3A_81 : memref<2000xf32, #tpu.memory_space<hbm>>)
    %dma_wait3A_82 = tpu.memref_slice %arg10[%mul3A_2] : memref<6400000xf32, #tpu.memory_space<hbm>> -> memref<2000xf32, #tpu.memory_space<hbm>>
    %dma_wait3A_83 = tpu.memref_slice %arg10[%mul3A_2] : memref<6400000xf32, #tpu.memory_space<hbm>> -> memref<2000xf32, #tpu.memory_space<hbm>>
    tpu.wait_dma2 semaphore(%arg25 : memref<!tpu.dma_semaphore, #tpu.memory_space<semaphore_mem>>) src(%arg21 : memref<2000xf32, #tpu.memory_space<vmem>>) dst(%dma_wait3A_83 : memref<2000xf32, #tpu.memory_space<hbm>>)
    "tpu.region"() ({
      %run_scoped3A = tpu.sem_alloc : memref<!tpu.dma_semaphore, #tpu.memory_space<semaphore_mem>>
      tpu.enqueue_dma source(%arg4 : memref<100000xf32, #tpu.memory_space<hbm>>) target(%arg11 : memref<100000xf32, #tpu.memory_space<vmem>>) target_semaphore(%run_scoped3A : memref<!tpu.dma_semaphore, #tpu.memory_space<semaphore_mem>>)
      tpu.wait_dma2 semaphore(%run_scoped3A : memref<!tpu.dma_semaphore, #tpu.memory_space<semaphore_mem>>) src(%arg4 : memref<100000xf32, #tpu.memory_space<hbm>>) dst(%arg11 : memref<100000xf32, #tpu.memory_space<vmem>>)
      tpu.yield
    }) : () -> ()
    %add3A_84 = arith.constant 0 : i32
    %add3A_85 = arith.addi %mul3A_2, %add3A_84 : i32
    %dma_start3A_86 = tpu.memref_slice %arg5[%add3A_85] : memref<6400000xi32, #tpu.memory_space<hbm>> -> memref<2000xi32, #tpu.memory_space<hbm>>
    %dma_start3A_87 = tpu.memref_slice %arg5[%add3A_85] : memref<6400000xi32, #tpu.memory_space<hbm>> -> memref<2000xi32, #tpu.memory_space<hbm>>
    tpu.enqueue_dma source(%dma_start3A_87 : memref<2000xi32, #tpu.memory_space<hbm>>) target(%arg12 : memref<2000xi32, #tpu.memory_space<vmem>>) target_semaphore(%arg22 : memref<!tpu.dma_semaphore, #tpu.memory_space<semaphore_mem>>)
    %dma_start3A_88 = tpu.memref_slice %arg6[%add3A_85] : memref<6400000xi32, #tpu.memory_space<hbm>> -> memref<2000xi32, #tpu.memory_space<hbm>>
    %dma_start3A_89 = tpu.memref_slice %arg6[%add3A_85] : memref<6400000xi32, #tpu.memory_space<hbm>> -> memref<2000xi32, #tpu.memory_space<hbm>>
    tpu.enqueue_dma source(%dma_start3A_89 : memref<2000xi32, #tpu.memory_space<hbm>>) target(%arg13 : memref<2000xi32, #tpu.memory_space<vmem>>) target_semaphore(%arg22 : memref<!tpu.dma_semaphore, #tpu.memory_space<semaphore_mem>>)
    %dma_start3A_90 = tpu.memref_slice %arg9[%add3A_85] : memref<6400000xf32, #tpu.memory_space<hbm>> -> memref<2000xf32, #tpu.memory_space<hbm>>
    %dma_start3A_91 = tpu.memref_slice %arg9[%add3A_85] : memref<6400000xf32, #tpu.memory_space<hbm>> -> memref<2000xf32, #tpu.memory_space<hbm>>
    tpu.enqueue_dma source(%dma_start3A_91 : memref<2000xf32, #tpu.memory_space<hbm>>) target(%arg14 : memref<2000xf32, #tpu.memory_space<vmem>>) target_semaphore(%arg22 : memref<!tpu.dma_semaphore, #tpu.memory_space<semaphore_mem>>)
    %dma_start3A_92 = tpu.memref_slice %arg10[%add3A_85] : memref<6400000xf32, #tpu.memory_space<hbm>> -> memref<2000xf32, #tpu.memory_space<hbm>>
    %dma_start3A_93 = tpu.memref_slice %arg10[%add3A_85] : memref<6400000xf32, #tpu.memory_space<hbm>> -> memref<2000xf32, #tpu.memory_space<hbm>>
    tpu.enqueue_dma source(%dma_start3A_93 : memref<2000xf32, #tpu.memory_space<hbm>>) target(%arg15 : memref<2000xf32, #tpu.memory_space<vmem>>) target_semaphore(%arg22 : memref<!tpu.dma_semaphore, #tpu.memory_space<semaphore_mem>>)
    %add3A_94 = arith.constant 2000 : i32
    %add3A_95 = arith.addi %mul3A_2, %add3A_94 : i32
    %dma_start3A_96 = tpu.memref_slice %arg5[%add3A_95] : memref<6400000xi32, #tpu.memory_space<hbm>> -> memref<2000xi32, #tpu.memory_space<hbm>>
    %dma_start3A_97 = tpu.memref_slice %arg5[%add3A_95] : memref<6400000xi32, #tpu.memory_space<hbm>> -> memref<2000xi32, #tpu.memory_space<hbm>>
    tpu.enqueue_dma source(%dma_start3A_97 : memref<2000xi32, #tpu.memory_space<hbm>>) target(%arg17 : memref<2000xi32, #tpu.memory_space<vmem>>) target_semaphore(%arg23 : memref<!tpu.dma_semaphore, #tpu.memory_space<semaphore_mem>>)
    %dma_start3A_98 = tpu.memref_slice %arg6[%add3A_95] : memref<6400000xi32, #tpu.memory_space<hbm>> -> memref<2000xi32, #tpu.memory_space<hbm>>
    %dma_start3A_99 = tpu.memref_slice %arg6[%add3A_95] : memref<6400000xi32, #tpu.memory_space<hbm>> -> memref<2000xi32, #tpu.memory_space<hbm>>
    tpu.enqueue_dma source(%dma_start3A_99 : memref<2000xi32, #tpu.memory_space<hbm>>) target(%arg18 : memref<2000xi32, #tpu.memory_space<vmem>>) target_semaphore(%arg23 : memref<!tpu.dma_semaphore, #tpu.memory_space<semaphore_mem>>)
    %dma_start3A_100 = tpu.memref_slice %arg9[%add3A_95] : memref<6400000xf32, #tpu.memory_space<hbm>> -> memref<2000xf32, #tpu.memory_space<hbm>>
    %dma_start3A_101 = tpu.memref_slice %arg9[%add3A_95] : memref<6400000xf32, #tpu.memory_space<hbm>> -> memref<2000xf32, #tpu.memory_space<hbm>>
    tpu.enqueue_dma source(%dma_start3A_101 : memref<2000xf32, #tpu.memory_space<hbm>>) target(%arg19 : memref<2000xf32, #tpu.memory_space<vmem>>) target_semaphore(%arg23 : memref<!tpu.dma_semaphore, #tpu.memory_space<semaphore_mem>>)
    %dma_start3A_102 = tpu.memref_slice %arg10[%add3A_95] : memref<6400000xf32, #tpu.memory_space<hbm>> -> memref<2000xf32, #tpu.memory_space<hbm>>
    %dma_start3A_103 = tpu.memref_slice %arg10[%add3A_95] : memref<6400000xf32, #tpu.memory_space<hbm>> -> memref<2000xf32, #tpu.memory_space<hbm>>
    tpu.enqueue_dma source(%dma_start3A_103 : memref<2000xf32, #tpu.memory_space<hbm>>) target(%arg20 : memref<2000xf32, #tpu.memory_space<vmem>>) target_semaphore(%arg23 : memref<!tpu.dma_semaphore, #tpu.memory_space<semaphore_mem>>)
    %scan3A_104 = arith.constant 0 : i32
    %scan3A_105 = arith.constant 0 : i32
    %scan3A_106 = arith.constant 50 : i32
    %scan3A_107 = arith.addi %scan3A_105, %scan3A_106 : i32
    %scan3A_108 = arith.constant 1 : i32
    scf.for %scan3A_130 = %scan3A_105 to %scan3A_107 step %scan3A_108  : i32 {
      %mul3A_131 = arith.constant 2 : i32
      %mul3A_132 = arith.muli %mul3A_131, %scan3A_130 : i32
      %add3A_133 = arith.constant 0 : i32
      %add3A_134 = arith.addi %mul3A_132, %add3A_133 : i32
      %dma_wait3A_135 = tpu.memref_slice %arg5[%mul3A_2] : memref<6400000xi32, #tpu.memory_space<hbm>> -> memref<2000xi32, #tpu.memory_space<hbm>>
      %dma_wait3A_136 = tpu.memref_slice %arg5[%mul3A_2] : memref<6400000xi32, #tpu.memory_space<hbm>> -> memref<2000xi32, #tpu.memory_space<hbm>>
      tpu.wait_dma2 semaphore(%arg22 : memref<!tpu.dma_semaphore, #tpu.memory_space<semaphore_mem>>) src(%dma_wait3A_136 : memref<2000xi32, #tpu.memory_space<hbm>>) dst(%arg12 : memref<2000xi32, #tpu.memory_space<vmem>>)
      %dma_wait3A_137 = tpu.memref_slice %arg6[%mul3A_2] : memref<6400000xi32, #tpu.memory_space<hbm>> -> memref<2000xi32, #tpu.memory_space<hbm>>
      %dma_wait3A_138 = tpu.memref_slice %arg6[%mul3A_2] : memref<6400000xi32, #tpu.memory_space<hbm>> -> memref<2000xi32, #tpu.memory_space<hbm>>
      tpu.wait_dma2 semaphore(%arg22 : memref<!tpu.dma_semaphore, #tpu.memory_space<semaphore_mem>>) src(%dma_wait3A_138 : memref<2000xi32, #tpu.memory_space<hbm>>) dst(%arg13 : memref<2000xi32, #tpu.memory_space<vmem>>)
      %dma_wait3A_139 = tpu.memref_slice %arg9[%mul3A_2] : memref<6400000xf32, #tpu.memory_space<hbm>> -> memref<2000xf32, #tpu.memory_space<hbm>>
      %dma_wait3A_140 = tpu.memref_slice %arg9[%mul3A_2] : memref<6400000xf32, #tpu.memory_space<hbm>> -> memref<2000xf32, #tpu.memory_space<hbm>>
      tpu.wait_dma2 semaphore(%arg22 : memref<!tpu.dma_semaphore, #tpu.memory_space<semaphore_mem>>) src(%dma_wait3A_140 : memref<2000xf32, #tpu.memory_space<hbm>>) dst(%arg14 : memref<2000xf32, #tpu.memory_space<vmem>>)
      %dma_wait3A_141 = tpu.memref_slice %arg10[%mul3A_2] : memref<6400000xf32, #tpu.memory_space<hbm>> -> memref<2000xf32, #tpu.memory_space<hbm>>
      %dma_wait3A_142 = tpu.memref_slice %arg10[%mul3A_2] : memref<6400000xf32, #tpu.memory_space<hbm>> -> memref<2000xf32, #tpu.memory_space<hbm>>
      tpu.wait_dma2 semaphore(%arg22 : memref<!tpu.dma_semaphore, #tpu.memory_space<semaphore_mem>>) src(%dma_wait3A_142 : memref<2000xf32, #tpu.memory_space<hbm>>) dst(%arg15 : memref<2000xf32, #tpu.memory_space<vmem>>)
      %gt3A = arith.constant 0 : i32
      %gt3A_143 = arith.cmpi sgt, %scan3A_130, %gt3A : i32
      %convert_element_type3A = arith.extui %gt3A_143 : i1 to i32
      %cond3A = arith.constant 0 : i32
      %cond3A_144 = arith.cmpi ne, %convert_element_type3A, %cond3A : i32
      scf.if %cond3A_144 {
        %dma_wait3A_325 = tpu.memref_slice %arg10[%mul3A_2] : memref<6400000xf32, #tpu.memory_space<hbm>> -> memref<2000xf32, #tpu.memory_space<hbm>>
        %dma_wait3A_326 = tpu.memref_slice %arg10[%mul3A_2] : memref<6400000xf32, #tpu.memory_space<hbm>> -> memref<2000xf32, #tpu.memory_space<hbm>>
        tpu.wait_dma2 semaphore(%arg24 : memref<!tpu.dma_semaphore, #tpu.memory_space<semaphore_mem>>) src(%arg16 : memref<2000xf32, #tpu.memory_space<vmem>>) dst(%dma_wait3A_326 : memref<2000xf32, #tpu.memory_space<hbm>>)
      } else {
      }
      %scan3A_145 = arith.constant 0 : i32
      %scan3A_146 = arith.constant 0 : i32
      %scan3A_147 = arith.constant 124 : i32
      %scan3A_148 = arith.addi %scan3A_146, %scan3A_147 : i32
      %scan3A_149 = arith.constant 4 : i32
      scf.for %scan3A_325 = %scan3A_146 to %scan3A_148 step %scan3A_149  : i32 {
        %mul3A_326 = arith.constant 16 : i32
        %mul3A_327 = arith.muli %scan3A_325, %mul3A_326 : i32
        %get3A_328 = arith.index_cast %mul3A_327 : i32 to index
        %get3A_329 = tpu.vector_load %arg12[%get3A_328] {strides = array<i32>} : memref<2000xi32, #tpu.memory_space<vmem>>, vector<16xi32>,
        %gather3A_330 = tpu.vector_load_idx %arg11[%get3A_329] : memref<100000xf32, #tpu.memory_space<vmem>>[vector<16xi32>], vector<16xf32>,
        %get3A_331 = arith.index_cast %mul3A_327 : i32 to index
        %get3A_332 = tpu.vector_load %arg13[%get3A_331] {strides = array<i32>} : memref<2000xi32, #tpu.memory_space<vmem>>, vector<16xi32>,
        %gather3A_333 = tpu.vector_load_idx %arg11[%get3A_332] : memref<100000xf32, #tpu.memory_space<vmem>>[vector<16xi32>], vector<16xf32>,
        %sub3A_334 = arith.subf %gather3A_330, %gather3A_333 : vector<16xf32>
        %get3A_335 = arith.index_cast %mul3A_327 : i32 to index
        %get3A_336 = tpu.vector_load %arg14[%get3A_335] {strides = array<i32>} : memref<2000xf32, #tpu.memory_space<vmem>>, vector<16xf32>,
        %sub3A_337 = arith.subf %sub3A_334, %get3A_336 : vector<16xf32>
        %add3A_338 = arith.constant 1.000000e-15 : f32
        %add3A_339 = vector.broadcast %add3A_338 : f32 to vector<16xf32>
        %add3A_340 = arith.addf %sub3A_337, %add3A_339 : vector<16xf32>
        %mul3A_341 = arith.mulf %add3A_340, %add3A_340 : vector<16xf32>
        %get3A_342 = arith.index_cast %mul3A_327 : i32 to index
        %get3A_343 = tpu.vector_load %arg15[%get3A_342] {strides = array<i32>} : memref<2000xf32, #tpu.memory_space<vmem>>, vector<16xf32>,
        %add3A_344 = arith.addf %get3A_343, %mul3A_341 : vector<16xf32>
        %bitcast3A_345 = vector.bitcast %add3A_344 : vector<16xf32> to vector<16xi32>
        %shift_right_arithmetic3A_346 = arith.constant 1 : i32
        %shift_right_arithmetic3A_347 = vector.broadcast %shift_right_arithmetic3A_346 : i32 to vector<16xi32>
        %shift_right_arithmetic3A_348 = arith.shrsi %bitcast3A_345, %shift_right_arithmetic3A_347 : vector<16xi32>
        %sub3A_349 = arith.constant 1597463007 : i32
        %sub3A_350 = vector.broadcast %sub3A_349 : i32 to vector<16xi32>
        %sub3A_351 = arith.subi %sub3A_350, %shift_right_arithmetic3A_348 : vector<16xi32>
        %bitcast3A_352 = vector.bitcast %sub3A_351 : vector<16xi32> to vector<16xf32>
        %mul3A_353 = arith.constant 5.000000e-01 : f32
        %mul3A_354 = vector.broadcast %mul3A_353 : f32 to vector<16xf32>
        %mul3A_355 = arith.mulf %mul3A_354, %add3A_344 : vector<16xf32>
        %mul3A_356 = arith.mulf %mul3A_355, %bitcast3A_352 : vector<16xf32>
        %mul3A_357 = arith.mulf %mul3A_356, %bitcast3A_352 : vector<16xf32>
        %sub3A_358 = arith.constant 1.500000e+00 : f32
        %sub3A_359 = vector.broadcast %sub3A_358 : f32 to vector<16xf32>
        %sub3A_360 = arith.subf %sub3A_359, %mul3A_357 : vector<16xf32>
        %mul3A_361 = arith.mulf %bitcast3A_352, %sub3A_360 : vector<16xf32>
        %mul3A_362 = arith.constant 5.000000e-01 : f32
        %mul3A_363 = vector.broadcast %mul3A_362 : f32 to vector<16xf32>
        %mul3A_364 = arith.mulf %mul3A_363, %add3A_344 : vector<16xf32>
        %mul3A_365 = arith.mulf %mul3A_364, %mul3A_361 : vector<16xf32>
        %mul3A_366 = arith.mulf %mul3A_365, %mul3A_361 : vector<16xf32>
        %sub3A_367 = arith.constant 1.500000e+00 : f32
        %sub3A_368 = vector.broadcast %sub3A_367 : f32 to vector<16xf32>
        %sub3A_369 = arith.subf %sub3A_368, %mul3A_366 : vector<16xf32>
        %mul3A_370 = arith.mulf %mul3A_361, %sub3A_369 : vector<16xf32>
        %mul3A_371 = arith.constant 5.000000e-01 : f32
        %mul3A_372 = vector.broadcast %mul3A_371 : f32 to vector<16xf32>
        %mul3A_373 = arith.mulf %mul3A_372, %add3A_344 : vector<16xf32>
        %mul3A_374 = arith.mulf %mul3A_373, %mul3A_370 : vector<16xf32>
        %mul3A_375 = arith.mulf %mul3A_374, %mul3A_370 : vector<16xf32>
        %sub3A_376 = arith.constant 1.500000e+00 : f32
        %sub3A_377 = vector.broadcast %sub3A_376 : f32 to vector<16xf32>
        %sub3A_378 = arith.subf %sub3A_377, %mul3A_375 : vector<16xf32>
        %mul3A_379 = arith.mulf %mul3A_370, %sub3A_378 : vector<16xf32>
        %mul3A_380 = arith.mulf %add3A_344, %mul3A_379 : vector<16xf32>
        %swap3A_381 = arith.index_cast %mul3A_327 : i32 to index
        %swap3A_382 = tpu.vector_load %arg16[%swap3A_381] {strides = array<i32>} : memref<2000xf32, #tpu.memory_space<vmem>>, vector<16xf32>,
        tpu.vector_store %arg16[%swap3A_381], %mul3A_380 {strides = array<i32>} : memref<2000xf32, #tpu.memory_space<vmem>>, vector<16xf32>,
        %scan3A_383 = arith.constant 1 : i32
        %scan3A_384 = arith.addi %scan3A_325, %scan3A_383 : i32
        %mul3A_385 = arith.constant 16 : i32
        %mul3A_386 = arith.muli %scan3A_384, %mul3A_385 : i32
        %get3A_387 = arith.index_cast %mul3A_386 : i32 to index
        %get3A_388 = tpu.vector_load %arg12[%get3A_387] {strides = array<i32>} : memref<2000xi32, #tpu.memory_space<vmem>>, vector<16xi32>,
        %gather3A_389 = tpu.vector_load_idx %arg11[%get3A_388] : memref<100000xf32, #tpu.memory_space<vmem>>[vector<16xi32>], vector<16xf32>,
        %get3A_390 = arith.index_cast %mul3A_386 : i32 to index
        %get3A_391 = tpu.vector_load %arg13[%get3A_390] {strides = array<i32>} : memref<2000xi32, #tpu.memory_space<vmem>>, vector<16xi32>,
        %gather3A_392 = tpu.vector_load_idx %arg11[%get3A_391] : memref<100000xf32, #tpu.memory_space<vmem>>[vector<16xi32>], vector<16xf32>,
        %sub3A_393 = arith.subf %gather3A_389, %gather3A_392 : vector<16xf32>
        %get3A_394 = arith.index_cast %mul3A_386 : i32 to index
        %get3A_395 = tpu.vector_load %arg14[%get3A_394] {strides = array<i32>} : memref<2000xf32, #tpu.memory_space<vmem>>, vector<16xf32>,
        %sub3A_396 = arith.subf %sub3A_393, %get3A_395 : vector<16xf32>
        %add3A_397 = arith.constant 1.000000e-15 : f32
        %add3A_398 = vector.broadcast %add3A_397 : f32 to vector<16xf32>
        %add3A_399 = arith.addf %sub3A_396, %add3A_398 : vector<16xf32>
        %mul3A_400 = arith.mulf %add3A_399, %add3A_399 : vector<16xf32>
        %get3A_401 = arith.index_cast %mul3A_386 : i32 to index
        %get3A_402 = tpu.vector_load %arg15[%get3A_401] {strides = array<i32>} : memref<2000xf32, #tpu.memory_space<vmem>>, vector<16xf32>,
        %add3A_403 = arith.addf %get3A_402, %mul3A_400 : vector<16xf32>
        %bitcast3A_404 = vector.bitcast %add3A_403 : vector<16xf32> to vector<16xi32>
        %shift_right_arithmetic3A_405 = arith.constant 1 : i32
        %shift_right_arithmetic3A_406 = vector.broadcast %shift_right_arithmetic3A_405 : i32 to vector<16xi32>
        %shift_right_arithmetic3A_407 = arith.shrsi %bitcast3A_404, %shift_right_arithmetic3A_406 : vector<16xi32>
        %sub3A_408 = arith.constant 1597463007 : i32
        %sub3A_409 = vector.broadcast %sub3A_408 : i32 to vector<16xi32>
        %sub3A_410 = arith.subi %sub3A_409, %shift_right_arithmetic3A_407 : vector<16xi32>
        %bitcast3A_411 = vector.bitcast %sub3A_410 : vector<16xi32> to vector<16xf32>
        %mul3A_412 = arith.constant 5.000000e-01 : f32
        %mul3A_413 = vector.broadcast %mul3A_412 : f32 to vector<16xf32>
        %mul3A_414 = arith.mulf %mul3A_413, %add3A_403 : vector<16xf32>
        %mul3A_415 = arith.mulf %mul3A_414, %bitcast3A_411 : vector<16xf32>
        %mul3A_416 = arith.mulf %mul3A_415, %bitcast3A_411 : vector<16xf32>
        %sub3A_417 = arith.constant 1.500000e+00 : f32
        %sub3A_418 = vector.broadcast %sub3A_417 : f32 to vector<16xf32>
        %sub3A_419 = arith.subf %sub3A_418, %mul3A_416 : vector<16xf32>
        %mul3A_420 = arith.mulf %bitcast3A_411, %sub3A_419 : vector<16xf32>
        %mul3A_421 = arith.constant 5.000000e-01 : f32
        %mul3A_422 = vector.broadcast %mul3A_421 : f32 to vector<16xf32>
        %mul3A_423 = arith.mulf %mul3A_422, %add3A_403 : vector<16xf32>
        %mul3A_424 = arith.mulf %mul3A_423, %mul3A_420 : vector<16xf32>
        %mul3A_425 = arith.mulf %mul3A_424, %mul3A_420 : vector<16xf32>
        %sub3A_426 = arith.constant 1.500000e+00 : f32
        %sub3A_427 = vector.broadcast %sub3A_426 : f32 to vector<16xf32>
        %sub3A_428 = arith.subf %sub3A_427, %mul3A_425 : vector<16xf32>
        %mul3A_429 = arith.mulf %mul3A_420, %sub3A_428 : vector<16xf32>
        %mul3A_430 = arith.constant 5.000000e-01 : f32
        %mul3A_431 = vector.broadcast %mul3A_430 : f32 to vector<16xf32>
        %mul3A_432 = arith.mulf %mul3A_431, %add3A_403 : vector<16xf32>
        %mul3A_433 = arith.mulf %mul3A_432, %mul3A_429 : vector<16xf32>
        %mul3A_434 = arith.mulf %mul3A_433, %mul3A_429 : vector<16xf32>
        %sub3A_435 = arith.constant 1.500000e+00 : f32
        %sub3A_436 = vector.broadcast %sub3A_435 : f32 to vector<16xf32>
        %sub3A_437 = arith.subf %sub3A_436, %mul3A_434 : vector<16xf32>
        %mul3A_438 = arith.mulf %mul3A_429, %sub3A_437 : vector<16xf32>
        %mul3A_439 = arith.mulf %add3A_403, %mul3A_438 : vector<16xf32>
        %swap3A_440 = arith.index_cast %mul3A_386 : i32 to index
        %swap3A_441 = tpu.vector_load %arg16[%swap3A_440] {strides = array<i32>} : memref<2000xf32, #tpu.memory_space<vmem>>, vector<16xf32>,
        tpu.vector_store %arg16[%swap3A_440], %mul3A_439 {strides = array<i32>} : memref<2000xf32, #tpu.memory_space<vmem>>, vector<16xf32>,
        %scan3A_442 = arith.constant 2 : i32
        %scan3A_443 = arith.addi %scan3A_325, %scan3A_442 : i32
        %mul3A_444 = arith.constant 16 : i32
        %mul3A_445 = arith.muli %scan3A_443, %mul3A_444 : i32
        %get3A_446 = arith.index_cast %mul3A_445 : i32 to index
        %get3A_447 = tpu.vector_load %arg12[%get3A_446] {strides = array<i32>} : memref<2000xi32, #tpu.memory_space<vmem>>, vector<16xi32>,
        %gather3A_448 = tpu.vector_load_idx %arg11[%get3A_447] : memref<100000xf32, #tpu.memory_space<vmem>>[vector<16xi32>], vector<16xf32>,
        %get3A_449 = arith.index_cast %mul3A_445 : i32 to index
        %get3A_450 = tpu.vector_load %arg13[%get3A_449] {strides = array<i32>} : memref<2000xi32, #tpu.memory_space<vmem>>, vector<16xi32>,
        %gather3A_451 = tpu.vector_load_idx %arg11[%get3A_450] : memref<100000xf32, #tpu.memory_space<vmem>>[vector<16xi32>], vector<16xf32>,
        %sub3A_452 = arith.subf %gather3A_448, %gather3A_451 : vector<16xf32>
        %get3A_453 = arith.index_cast %mul3A_445 : i32 to index
        %get3A_454 = tpu.vector_load %arg14[%get3A_453] {strides = array<i32>} : memref<2000xf32, #tpu.memory_space<vmem>>, vector<16xf32>,
        %sub3A_455 = arith.subf %sub3A_452, %get3A_454 : vector<16xf32>
        %add3A_456 = arith.constant 1.000000e-15 : f32
        %add3A_457 = vector.broadcast %add3A_456 : f32 to vector<16xf32>
        %add3A_458 = arith.addf %sub3A_455, %add3A_457 : vector<16xf32>
        %mul3A_459 = arith.mulf %add3A_458, %add3A_458 : vector<16xf32>
        %get3A_460 = arith.index_cast %mul3A_445 : i32 to index
        %get3A_461 = tpu.vector_load %arg15[%get3A_460] {strides = array<i32>} : memref<2000xf32, #tpu.memory_space<vmem>>, vector<16xf32>,
        %add3A_462 = arith.addf %get3A_461, %mul3A_459 : vector<16xf32>
        %bitcast3A_463 = vector.bitcast %add3A_462 : vector<16xf32> to vector<16xi32>
        %shift_right_arithmetic3A_464 = arith.constant 1 : i32
        %shift_right_arithmetic3A_465 = vector.broadcast %shift_right_arithmetic3A_464 : i32 to vector<16xi32>
        %shift_right_arithmetic3A_466 = arith.shrsi %bitcast3A_463, %shift_right_arithmetic3A_465 : vector<16xi32>
        %sub3A_467 = arith.constant 1597463007 : i32
        %sub3A_468 = vector.broadcast %sub3A_467 : i32 to vector<16xi32>
        %sub3A_469 = arith.subi %sub3A_468, %shift_right_arithmetic3A_466 : vector<16xi32>
        %bitcast3A_470 = vector.bitcast %sub3A_469 : vector<16xi32> to vector<16xf32>
        %mul3A_471 = arith.constant 5.000000e-01 : f32
        %mul3A_472 = vector.broadcast %mul3A_471 : f32 to vector<16xf32>
        %mul3A_473 = arith.mulf %mul3A_472, %add3A_462 : vector<16xf32>
        %mul3A_474 = arith.mulf %mul3A_473, %bitcast3A_470 : vector<16xf32>
        %mul3A_475 = arith.mulf %mul3A_474, %bitcast3A_470 : vector<16xf32>
        %sub3A_476 = arith.constant 1.500000e+00 : f32
        %sub3A_477 = vector.broadcast %sub3A_476 : f32 to vector<16xf32>
        %sub3A_478 = arith.subf %sub3A_477, %mul3A_475 : vector<16xf32>
        %mul3A_479 = arith.mulf %bitcast3A_470, %sub3A_478 : vector<16xf32>
        %mul3A_480 = arith.constant 5.000000e-01 : f32
        %mul3A_481 = vector.broadcast %mul3A_480 : f32 to vector<16xf32>
        %mul3A_482 = arith.mulf %mul3A_481, %add3A_462 : vector<16xf32>
        %mul3A_483 = arith.mulf %mul3A_482, %mul3A_479 : vector<16xf32>
        %mul3A_484 = arith.mulf %mul3A_483, %mul3A_479 : vector<16xf32>
        %sub3A_485 = arith.constant 1.500000e+00 : f32
        %sub3A_486 = vector.broadcast %sub3A_485 : f32 to vector<16xf32>
        %sub3A_487 = arith.subf %sub3A_486, %mul3A_484 : vector<16xf32>
        %mul3A_488 = arith.mulf %mul3A_479, %sub3A_487 : vector<16xf32>
        %mul3A_489 = arith.constant 5.000000e-01 : f32
        %mul3A_490 = vector.broadcast %mul3A_489 : f32 to vector<16xf32>
        %mul3A_491 = arith.mulf %mul3A_490, %add3A_462 : vector<16xf32>
        %mul3A_492 = arith.mulf %mul3A_491, %mul3A_488 : vector<16xf32>
        %mul3A_493 = arith.mulf %mul3A_492, %mul3A_488 : vector<16xf32>
        %sub3A_494 = arith.constant 1.500000e+00 : f32
        %sub3A_495 = vector.broadcast %sub3A_494 : f32 to vector<16xf32>
        %sub3A_496 = arith.subf %sub3A_495, %mul3A_493 : vector<16xf32>
        %mul3A_497 = arith.mulf %mul3A_488, %sub3A_496 : vector<16xf32>
        %mul3A_498 = arith.mulf %add3A_462, %mul3A_497 : vector<16xf32>
        %swap3A_499 = arith.index_cast %mul3A_445 : i32 to index
        %swap3A_500 = tpu.vector_load %arg16[%swap3A_499] {strides = array<i32>} : memref<2000xf32, #tpu.memory_space<vmem>>, vector<16xf32>,
        tpu.vector_store %arg16[%swap3A_499], %mul3A_498 {strides = array<i32>} : memref<2000xf32, #tpu.memory_space<vmem>>, vector<16xf32>,
        %scan3A_501 = arith.constant 3 : i32
        %scan3A_502 = arith.addi %scan3A_325, %scan3A_501 : i32
        %mul3A_503 = arith.constant 16 : i32
        %mul3A_504 = arith.muli %scan3A_502, %mul3A_503 : i32
        %get3A_505 = arith.index_cast %mul3A_504 : i32 to index
        %get3A_506 = tpu.vector_load %arg12[%get3A_505] {strides = array<i32>} : memref<2000xi32, #tpu.memory_space<vmem>>, vector<16xi32>,
        %gather3A_507 = tpu.vector_load_idx %arg11[%get3A_506] : memref<100000xf32, #tpu.memory_space<vmem>>[vector<16xi32>], vector<16xf32>,
        %get3A_508 = arith.index_cast %mul3A_504 : i32 to index
        %get3A_509 = tpu.vector_load %arg13[%get3A_508] {strides = array<i32>} : memref<2000xi32, #tpu.memory_space<vmem>>, vector<16xi32>,
        %gather3A_510 = tpu.vector_load_idx %arg11[%get3A_509] : memref<100000xf32, #tpu.memory_space<vmem>>[vector<16xi32>], vector<16xf32>,
        %sub3A_511 = arith.subf %gather3A_507, %gather3A_510 : vector<16xf32>
        %get3A_512 = arith.index_cast %mul3A_504 : i32 to index
        %get3A_513 = tpu.vector_load %arg14[%get3A_512] {strides = array<i32>} : memref<2000xf32, #tpu.memory_space<vmem>>, vector<16xf32>,
        %sub3A_514 = arith.subf %sub3A_511, %get3A_513 : vector<16xf32>
        %add3A_515 = arith.constant 1.000000e-15 : f32
        %add3A_516 = vector.broadcast %add3A_515 : f32 to vector<16xf32>
        %add3A_517 = arith.addf %sub3A_514, %add3A_516 : vector<16xf32>
        %mul3A_518 = arith.mulf %add3A_517, %add3A_517 : vector<16xf32>
        %get3A_519 = arith.index_cast %mul3A_504 : i32 to index
        %get3A_520 = tpu.vector_load %arg15[%get3A_519] {strides = array<i32>} : memref<2000xf32, #tpu.memory_space<vmem>>, vector<16xf32>,
        %add3A_521 = arith.addf %get3A_520, %mul3A_518 : vector<16xf32>
        %bitcast3A_522 = vector.bitcast %add3A_521 : vector<16xf32> to vector<16xi32>
        %shift_right_arithmetic3A_523 = arith.constant 1 : i32
        %shift_right_arithmetic3A_524 = vector.broadcast %shift_right_arithmetic3A_523 : i32 to vector<16xi32>
        %shift_right_arithmetic3A_525 = arith.shrsi %bitcast3A_522, %shift_right_arithmetic3A_524 : vector<16xi32>
        %sub3A_526 = arith.constant 1597463007 : i32
        %sub3A_527 = vector.broadcast %sub3A_526 : i32 to vector<16xi32>
        %sub3A_528 = arith.subi %sub3A_527, %shift_right_arithmetic3A_525 : vector<16xi32>
        %bitcast3A_529 = vector.bitcast %sub3A_528 : vector<16xi32> to vector<16xf32>
        %mul3A_530 = arith.constant 5.000000e-01 : f32
        %mul3A_531 = vector.broadcast %mul3A_530 : f32 to vector<16xf32>
        %mul3A_532 = arith.mulf %mul3A_531, %add3A_521 : vector<16xf32>
        %mul3A_533 = arith.mulf %mul3A_532, %bitcast3A_529 : vector<16xf32>
        %mul3A_534 = arith.mulf %mul3A_533, %bitcast3A_529 : vector<16xf32>
        %sub3A_535 = arith.constant 1.500000e+00 : f32
        %sub3A_536 = vector.broadcast %sub3A_535 : f32 to vector<16xf32>
        %sub3A_537 = arith.subf %sub3A_536, %mul3A_534 : vector<16xf32>
        %mul3A_538 = arith.mulf %bitcast3A_529, %sub3A_537 : vector<16xf32>
        %mul3A_539 = arith.constant 5.000000e-01 : f32
        %mul3A_540 = vector.broadcast %mul3A_539 : f32 to vector<16xf32>
        %mul3A_541 = arith.mulf %mul3A_540, %add3A_521 : vector<16xf32>
        %mul3A_542 = arith.mulf %mul3A_541, %mul3A_538 : vector<16xf32>
        %mul3A_543 = arith.mulf %mul3A_542, %mul3A_538 : vector<16xf32>
        %sub3A_544 = arith.constant 1.500000e+00 : f32
        %sub3A_545 = vector.broadcast %sub3A_544 : f32 to vector<16xf32>
        %sub3A_546 = arith.subf %sub3A_545, %mul3A_543 : vector<16xf32>
        %mul3A_547 = arith.mulf %mul3A_538, %sub3A_546 : vector<16xf32>
        %mul3A_548 = arith.constant 5.000000e-01 : f32
        %mul3A_549 = vector.broadcast %mul3A_548 : f32 to vector<16xf32>
        %mul3A_550 = arith.mulf %mul3A_549, %add3A_521 : vector<16xf32>
        %mul3A_551 = arith.mulf %mul3A_550, %mul3A_547 : vector<16xf32>
        %mul3A_552 = arith.mulf %mul3A_551, %mul3A_547 : vector<16xf32>
        %sub3A_553 = arith.constant 1.500000e+00 : f32
        %sub3A_554 = vector.broadcast %sub3A_553 : f32 to vector<16xf32>
        %sub3A_555 = arith.subf %sub3A_554, %mul3A_552 : vector<16xf32>
        %mul3A_556 = arith.mulf %mul3A_547, %sub3A_555 : vector<16xf32>
        %mul3A_557 = arith.mulf %add3A_521, %mul3A_556 : vector<16xf32>
        %swap3A_558 = arith.index_cast %mul3A_504 : i32 to index
        %swap3A_559 = tpu.vector_load %arg16[%swap3A_558] {strides = array<i32>} : memref<2000xf32, #tpu.memory_space<vmem>>, vector<16xf32>,
        tpu.vector_store %arg16[%swap3A_558], %mul3A_557 {strides = array<i32>} : memref<2000xf32, #tpu.memory_space<vmem>>, vector<16xf32>,
      }
      %scan3A_150 = arith.constant 124 : i32
      %scan3A_151 = arith.addi %scan3A_146, %scan3A_150 : i32
      %mul3A_152 = arith.constant 16 : i32
      %mul3A_153 = arith.muli %scan3A_151, %mul3A_152 : i32
      %get3A = arith.index_cast %mul3A_153 : i32 to index
      %get3A_154 = tpu.vector_load %arg12[%get3A] {strides = array<i32>} : memref<2000xi32, #tpu.memory_space<vmem>>, vector<16xi32>,
      %gather3A = tpu.vector_load_idx %arg11[%get3A_154] : memref<100000xf32, #tpu.memory_space<vmem>>[vector<16xi32>], vector<16xf32>,
      %get3A_155 = arith.index_cast %mul3A_153 : i32 to index
      %get3A_156 = tpu.vector_load %arg13[%get3A_155] {strides = array<i32>} : memref<2000xi32, #tpu.memory_space<vmem>>, vector<16xi32>,
      %gather3A_157 = tpu.vector_load_idx %arg11[%get3A_156] : memref<100000xf32, #tpu.memory_space<vmem>>[vector<16xi32>], vector<16xf32>,
      %sub3A = arith.subf %gather3A, %gather3A_157 : vector<16xf32>
      %get3A_158 = arith.index_cast %mul3A_153 : i32 to index
      %get3A_159 = tpu.vector_load %arg14[%get3A_158] {strides = array<i32>} : memref<2000xf32, #tpu.memory_space<vmem>>, vector<16xf32>,
      %sub3A_160 = arith.subf %sub3A, %get3A_159 : vector<16xf32>
      %add3A_161 = arith.constant 1.000000e-15 : f32
      %add3A_162 = vector.broadcast %add3A_161 : f32 to vector<16xf32>
      %add3A_163 = arith.addf %sub3A_160, %add3A_162 : vector<16xf32>
      %mul3A_164 = arith.mulf %add3A_163, %add3A_163 : vector<16xf32>
      %get3A_165 = arith.index_cast %mul3A_153 : i32 to index
      %get3A_166 = tpu.vector_load %arg15[%get3A_165] {strides = array<i32>} : memref<2000xf32, #tpu.memory_space<vmem>>, vector<16xf32>,
      %add3A_167 = arith.addf %get3A_166, %mul3A_164 : vector<16xf32>
      %bitcast3A = vector.bitcast %add3A_167 : vector<16xf32> to vector<16xi32>
      %shift_right_arithmetic3A = arith.constant 1 : i32
      %shift_right_arithmetic3A_168 = vector.broadcast %shift_right_arithmetic3A : i32 to vector<16xi32>
      %shift_right_arithmetic3A_169 = arith.shrsi %bitcast3A, %shift_right_arithmetic3A_168 : vector<16xi32>
      %sub3A_170 = arith.constant 1597463007 : i32
      %sub3A_171 = vector.broadcast %sub3A_170 : i32 to vector<16xi32>
      %sub3A_172 = arith.subi %sub3A_171, %shift_right_arithmetic3A_169 : vector<16xi32>
      %bitcast3A_173 = vector.bitcast %sub3A_172 : vector<16xi32> to vector<16xf32>
      %mul3A_174 = arith.constant 5.000000e-01 : f32
      %mul3A_175 = vector.broadcast %mul3A_174 : f32 to vector<16xf32>
      %mul3A_176 = arith.mulf %mul3A_175, %add3A_167 : vector<16xf32>
      %mul3A_177 = arith.mulf %mul3A_176, %bitcast3A_173 : vector<16xf32>
      %mul3A_178 = arith.mulf %mul3A_177, %bitcast3A_173 : vector<16xf32>
      %sub3A_179 = arith.constant 1.500000e+00 : f32
      %sub3A_180 = vector.broadcast %sub3A_179 : f32 to vector<16xf32>
      %sub3A_181 = arith.subf %sub3A_180, %mul3A_178 : vector<16xf32>
      %mul3A_182 = arith.mulf %bitcast3A_173, %sub3A_181 : vector<16xf32>
      %mul3A_183 = arith.constant 5.000000e-01 : f32
      %mul3A_184 = vector.broadcast %mul3A_183 : f32 to vector<16xf32>
      %mul3A_185 = arith.mulf %mul3A_184, %add3A_167 : vector<16xf32>
      %mul3A_186 = arith.mulf %mul3A_185, %mul3A_182 : vector<16xf32>
      %mul3A_187 = arith.mulf %mul3A_186, %mul3A_182 : vector<16xf32>
      %sub3A_188 = arith.constant 1.500000e+00 : f32
      %sub3A_189 = vector.broadcast %sub3A_188 : f32 to vector<16xf32>
      %sub3A_190 = arith.subf %sub3A_189, %mul3A_187 : vector<16xf32>
      %mul3A_191 = arith.mulf %mul3A_182, %sub3A_190 : vector<16xf32>
      %mul3A_192 = arith.constant 5.000000e-01 : f32
      %mul3A_193 = vector.broadcast %mul3A_192 : f32 to vector<16xf32>
      %mul3A_194 = arith.mulf %mul3A_193, %add3A_167 : vector<16xf32>
      %mul3A_195 = arith.mulf %mul3A_194, %mul3A_191 : vector<16xf32>
      %mul3A_196 = arith.mulf %mul3A_195, %mul3A_191 : vector<16xf32>
      %sub3A_197 = arith.constant 1.500000e+00 : f32
      %sub3A_198 = vector.broadcast %sub3A_197 : f32 to vector<16xf32>
      %sub3A_199 = arith.subf %sub3A_198, %mul3A_196 : vector<16xf32>
      %mul3A_200 = arith.mulf %mul3A_191, %sub3A_199 : vector<16xf32>
      %mul3A_201 = arith.mulf %add3A_167, %mul3A_200 : vector<16xf32>
      %swap3A = arith.index_cast %mul3A_153 : i32 to index
      %swap3A_202 = tpu.vector_load %arg16[%swap3A] {strides = array<i32>} : memref<2000xf32, #tpu.memory_space<vmem>>, vector<16xf32>,
      tpu.vector_store %arg16[%swap3A], %mul3A_201 {strides = array<i32>} : memref<2000xf32, #tpu.memory_space<vmem>>, vector<16xf32>,
      %scan3A_203 = arith.constant 125 : i32
      %mul3A_204 = arith.constant 2000 : i32
      %mul3A_205 = arith.muli %add3A_134, %mul3A_204 : i32
      %add3A_206 = arith.addi %mul3A_2, %mul3A_205 : i32
      %dma_start3A_207 = tpu.memref_slice %arg10[%add3A_206] : memref<6400000xf32, #tpu.memory_space<hbm>> -> memref<2000xf32, #tpu.memory_space<hbm>>
      %dma_start3A_208 = tpu.memref_slice %arg10[%add3A_206] : memref<6400000xf32, #tpu.memory_space<hbm>> -> memref<2000xf32, #tpu.memory_space<hbm>>
      tpu.enqueue_dma source(%arg16 : memref<2000xf32, #tpu.memory_space<vmem>>) target(%dma_start3A_208 : memref<2000xf32, #tpu.memory_space<hbm>>) target_semaphore(%arg24 : memref<!tpu.dma_semaphore, #tpu.memory_space<semaphore_mem>>)
      %add3A_209 = arith.constant 2 : i32
      %add3A_210 = arith.addi %add3A_134, %add3A_209 : i32
      %rem3A = arith.constant 100 : i32
      %rem3A_211 = arith.remsi %add3A_210, %rem3A : i32
      %mul3A_212 = arith.constant 2000 : i32
      %mul3A_213 = arith.muli %rem3A_211, %mul3A_212 : i32
      %add3A_214 = arith.addi %mul3A_2, %mul3A_213 : i32
      %dma_start3A_215 = tpu.memref_slice %arg5[%add3A_214] : memref<6400000xi32, #tpu.memory_space<hbm>> -> memref<2000xi32, #tpu.memory_space<hbm>>
      %dma_start3A_216 = tpu.memref_slice %arg5[%add3A_214] : memref<6400000xi32, #tpu.memory_space<hbm>> -> memref<2000xi32, #tpu.memory_space<hbm>>
      tpu.enqueue_dma source(%dma_start3A_216 : memref<2000xi32, #tpu.memory_space<hbm>>) target(%arg12 : memref<2000xi32, #tpu.memory_space<vmem>>) target_semaphore(%arg22 : memref<!tpu.dma_semaphore, #tpu.memory_space<semaphore_mem>>)
      %dma_start3A_217 = tpu.memref_slice %arg6[%add3A_214] : memref<6400000xi32, #tpu.memory_space<hbm>> -> memref<2000xi32, #tpu.memory_space<hbm>>
      %dma_start3A_218 = tpu.memref_slice %arg6[%add3A_214] : memref<6400000xi32, #tpu.memory_space<hbm>> -> memref<2000xi32, #tpu.memory_space<hbm>>
      tpu.enqueue_dma source(%dma_start3A_218 : memref<2000xi32, #tpu.memory_space<hbm>>) target(%arg13 : memref<2000xi32, #tpu.memory_space<vmem>>) target_semaphore(%arg22 : memref<!tpu.dma_semaphore, #tpu.memory_space<semaphore_mem>>)
      %dma_start3A_219 = tpu.memref_slice %arg9[%add3A_214] : memref<6400000xf32, #tpu.memory_space<hbm>> -> memref<2000xf32, #tpu.memory_space<hbm>>
      %dma_start3A_220 = tpu.memref_slice %arg9[%add3A_214] : memref<6400000xf32, #tpu.memory_space<hbm>> -> memref<2000xf32, #tpu.memory_space<hbm>>
      tpu.enqueue_dma source(%dma_start3A_220 : memref<2000xf32, #tpu.memory_space<hbm>>) target(%arg14 : memref<2000xf32, #tpu.memory_space<vmem>>) target_semaphore(%arg22 : memref<!tpu.dma_semaphore, #tpu.memory_space<semaphore_mem>>)
      %dma_start3A_221 = tpu.memref_slice %arg10[%add3A_214] : memref<6400000xf32, #tpu.memory_space<hbm>> -> memref<2000xf32, #tpu.memory_space<hbm>>
      %dma_start3A_222 = tpu.memref_slice %arg10[%add3A_214] : memref<6400000xf32, #tpu.memory_space<hbm>> -> memref<2000xf32, #tpu.memory_space<hbm>>
      tpu.enqueue_dma source(%dma_start3A_222 : memref<2000xf32, #tpu.memory_space<hbm>>) target(%arg15 : memref<2000xf32, #tpu.memory_space<vmem>>) target_semaphore(%arg22 : memref<!tpu.dma_semaphore, #tpu.memory_space<semaphore_mem>>)
      %mul3A_223 = arith.constant 2 : i32
      %mul3A_224 = arith.muli %mul3A_223, %scan3A_130 : i32
      %add3A_225 = arith.constant 1 : i32
      %add3A_226 = arith.addi %mul3A_224, %add3A_225 : i32
      %dma_wait3A_227 = tpu.memref_slice %arg5[%mul3A_2] : memref<6400000xi32, #tpu.memory_space<hbm>> -> memref<2000xi32, #tpu.memory_space<hbm>>
      %dma_wait3A_228 = tpu.memref_slice %arg5[%mul3A_2] : memref<6400000xi32, #tpu.memory_space<hbm>> -> memref<2000xi32, #tpu.memory_space<hbm>>
      tpu.wait_dma2 semaphore(%arg23 : memref<!tpu.dma_semaphore, #tpu.memory_space<semaphore_mem>>) src(%dma_wait3A_228 : memref<2000xi32, #tpu.memory_space<hbm>>) dst(%arg17 : memref<2000xi32, #tpu.memory_space<vmem>>)
      %dma_wait3A_229 = tpu.memref_slice %arg6[%mul3A_2] : memref<6400000xi32, #tpu.memory_space<hbm>> -> memref<2000xi32, #tpu.memory_space<hbm>>
      %dma_wait3A_230 = tpu.memref_slice %arg6[%mul3A_2] : memref<6400000xi32, #tpu.memory_space<hbm>> -> memref<2000xi32, #tpu.memory_space<hbm>>
      tpu.wait_dma2 semaphore(%arg23 : memref<!tpu.dma_semaphore, #tpu.memory_space<semaphore_mem>>) src(%dma_wait3A_230 : memref<2000xi32, #tpu.memory_space<hbm>>) dst(%arg18 : memref<2000xi32, #tpu.memory_space<vmem>>)
      %dma_wait3A_231 = tpu.memref_slice %arg9[%mul3A_2] : memref<6400000xf32, #tpu.memory_space<hbm>> -> memref<2000xf32, #tpu.memory_space<hbm>>
      %dma_wait3A_232 = tpu.memref_slice %arg9[%mul3A_2] : memref<6400000xf32, #tpu.memory_space<hbm>> -> memref<2000xf32, #tpu.memory_space<hbm>>
      tpu.wait_dma2 semaphore(%arg23 : memref<!tpu.dma_semaphore, #tpu.memory_space<semaphore_mem>>) src(%dma_wait3A_232 : memref<2000xf32, #tpu.memory_space<hbm>>) dst(%arg19 : memref<2000xf32, #tpu.memory_space<vmem>>)
      %dma_wait3A_233 = tpu.memref_slice %arg10[%mul3A_2] : memref<6400000xf32, #tpu.memory_space<hbm>> -> memref<2000xf32, #tpu.memory_space<hbm>>
      %dma_wait3A_234 = tpu.memref_slice %arg10[%mul3A_2] : memref<6400000xf32, #tpu.memory_space<hbm>> -> memref<2000xf32, #tpu.memory_space<hbm>>
      tpu.wait_dma2 semaphore(%arg23 : memref<!tpu.dma_semaphore, #tpu.memory_space<semaphore_mem>>) src(%dma_wait3A_234 : memref<2000xf32, #tpu.memory_space<hbm>>) dst(%arg20 : memref<2000xf32, #tpu.memory_space<vmem>>)
      %gt3A_235 = arith.constant 0 : i32
      %gt3A_236 = arith.cmpi sgt, %scan3A_130, %gt3A_235 : i32
      %convert_element_type3A_237 = arith.extui %gt3A_236 : i1 to i32
      %cond3A_238 = arith.constant 0 : i32
      %cond3A_239 = arith.cmpi ne, %convert_element_type3A_237, %cond3A_238 : i32
      scf.if %cond3A_239 {
        %dma_wait3A_325 = tpu.memref_slice %arg10[%mul3A_2] : memref<6400000xf32, #tpu.memory_space<hbm>> -> memref<2000xf32, #tpu.memory_space<hbm>>
        %dma_wait3A_326 = tpu.memref_slice %arg10[%mul3A_2] : memref<6400000xf32, #tpu.memory_space<hbm>> -> memref<2000xf32, #tpu.memory_space<hbm>>
        tpu.wait_dma2 semaphore(%arg25 : memref<!tpu.dma_semaphore, #tpu.memory_space<semaphore_mem>>) src(%arg21 : memref<2000xf32, #tpu.memory_space<vmem>>) dst(%dma_wait3A_326 : memref<2000xf32, #tpu.memory_space<hbm>>)
      } else {
      }
      %scan3A_240 = arith.constant 0 : i32
      %scan3A_241 = arith.constant 0 : i32
      %scan3A_242 = arith.constant 124 : i32
      %scan3A_243 = arith.addi %scan3A_241, %scan3A_242 : i32
      %scan3A_244 = arith.constant 4 : i32
      scf.for %scan3A_325 = %scan3A_241 to %scan3A_243 step %scan3A_244  : i32 {
        %mul3A_326 = arith.constant 16 : i32
        %mul3A_327 = arith.muli %scan3A_325, %mul3A_326 : i32
        %get3A_328 = arith.index_cast %mul3A_327 : i32 to index
        %get3A_329 = tpu.vector_load %arg17[%get3A_328] {strides = array<i32>} : memref<2000xi32, #tpu.memory_space<vmem>>, vector<16xi32>,
        %gather3A_330 = tpu.vector_load_idx %arg11[%get3A_329] : memref<100000xf32, #tpu.memory_space<vmem>>[vector<16xi32>], vector<16xf32>,
        %get3A_331 = arith.index_cast %mul3A_327 : i32 to index
        %get3A_332 = tpu.vector_load %arg18[%get3A_331] {strides = array<i32>} : memref<2000xi32, #tpu.memory_space<vmem>>, vector<16xi32>,
        %gather3A_333 = tpu.vector_load_idx %arg11[%get3A_332] : memref<100000xf32, #tpu.memory_space<vmem>>[vector<16xi32>], vector<16xf32>,
        %sub3A_334 = arith.subf %gather3A_330, %gather3A_333 : vector<16xf32>
        %get3A_335 = arith.index_cast %mul3A_327 : i32 to index
        %get3A_336 = tpu.vector_load %arg19[%get3A_335] {strides = array<i32>} : memref<2000xf32, #tpu.memory_space<vmem>>, vector<16xf32>,
        %sub3A_337 = arith.subf %sub3A_334, %get3A_336 : vector<16xf32>
        %add3A_338 = arith.constant 1.000000e-15 : f32
        %add3A_339 = vector.broadcast %add3A_338 : f32 to vector<16xf32>
        %add3A_340 = arith.addf %sub3A_337, %add3A_339 : vector<16xf32>
        %mul3A_341 = arith.mulf %add3A_340, %add3A_340 : vector<16xf32>
        %get3A_342 = arith.index_cast %mul3A_327 : i32 to index
        %get3A_343 = tpu.vector_load %arg20[%get3A_342] {strides = array<i32>} : memref<2000xf32, #tpu.memory_space<vmem>>, vector<16xf32>,
        %add3A_344 = arith.addf %get3A_343, %mul3A_341 : vector<16xf32>
        %bitcast3A_345 = vector.bitcast %add3A_344 : vector<16xf32> to vector<16xi32>
        %shift_right_arithmetic3A_346 = arith.constant 1 : i32
        %shift_right_arithmetic3A_347 = vector.broadcast %shift_right_arithmetic3A_346 : i32 to vector<16xi32>
        %shift_right_arithmetic3A_348 = arith.shrsi %bitcast3A_345, %shift_right_arithmetic3A_347 : vector<16xi32>
        %sub3A_349 = arith.constant 1597463007 : i32
        %sub3A_350 = vector.broadcast %sub3A_349 : i32 to vector<16xi32>
        %sub3A_351 = arith.subi %sub3A_350, %shift_right_arithmetic3A_348 : vector<16xi32>
        %bitcast3A_352 = vector.bitcast %sub3A_351 : vector<16xi32> to vector<16xf32>
        %mul3A_353 = arith.constant 5.000000e-01 : f32
        %mul3A_354 = vector.broadcast %mul3A_353 : f32 to vector<16xf32>
        %mul3A_355 = arith.mulf %mul3A_354, %add3A_344 : vector<16xf32>
        %mul3A_356 = arith.mulf %mul3A_355, %bitcast3A_352 : vector<16xf32>
        %mul3A_357 = arith.mulf %mul3A_356, %bitcast3A_352 : vector<16xf32>
        %sub3A_358 = arith.constant 1.500000e+00 : f32
        %sub3A_359 = vector.broadcast %sub3A_358 : f32 to vector<16xf32>
        %sub3A_360 = arith.subf %sub3A_359, %mul3A_357 : vector<16xf32>
        %mul3A_361 = arith.mulf %bitcast3A_352, %sub3A_360 : vector<16xf32>
        %mul3A_362 = arith.constant 5.000000e-01 : f32
        %mul3A_363 = vector.broadcast %mul3A_362 : f32 to vector<16xf32>
        %mul3A_364 = arith.mulf %mul3A_363, %add3A_344 : vector<16xf32>
        %mul3A_365 = arith.mulf %mul3A_364, %mul3A_361 : vector<16xf32>
        %mul3A_366 = arith.mulf %mul3A_365, %mul3A_361 : vector<16xf32>
        %sub3A_367 = arith.constant 1.500000e+00 : f32
        %sub3A_368 = vector.broadcast %sub3A_367 : f32 to vector<16xf32>
        %sub3A_369 = arith.subf %sub3A_368, %mul3A_366 : vector<16xf32>
        %mul3A_370 = arith.mulf %mul3A_361, %sub3A_369 : vector<16xf32>
        %mul3A_371 = arith.constant 5.000000e-01 : f32
        %mul3A_372 = vector.broadcast %mul3A_371 : f32 to vector<16xf32>
        %mul3A_373 = arith.mulf %mul3A_372, %add3A_344 : vector<16xf32>
        %mul3A_374 = arith.mulf %mul3A_373, %mul3A_370 : vector<16xf32>
        %mul3A_375 = arith.mulf %mul3A_374, %mul3A_370 : vector<16xf32>
        %sub3A_376 = arith.constant 1.500000e+00 : f32
        %sub3A_377 = vector.broadcast %sub3A_376 : f32 to vector<16xf32>
        %sub3A_378 = arith.subf %sub3A_377, %mul3A_375 : vector<16xf32>
        %mul3A_379 = arith.mulf %mul3A_370, %sub3A_378 : vector<16xf32>
        %mul3A_380 = arith.mulf %add3A_344, %mul3A_379 : vector<16xf32>
        %swap3A_381 = arith.index_cast %mul3A_327 : i32 to index
        %swap3A_382 = tpu.vector_load %arg21[%swap3A_381] {strides = array<i32>} : memref<2000xf32, #tpu.memory_space<vmem>>, vector<16xf32>,
        tpu.vector_store %arg21[%swap3A_381], %mul3A_380 {strides = array<i32>} : memref<2000xf32, #tpu.memory_space<vmem>>, vector<16xf32>,
        %scan3A_383 = arith.constant 1 : i32
        %scan3A_384 = arith.addi %scan3A_325, %scan3A_383 : i32
        %mul3A_385 = arith.constant 16 : i32
        %mul3A_386 = arith.muli %scan3A_384, %mul3A_385 : i32
        %get3A_387 = arith.index_cast %mul3A_386 : i32 to index
        %get3A_388 = tpu.vector_load %arg17[%get3A_387] {strides = array<i32>} : memref<2000xi32, #tpu.memory_space<vmem>>, vector<16xi32>,
        %gather3A_389 = tpu.vector_load_idx %arg11[%get3A_388] : memref<100000xf32, #tpu.memory_space<vmem>>[vector<16xi32>], vector<16xf32>,
        %get3A_390 = arith.index_cast %mul3A_386 : i32 to index
        %get3A_391 = tpu.vector_load %arg18[%get3A_390] {strides = array<i32>} : memref<2000xi32, #tpu.memory_space<vmem>>, vector<16xi32>,
        %gather3A_392 = tpu.vector_load_idx %arg11[%get3A_391] : memref<100000xf32, #tpu.memory_space<vmem>>[vector<16xi32>], vector<16xf32>,
        %sub3A_393 = arith.subf %gather3A_389, %gather3A_392 : vector<16xf32>
        %get3A_394 = arith.index_cast %mul3A_386 : i32 to index
        %get3A_395 = tpu.vector_load %arg19[%get3A_394] {strides = array<i32>} : memref<2000xf32, #tpu.memory_space<vmem>>, vector<16xf32>,
        %sub3A_396 = arith.subf %sub3A_393, %get3A_395 : vector<16xf32>
        %add3A_397 = arith.constant 1.000000e-15 : f32
        %add3A_398 = vector.broadcast %add3A_397 : f32 to vector<16xf32>
        %add3A_399 = arith.addf %sub3A_396, %add3A_398 : vector<16xf32>
        %mul3A_400 = arith.mulf %add3A_399, %add3A_399 : vector<16xf32>
        %get3A_401 = arith.index_cast %mul3A_386 : i32 to index
        %get3A_402 = tpu.vector_load %arg20[%get3A_401] {strides = array<i32>} : memref<2000xf32, #tpu.memory_space<vmem>>, vector<16xf32>,
        %add3A_403 = arith.addf %get3A_402, %mul3A_400 : vector<16xf32>
        %bitcast3A_404 = vector.bitcast %add3A_403 : vector<16xf32> to vector<16xi32>
        %shift_right_arithmetic3A_405 = arith.constant 1 : i32
        %shift_right_arithmetic3A_406 = vector.broadcast %shift_right_arithmetic3A_405 : i32 to vector<16xi32>
        %shift_right_arithmetic3A_407 = arith.shrsi %bitcast3A_404, %shift_right_arithmetic3A_406 : vector<16xi32>
        %sub3A_408 = arith.constant 1597463007 : i32
        %sub3A_409 = vector.broadcast %sub3A_408 : i32 to vector<16xi32>
        %sub3A_410 = arith.subi %sub3A_409, %shift_right_arithmetic3A_407 : vector<16xi32>
        %bitcast3A_411 = vector.bitcast %sub3A_410 : vector<16xi32> to vector<16xf32>
        %mul3A_412 = arith.constant 5.000000e-01 : f32
        %mul3A_413 = vector.broadcast %mul3A_412 : f32 to vector<16xf32>
        %mul3A_414 = arith.mulf %mul3A_413, %add3A_403 : vector<16xf32>
        %mul3A_415 = arith.mulf %mul3A_414, %bitcast3A_411 : vector<16xf32>
        %mul3A_416 = arith.mulf %mul3A_415, %bitcast3A_411 : vector<16xf32>
        %sub3A_417 = arith.constant 1.500000e+00 : f32
        %sub3A_418 = vector.broadcast %sub3A_417 : f32 to vector<16xf32>
        %sub3A_419 = arith.subf %sub3A_418, %mul3A_416 : vector<16xf32>
        %mul3A_420 = arith.mulf %bitcast3A_411, %sub3A_419 : vector<16xf32>
        %mul3A_421 = arith.constant 5.000000e-01 : f32
        %mul3A_422 = vector.broadcast %mul3A_421 : f32 to vector<16xf32>
        %mul3A_423 = arith.mulf %mul3A_422, %add3A_403 : vector<16xf32>
        %mul3A_424 = arith.mulf %mul3A_423, %mul3A_420 : vector<16xf32>
        %mul3A_425 = arith.mulf %mul3A_424, %mul3A_420 : vector<16xf32>
        %sub3A_426 = arith.constant 1.500000e+00 : f32
        %sub3A_427 = vector.broadcast %sub3A_426 : f32 to vector<16xf32>
        %sub3A_428 = arith.subf %sub3A_427, %mul3A_425 : vector<16xf32>
        %mul3A_429 = arith.mulf %mul3A_420, %sub3A_428 : vector<16xf32>
        %mul3A_430 = arith.constant 5.000000e-01 : f32
        %mul3A_431 = vector.broadcast %mul3A_430 : f32 to vector<16xf32>
        %mul3A_432 = arith.mulf %mul3A_431, %add3A_403 : vector<16xf32>
        %mul3A_433 = arith.mulf %mul3A_432, %mul3A_429 : vector<16xf32>
        %mul3A_434 = arith.mulf %mul3A_433, %mul3A_429 : vector<16xf32>
        %sub3A_435 = arith.constant 1.500000e+00 : f32
        %sub3A_436 = vector.broadcast %sub3A_435 : f32 to vector<16xf32>
        %sub3A_437 = arith.subf %sub3A_436, %mul3A_434 : vector<16xf32>
        %mul3A_438 = arith.mulf %mul3A_429, %sub3A_437 : vector<16xf32>
        %mul3A_439 = arith.mulf %add3A_403, %mul3A_438 : vector<16xf32>
        %swap3A_440 = arith.index_cast %mul3A_386 : i32 to index
        %swap3A_441 = tpu.vector_load %arg21[%swap3A_440] {strides = array<i32>} : memref<2000xf32, #tpu.memory_space<vmem>>, vector<16xf32>,
        tpu.vector_store %arg21[%swap3A_440], %mul3A_439 {strides = array<i32>} : memref<2000xf32, #tpu.memory_space<vmem>>, vector<16xf32>,
        %scan3A_442 = arith.constant 2 : i32
        %scan3A_443 = arith.addi %scan3A_325, %scan3A_442 : i32
        %mul3A_444 = arith.constant 16 : i32
        %mul3A_445 = arith.muli %scan3A_443, %mul3A_444 : i32
        %get3A_446 = arith.index_cast %mul3A_445 : i32 to index
        %get3A_447 = tpu.vector_load %arg17[%get3A_446] {strides = array<i32>} : memref<2000xi32, #tpu.memory_space<vmem>>, vector<16xi32>,
        %gather3A_448 = tpu.vector_load_idx %arg11[%get3A_447] : memref<100000xf32, #tpu.memory_space<vmem>>[vector<16xi32>], vector<16xf32>,
        %get3A_449 = arith.index_cast %mul3A_445 : i32 to index
        %get3A_450 = tpu.vector_load %arg18[%get3A_449] {strides = array<i32>} : memref<2000xi32, #tpu.memory_space<vmem>>, vector<16xi32>,
        %gather3A_451 = tpu.vector_load_idx %arg11[%get3A_450] : memref<100000xf32, #tpu.memory_space<vmem>>[vector<16xi32>], vector<16xf32>,
        %sub3A_452 = arith.subf %gather3A_448, %gather3A_451 : vector<16xf32>
        %get3A_453 = arith.index_cast %mul3A_445 : i32 to index
        %get3A_454 = tpu.vector_load %arg19[%get3A_453] {strides = array<i32>} : memref<2000xf32, #tpu.memory_space<vmem>>, vector<16xf32>,
        %sub3A_455 = arith.subf %sub3A_452, %get3A_454 : vector<16xf32>
        %add3A_456 = arith.constant 1.000000e-15 : f32
        %add3A_457 = vector.broadcast %add3A_456 : f32 to vector<16xf32>
        %add3A_458 = arith.addf %sub3A_455, %add3A_457 : vector<16xf32>
        %mul3A_459 = arith.mulf %add3A_458, %add3A_458 : vector<16xf32>
        %get3A_460 = arith.index_cast %mul3A_445 : i32 to index
        %get3A_461 = tpu.vector_load %arg20[%get3A_460] {strides = array<i32>} : memref<2000xf32, #tpu.memory_space<vmem>>, vector<16xf32>,
        %add3A_462 = arith.addf %get3A_461, %mul3A_459 : vector<16xf32>
        %bitcast3A_463 = vector.bitcast %add3A_462 : vector<16xf32> to vector<16xi32>
        %shift_right_arithmetic3A_464 = arith.constant 1 : i32
        %shift_right_arithmetic3A_465 = vector.broadcast %shift_right_arithmetic3A_464 : i32 to vector<16xi32>
        %shift_right_arithmetic3A_466 = arith.shrsi %bitcast3A_463, %shift_right_arithmetic3A_465 : vector<16xi32>
        %sub3A_467 = arith.constant 1597463007 : i32
        %sub3A_468 = vector.broadcast %sub3A_467 : i32 to vector<16xi32>
        %sub3A_469 = arith.subi %sub3A_468, %shift_right_arithmetic3A_466 : vector<16xi32>
        %bitcast3A_470 = vector.bitcast %sub3A_469 : vector<16xi32> to vector<16xf32>
        %mul3A_471 = arith.constant 5.000000e-01 : f32
        %mul3A_472 = vector.broadcast %mul3A_471 : f32 to vector<16xf32>
        %mul3A_473 = arith.mulf %mul3A_472, %add3A_462 : vector<16xf32>
        %mul3A_474 = arith.mulf %mul3A_473, %bitcast3A_470 : vector<16xf32>
        %mul3A_475 = arith.mulf %mul3A_474, %bitcast3A_470 : vector<16xf32>
        %sub3A_476 = arith.constant 1.500000e+00 : f32
        %sub3A_477 = vector.broadcast %sub3A_476 : f32 to vector<16xf32>
        %sub3A_478 = arith.subf %sub3A_477, %mul3A_475 : vector<16xf32>
        %mul3A_479 = arith.mulf %bitcast3A_470, %sub3A_478 : vector<16xf32>
        %mul3A_480 = arith.constant 5.000000e-01 : f32
        %mul3A_481 = vector.broadcast %mul3A_480 : f32 to vector<16xf32>
        %mul3A_482 = arith.mulf %mul3A_481, %add3A_462 : vector<16xf32>
        %mul3A_483 = arith.mulf %mul3A_482, %mul3A_479 : vector<16xf32>
        %mul3A_484 = arith.mulf %mul3A_483, %mul3A_479 : vector<16xf32>
        %sub3A_485 = arith.constant 1.500000e+00 : f32
        %sub3A_486 = vector.broadcast %sub3A_485 : f32 to vector<16xf32>
        %sub3A_487 = arith.subf %sub3A_486, %mul3A_484 : vector<16xf32>
        %mul3A_488 = arith.mulf %mul3A_479, %sub3A_487 : vector<16xf32>
        %mul3A_489 = arith.constant 5.000000e-01 : f32
        %mul3A_490 = vector.broadcast %mul3A_489 : f32 to vector<16xf32>
        %mul3A_491 = arith.mulf %mul3A_490, %add3A_462 : vector<16xf32>
        %mul3A_492 = arith.mulf %mul3A_491, %mul3A_488 : vector<16xf32>
        %mul3A_493 = arith.mulf %mul3A_492, %mul3A_488 : vector<16xf32>
        %sub3A_494 = arith.constant 1.500000e+00 : f32
        %sub3A_495 = vector.broadcast %sub3A_494 : f32 to vector<16xf32>
        %sub3A_496 = arith.subf %sub3A_495, %mul3A_493 : vector<16xf32>
        %mul3A_497 = arith.mulf %mul3A_488, %sub3A_496 : vector<16xf32>
        %mul3A_498 = arith.mulf %add3A_462, %mul3A_497 : vector<16xf32>
        %swap3A_499 = arith.index_cast %mul3A_445 : i32 to index
        %swap3A_500 = tpu.vector_load %arg21[%swap3A_499] {strides = array<i32>} : memref<2000xf32, #tpu.memory_space<vmem>>, vector<16xf32>,
        tpu.vector_store %arg21[%swap3A_499], %mul3A_498 {strides = array<i32>} : memref<2000xf32, #tpu.memory_space<vmem>>, vector<16xf32>,
        %scan3A_501 = arith.constant 3 : i32
        %scan3A_502 = arith.addi %scan3A_325, %scan3A_501 : i32
        %mul3A_503 = arith.constant 16 : i32
        %mul3A_504 = arith.muli %scan3A_502, %mul3A_503 : i32
        %get3A_505 = arith.index_cast %mul3A_504 : i32 to index
        %get3A_506 = tpu.vector_load %arg17[%get3A_505] {strides = array<i32>} : memref<2000xi32, #tpu.memory_space<vmem>>, vector<16xi32>,
        %gather3A_507 = tpu.vector_load_idx %arg11[%get3A_506] : memref<100000xf32, #tpu.memory_space<vmem>>[vector<16xi32>], vector<16xf32>,
        %get3A_508 = arith.index_cast %mul3A_504 : i32 to index
        %get3A_509 = tpu.vector_load %arg18[%get3A_508] {strides = array<i32>} : memref<2000xi32, #tpu.memory_space<vmem>>, vector<16xi32>,
        %gather3A_510 = tpu.vector_load_idx %arg11[%get3A_509] : memref<100000xf32, #tpu.memory_space<vmem>>[vector<16xi32>], vector<16xf32>,
        %sub3A_511 = arith.subf %gather3A_507, %gather3A_510 : vector<16xf32>
        %get3A_512 = arith.index_cast %mul3A_504 : i32 to index
        %get3A_513 = tpu.vector_load %arg19[%get3A_512] {strides = array<i32>} : memref<2000xf32, #tpu.memory_space<vmem>>, vector<16xf32>,
        %sub3A_514 = arith.subf %sub3A_511, %get3A_513 : vector<16xf32>
        %add3A_515 = arith.constant 1.000000e-15 : f32
        %add3A_516 = vector.broadcast %add3A_515 : f32 to vector<16xf32>
        %add3A_517 = arith.addf %sub3A_514, %add3A_516 : vector<16xf32>
        %mul3A_518 = arith.mulf %add3A_517, %add3A_517 : vector<16xf32>
        %get3A_519 = arith.index_cast %mul3A_504 : i32 to index
        %get3A_520 = tpu.vector_load %arg20[%get3A_519] {strides = array<i32>} : memref<2000xf32, #tpu.memory_space<vmem>>, vector<16xf32>,
        %add3A_521 = arith.addf %get3A_520, %mul3A_518 : vector<16xf32>
        %bitcast3A_522 = vector.bitcast %add3A_521 : vector<16xf32> to vector<16xi32>
        %shift_right_arithmetic3A_523 = arith.constant 1 : i32
        %shift_right_arithmetic3A_524 = vector.broadcast %shift_right_arithmetic3A_523 : i32 to vector<16xi32>
        %shift_right_arithmetic3A_525 = arith.shrsi %bitcast3A_522, %shift_right_arithmetic3A_524 : vector<16xi32>
        %sub3A_526 = arith.constant 1597463007 : i32
        %sub3A_527 = vector.broadcast %sub3A_526 : i32 to vector<16xi32>
        %sub3A_528 = arith.subi %sub3A_527, %shift_right_arithmetic3A_525 : vector<16xi32>
        %bitcast3A_529 = vector.bitcast %sub3A_528 : vector<16xi32> to vector<16xf32>
        %mul3A_530 = arith.constant 5.000000e-01 : f32
        %mul3A_531 = vector.broadcast %mul3A_530 : f32 to vector<16xf32>
        %mul3A_532 = arith.mulf %mul3A_531, %add3A_521 : vector<16xf32>
        %mul3A_533 = arith.mulf %mul3A_532, %bitcast3A_529 : vector<16xf32>
        %mul3A_534 = arith.mulf %mul3A_533, %bitcast3A_529 : vector<16xf32>
        %sub3A_535 = arith.constant 1.500000e+00 : f32
        %sub3A_536 = vector.broadcast %sub3A_535 : f32 to vector<16xf32>
        %sub3A_537 = arith.subf %sub3A_536, %mul3A_534 : vector<16xf32>
        %mul3A_538 = arith.mulf %bitcast3A_529, %sub3A_537 : vector<16xf32>
        %mul3A_539 = arith.constant 5.000000e-01 : f32
        %mul3A_540 = vector.broadcast %mul3A_539 : f32 to vector<16xf32>
        %mul3A_541 = arith.mulf %mul3A_540, %add3A_521 : vector<16xf32>
        %mul3A_542 = arith.mulf %mul3A_541, %mul3A_538 : vector<16xf32>
        %mul3A_543 = arith.mulf %mul3A_542, %mul3A_538 : vector<16xf32>
        %sub3A_544 = arith.constant 1.500000e+00 : f32
        %sub3A_545 = vector.broadcast %sub3A_544 : f32 to vector<16xf32>
        %sub3A_546 = arith.subf %sub3A_545, %mul3A_543 : vector<16xf32>
        %mul3A_547 = arith.mulf %mul3A_538, %sub3A_546 : vector<16xf32>
        %mul3A_548 = arith.constant 5.000000e-01 : f32
        %mul3A_549 = vector.broadcast %mul3A_548 : f32 to vector<16xf32>
        %mul3A_550 = arith.mulf %mul3A_549, %add3A_521 : vector<16xf32>
        %mul3A_551 = arith.mulf %mul3A_550, %mul3A_547 : vector<16xf32>
        %mul3A_552 = arith.mulf %mul3A_551, %mul3A_547 : vector<16xf32>
        %sub3A_553 = arith.constant 1.500000e+00 : f32
        %sub3A_554 = vector.broadcast %sub3A_553 : f32 to vector<16xf32>
        %sub3A_555 = arith.subf %sub3A_554, %mul3A_552 : vector<16xf32>
        %mul3A_556 = arith.mulf %mul3A_547, %sub3A_555 : vector<16xf32>
        %mul3A_557 = arith.mulf %add3A_521, %mul3A_556 : vector<16xf32>
        %swap3A_558 = arith.index_cast %mul3A_504 : i32 to index
        %swap3A_559 = tpu.vector_load %arg21[%swap3A_558] {strides = array<i32>} : memref<2000xf32, #tpu.memory_space<vmem>>, vector<16xf32>,
        tpu.vector_store %arg21[%swap3A_558], %mul3A_557 {strides = array<i32>} : memref<2000xf32, #tpu.memory_space<vmem>>, vector<16xf32>,
      }
      %scan3A_245 = arith.constant 124 : i32
      %scan3A_246 = arith.addi %scan3A_241, %scan3A_245 : i32
      %mul3A_247 = arith.constant 16 : i32
      %mul3A_248 = arith.muli %scan3A_246, %mul3A_247 : i32
      %get3A_249 = arith.index_cast %mul3A_248 : i32 to index
      %get3A_250 = tpu.vector_load %arg17[%get3A_249] {strides = array<i32>} : memref<2000xi32, #tpu.memory_space<vmem>>, vector<16xi32>,
      %gather3A_251 = tpu.vector_load_idx %arg11[%get3A_250] : memref<100000xf32, #tpu.memory_space<vmem>>[vector<16xi32>], vector<16xf32>,
      %get3A_252 = arith.index_cast %mul3A_248 : i32 to index
      %get3A_253 = tpu.vector_load %arg18[%get3A_252] {strides = array<i32>} : memref<2000xi32, #tpu.memory_space<vmem>>, vector<16xi32>,
      %gather3A_254 = tpu.vector_load_idx %arg11[%get3A_253] : memref<100000xf32, #tpu.memory_space<vmem>>[vector<16xi32>], vector<16xf32>,
      %sub3A_255 = arith.subf %gather3A_251, %gather3A_254 : vector<16xf32>
      %get3A_256 = arith.index_cast %mul3A_248 : i32 to index
      %get3A_257 = tpu.vector_load %arg19[%get3A_256] {strides = array<i32>} : memref<2000xf32, #tpu.memory_space<vmem>>, vector<16xf32>,
      %sub3A_258 = arith.subf %sub3A_255, %get3A_257 : vector<16xf32>
      %add3A_259 = arith.constant 1.000000e-15 : f32
      %add3A_260 = vector.broadcast %add3A_259 : f32 to vector<16xf32>
      %add3A_261 = arith.addf %sub3A_258, %add3A_260 : vector<16xf32>
      %mul3A_262 = arith.mulf %add3A_261, %add3A_261 : vector<16xf32>
      %get3A_263 = arith.index_cast %mul3A_248 : i32 to index
      %get3A_264 = tpu.vector_load %arg20[%get3A_263] {strides = array<i32>} : memref<2000xf32, #tpu.memory_space<vmem>>, vector<16xf32>,
      %add3A_265 = arith.addf %get3A_264, %mul3A_262 : vector<16xf32>
      %bitcast3A_266 = vector.bitcast %add3A_265 : vector<16xf32> to vector<16xi32>
      %shift_right_arithmetic3A_267 = arith.constant 1 : i32
      %shift_right_arithmetic3A_268 = vector.broadcast %shift_right_arithmetic3A_267 : i32 to vector<16xi32>
      %shift_right_arithmetic3A_269 = arith.shrsi %bitcast3A_266, %shift_right_arithmetic3A_268 : vector<16xi32>
      %sub3A_270 = arith.constant 1597463007 : i32
      %sub3A_271 = vector.broadcast %sub3A_270 : i32 to vector<16xi32>
      %sub3A_272 = arith.subi %sub3A_271, %shift_right_arithmetic3A_269 : vector<16xi32>
      %bitcast3A_273 = vector.bitcast %sub3A_272 : vector<16xi32> to vector<16xf32>
      %mul3A_274 = arith.constant 5.000000e-01 : f32
      %mul3A_275 = vector.broadcast %mul3A_274 : f32 to vector<16xf32>
      %mul3A_276 = arith.mulf %mul3A_275, %add3A_265 : vector<16xf32>
      %mul3A_277 = arith.mulf %mul3A_276, %bitcast3A_273 : vector<16xf32>
      %mul3A_278 = arith.mulf %mul3A_277, %bitcast3A_273 : vector<16xf32>
      %sub3A_279 = arith.constant 1.500000e+00 : f32
      %sub3A_280 = vector.broadcast %sub3A_279 : f32 to vector<16xf32>
      %sub3A_281 = arith.subf %sub3A_280, %mul3A_278 : vector<16xf32>
      %mul3A_282 = arith.mulf %bitcast3A_273, %sub3A_281 : vector<16xf32>
      %mul3A_283 = arith.constant 5.000000e-01 : f32
      %mul3A_284 = vector.broadcast %mul3A_283 : f32 to vector<16xf32>
      %mul3A_285 = arith.mulf %mul3A_284, %add3A_265 : vector<16xf32>
      %mul3A_286 = arith.mulf %mul3A_285, %mul3A_282 : vector<16xf32>
      %mul3A_287 = arith.mulf %mul3A_286, %mul3A_282 : vector<16xf32>
      %sub3A_288 = arith.constant 1.500000e+00 : f32
      %sub3A_289 = vector.broadcast %sub3A_288 : f32 to vector<16xf32>
      %sub3A_290 = arith.subf %sub3A_289, %mul3A_287 : vector<16xf32>
      %mul3A_291 = arith.mulf %mul3A_282, %sub3A_290 : vector<16xf32>
      %mul3A_292 = arith.constant 5.000000e-01 : f32
      %mul3A_293 = vector.broadcast %mul3A_292 : f32 to vector<16xf32>
      %mul3A_294 = arith.mulf %mul3A_293, %add3A_265 : vector<16xf32>
      %mul3A_295 = arith.mulf %mul3A_294, %mul3A_291 : vector<16xf32>
      %mul3A_296 = arith.mulf %mul3A_295, %mul3A_291 : vector<16xf32>
      %sub3A_297 = arith.constant 1.500000e+00 : f32
      %sub3A_298 = vector.broadcast %sub3A_297 : f32 to vector<16xf32>
      %sub3A_299 = arith.subf %sub3A_298, %mul3A_296 : vector<16xf32>
      %mul3A_300 = arith.mulf %mul3A_291, %sub3A_299 : vector<16xf32>
      %mul3A_301 = arith.mulf %add3A_265, %mul3A_300 : vector<16xf32>
      %swap3A_302 = arith.index_cast %mul3A_248 : i32 to index
      %swap3A_303 = tpu.vector_load %arg21[%swap3A_302] {strides = array<i32>} : memref<2000xf32, #tpu.memory_space<vmem>>, vector<16xf32>,
      tpu.vector_store %arg21[%swap3A_302], %mul3A_301 {strides = array<i32>} : memref<2000xf32, #tpu.memory_space<vmem>>, vector<16xf32>,
      %scan3A_304 = arith.constant 125 : i32
      %mul3A_305 = arith.constant 2000 : i32
      %mul3A_306 = arith.muli %add3A_226, %mul3A_305 : i32
      %add3A_307 = arith.addi %mul3A_2, %mul3A_306 : i32
      %dma_start3A_308 = tpu.memref_slice %arg10[%add3A_307] : memref<6400000xf32, #tpu.memory_space<hbm>> -> memref<2000xf32, #tpu.memory_space<hbm>>
      %dma_start3A_309 = tpu.memref_slice %arg10[%add3A_307] : memref<6400000xf32, #tpu.memory_space<hbm>> -> memref<2000xf32, #tpu.memory_space<hbm>>
      tpu.enqueue_dma source(%arg21 : memref<2000xf32, #tpu.memory_space<vmem>>) target(%dma_start3A_309 : memref<2000xf32, #tpu.memory_space<hbm>>) target_semaphore(%arg25 : memref<!tpu.dma_semaphore, #tpu.memory_space<semaphore_mem>>)
      %add3A_310 = arith.constant 2 : i32
      %add3A_311 = arith.addi %add3A_226, %add3A_310 : i32
      %rem3A_312 = arith.constant 100 : i32
      %rem3A_313 = arith.remsi %add3A_311, %rem3A_312 : i32
      %mul3A_314 = arith.constant 2000 : i32
      %mul3A_315 = arith.muli %rem3A_313, %mul3A_314 : i32
      %add3A_316 = arith.addi %mul3A_2, %mul3A_315 : i32
      %dma_start3A_317 = tpu.memref_slice %arg5[%add3A_316] : memref<6400000xi32, #tpu.memory_space<hbm>> -> memref<2000xi32, #tpu.memory_space<hbm>>
      %dma_start3A_318 = tpu.memref_slice %arg5[%add3A_316] : memref<6400000xi32, #tpu.memory_space<hbm>> -> memref<2000xi32, #tpu.memory_space<hbm>>
      tpu.enqueue_dma source(%dma_start3A_318 : memref<2000xi32, #tpu.memory_space<hbm>>) target(%arg17 : memref<2000xi32, #tpu.memory_space<vmem>>) target_semaphore(%arg23 : memref<!tpu.dma_semaphore, #tpu.memory_space<semaphore_mem>>)
      %dma_start3A_319 = tpu.memref_slice %arg6[%add3A_316] : memref<6400000xi32, #tpu.memory_space<hbm>> -> memref<2000xi32, #tpu.memory_space<hbm>>
      %dma_start3A_320 = tpu.memref_slice %arg6[%add3A_316] : memref<6400000xi32, #tpu.memory_space<hbm>> -> memref<2000xi32, #tpu.memory_space<hbm>>
      tpu.enqueue_dma source(%dma_start3A_320 : memref<2000xi32, #tpu.memory_space<hbm>>) target(%arg18 : memref<2000xi32, #tpu.memory_space<vmem>>) target_semaphore(%arg23 : memref<!tpu.dma_semaphore, #tpu.memory_space<semaphore_mem>>)
      %dma_start3A_321 = tpu.memref_slice %arg9[%add3A_316] : memref<6400000xf32, #tpu.memory_space<hbm>> -> memref<2000xf32, #tpu.memory_space<hbm>>
      %dma_start3A_322 = tpu.memref_slice %arg9[%add3A_316] : memref<6400000xf32, #tpu.memory_space<hbm>> -> memref<2000xf32, #tpu.memory_space<hbm>>
      tpu.enqueue_dma source(%dma_start3A_322 : memref<2000xf32, #tpu.memory_space<hbm>>) target(%arg19 : memref<2000xf32, #tpu.memory_space<vmem>>) target_semaphore(%arg23 : memref<!tpu.dma_semaphore, #tpu.memory_space<semaphore_mem>>)
      %dma_start3A_323 = tpu.memref_slice %arg10[%add3A_316] : memref<6400000xf32, #tpu.memory_space<hbm>> -> memref<2000xf32, #tpu.memory_space<hbm>>
      %dma_start3A_324 = tpu.memref_slice %arg10[%add3A_316] : memref<6400000xf32, #tpu.memory_space<hbm>> -> memref<2000xf32, #tpu.memory_space<hbm>>
      tpu.enqueue_dma source(%dma_start3A_324 : memref<2000xf32, #tpu.memory_space<hbm>>) target(%arg20 : memref<2000xf32, #tpu.memory_space<vmem>>) target_semaphore(%arg23 : memref<!tpu.dma_semaphore, #tpu.memory_space<semaphore_mem>>)
    }
    %scan3A_109 = arith.constant 50 : i32
    %dma_wait3A_110 = tpu.memref_slice %arg5[%mul3A_2] : memref<6400000xi32, #tpu.memory_space<hbm>> -> memref<2000xi32, #tpu.memory_space<hbm>>
    %dma_wait3A_111 = tpu.memref_slice %arg5[%mul3A_2] : memref<6400000xi32, #tpu.memory_space<hbm>> -> memref<2000xi32, #tpu.memory_space<hbm>>
    tpu.wait_dma2 semaphore(%arg22 : memref<!tpu.dma_semaphore, #tpu.memory_space<semaphore_mem>>) src(%dma_wait3A_111 : memref<2000xi32, #tpu.memory_space<hbm>>) dst(%arg12 : memref<2000xi32, #tpu.memory_space<vmem>>)
    %dma_wait3A_112 = tpu.memref_slice %arg6[%mul3A_2] : memref<6400000xi32, #tpu.memory_space<hbm>> -> memref<2000xi32, #tpu.memory_space<hbm>>
    %dma_wait3A_113 = tpu.memref_slice %arg6[%mul3A_2] : memref<6400000xi32, #tpu.memory_space<hbm>> -> memref<2000xi32, #tpu.memory_space<hbm>>
    tpu.wait_dma2 semaphore(%arg22 : memref<!tpu.dma_semaphore, #tpu.memory_space<semaphore_mem>>) src(%dma_wait3A_113 : memref<2000xi32, #tpu.memory_space<hbm>>) dst(%arg13 : memref<2000xi32, #tpu.memory_space<vmem>>)
    %dma_wait3A_114 = tpu.memref_slice %arg9[%mul3A_2] : memref<6400000xf32, #tpu.memory_space<hbm>> -> memref<2000xf32, #tpu.memory_space<hbm>>
    %dma_wait3A_115 = tpu.memref_slice %arg9[%mul3A_2] : memref<6400000xf32, #tpu.memory_space<hbm>> -> memref<2000xf32, #tpu.memory_space<hbm>>
    tpu.wait_dma2 semaphore(%arg22 : memref<!tpu.dma_semaphore, #tpu.memory_space<semaphore_mem>>) src(%dma_wait3A_115 : memref<2000xf32, #tpu.memory_space<hbm>>) dst(%arg14 : memref<2000xf32, #tpu.memory_space<vmem>>)
    %dma_wait3A_116 = tpu.memref_slice %arg10[%mul3A_2] : memref<6400000xf32, #tpu.memory_space<hbm>> -> memref<2000xf32, #tpu.memory_space<hbm>>
    %dma_wait3A_117 = tpu.memref_slice %arg10[%mul3A_2] : memref<6400000xf32, #tpu.memory_space<hbm>> -> memref<2000xf32, #tpu.memory_space<hbm>>
    tpu.wait_dma2 semaphore(%arg22 : memref<!tpu.dma_semaphore, #tpu.memory_space<semaphore_mem>>) src(%dma_wait3A_117 : memref<2000xf32, #tpu.memory_space<hbm>>) dst(%arg15 : memref<2000xf32, #tpu.memory_space<vmem>>)
    %dma_wait3A_118 = tpu.memref_slice %arg5[%mul3A_2] : memref<6400000xi32, #tpu.memory_space<hbm>> -> memref<2000xi32, #tpu.memory_space<hbm>>
    %dma_wait3A_119 = tpu.memref_slice %arg5[%mul3A_2] : memref<6400000xi32, #tpu.memory_space<hbm>> -> memref<2000xi32, #tpu.memory_space<hbm>>
    tpu.wait_dma2 semaphore(%arg23 : memref<!tpu.dma_semaphore, #tpu.memory_space<semaphore_mem>>) src(%dma_wait3A_119 : memref<2000xi32, #tpu.memory_space<hbm>>) dst(%arg17 : memref<2000xi32, #tpu.memory_space<vmem>>)
    %dma_wait3A_120 = tpu.memref_slice %arg6[%mul3A_2] : memref<6400000xi32, #tpu.memory_space<hbm>> -> memref<2000xi32, #tpu.memory_space<hbm>>
    %dma_wait3A_121 = tpu.memref_slice %arg6[%mul3A_2] : memref<6400000xi32, #tpu.memory_space<hbm>> -> memref<2000xi32, #tpu.memory_space<hbm>>
    tpu.wait_dma2 semaphore(%arg23 : memref<!tpu.dma_semaphore, #tpu.memory_space<semaphore_mem>>) src(%dma_wait3A_121 : memref<2000xi32, #tpu.memory_space<hbm>>) dst(%arg18 : memref<2000xi32, #tpu.memory_space<vmem>>)
    %dma_wait3A_122 = tpu.memref_slice %arg9[%mul3A_2] : memref<6400000xf32, #tpu.memory_space<hbm>> -> memref<2000xf32, #tpu.memory_space<hbm>>
    %dma_wait3A_123 = tpu.memref_slice %arg9[%mul3A_2] : memref<6400000xf32, #tpu.memory_space<hbm>> -> memref<2000xf32, #tpu.memory_space<hbm>>
    tpu.wait_dma2 semaphore(%arg23 : memref<!tpu.dma_semaphore, #tpu.memory_space<semaphore_mem>>) src(%dma_wait3A_123 : memref<2000xf32, #tpu.memory_space<hbm>>) dst(%arg19 : memref<2000xf32, #tpu.memory_space<vmem>>)
    %dma_wait3A_124 = tpu.memref_slice %arg10[%mul3A_2] : memref<6400000xf32, #tpu.memory_space<hbm>> -> memref<2000xf32, #tpu.memory_space<hbm>>
    %dma_wait3A_125 = tpu.memref_slice %arg10[%mul3A_2] : memref<6400000xf32, #tpu.memory_space<hbm>> -> memref<2000xf32, #tpu.memory_space<hbm>>
    tpu.wait_dma2 semaphore(%arg23 : memref<!tpu.dma_semaphore, #tpu.memory_space<semaphore_mem>>) src(%dma_wait3A_125 : memref<2000xf32, #tpu.memory_space<hbm>>) dst(%arg20 : memref<2000xf32, #tpu.memory_space<vmem>>)
    %dma_wait3A_126 = tpu.memref_slice %arg10[%mul3A_2] : memref<6400000xf32, #tpu.memory_space<hbm>> -> memref<2000xf32, #tpu.memory_space<hbm>>
    %dma_wait3A_127 = tpu.memref_slice %arg10[%mul3A_2] : memref<6400000xf32, #tpu.memory_space<hbm>> -> memref<2000xf32, #tpu.memory_space<hbm>>
    tpu.wait_dma2 semaphore(%arg24 : memref<!tpu.dma_semaphore, #tpu.memory_space<semaphore_mem>>) src(%arg16 : memref<2000xf32, #tpu.memory_space<vmem>>) dst(%dma_wait3A_127 : memref<2000xf32, #tpu.memory_space<hbm>>)
    %dma_wait3A_128 = tpu.memref_slice %arg10[%mul3A_2] : memref<6400000xf32, #tpu.memory_space<hbm>> -> memref<2000xf32, #tpu.memory_space<hbm>>
    %dma_wait3A_129 = tpu.memref_slice %arg10[%mul3A_2] : memref<6400000xf32, #tpu.memory_space<hbm>> -> memref<2000xf32, #tpu.memory_space<hbm>>
    tpu.wait_dma2 semaphore(%arg25 : memref<!tpu.dma_semaphore, #tpu.memory_space<semaphore_mem>>) src(%arg21 : memref<2000xf32, #tpu.memory_space<vmem>>) dst(%dma_wait3A_129 : memref<2000xf32, #tpu.memory_space<hbm>>)
    return
  }
}

</mosaic_0001>

<sc_bundles>
// kernel: kernel.3.cloned.1.call-start
scs
__scs_entry_jumppad:
0x0: {  	(pc) =	sbr.rel $0x88, $3  }
0x1: {  	(tag) =	ssettag $0x0;
	lr =	simm.s32 $0x1  }
0x2: {  	[smem:$0x3F9D] =	sst lr;
	_ =	strace $0xD0000000  }
0x3: {  	_ = 	snop  }
0x4: {  	_ = 	snop  }
0x5: {  	_ = 	snop  }
0x6: {  	_ = 	snop  }
0x7: {  	_ = 	snop  }
__scs_overlays_trampoline_lowered:
0x8: {  	[smem:$0x3FAC] =	sst s0  }
0x9: {  	[smem:$0x3FAD] =	sst s1  }
0xa: {  	[smem:$0x3FAE] =	sst s2  }
0xb: {  	[smem:$0x3FAF] =	sst s3  }
0xc: {  	[smem:$0x3FB0] =	sst s4  }
0xd: {  	[smem:$0x3FB1] =	sst s5  }
0xe: {  	[smem:$0x3FB2] =	sst s6  }
0xf: {  	[smem:$0x3FB3] =	sst s7  }
0x10: {  	[smem:$0x3FB4] =	sst s8  }
0x11: {  	[smem:$0x3FB5] =	sst s9;
	s0 =	simm.s32 @!p0 $0x0  }
0x12: {  	s1 =	sld [smem:$0x3F9B];
	s0 =	simm.s32 @p0 $0x1  }
0x13: {  	[smem:$0x3FB6] =	sst s0;
	s0 =	simm.s32 @!p1 $0x0  }
0x14: {  	s2 =	sld [smem:$0x3F9A];
	s0 =	simm.s32 @p1 $0x1  }
0x15: {  	[smem:$0x3FB7] =	sst s0;
	s0 =	simm.s32 @!p2 $0x0  }
0x16: {  	s3 =	sld [smem:$0x3FDB];
	s0 =	simm.s32 @p2 $0x1  }
0x17: {  	s4 =	simm.s32 $0x1BF5;
	[smem:$0x3FB9] =	sst s0  }
0x18: {  	s0 =	sld [smem:$0x3F9C];
	_ =	swait.ge [sflag:s4], $0x0  }
0x19: {  	s7 =	sld [smem:$0x3F9D]  }
0x1a: {  	s8 =	sadd.s32 $0xFFFFE003, lr  }
0x1b: {  	s9 =	sadd.s32 $0xFFFFFEF7, lr;
	s5 =	simm.s32 $0xFFFFFFFF;
	p2 =	slt.u32 s8, $0xFFFFF086  }
0x1c: {  	p1 =	slt.u32 s9, $0xF7A;
	s5 =	simm.s32 @!p2 $0x0  }
0x1d: {  	s5 =	simm.s32 @p1 $0x1;
	p0 =	seq.s32 s7, s2  }
0x1e: {  	s7 =	smul.u32 @!p0 $0xF7A, s2;
	p2 =	seq.s32 @!p0 s5, $0x0  }
0x1f: {  	s9 =	smul.u32 $0xF7A, s1;
	s8 =	simm.s32 @!p0 $0x1BF5;
	p2 =	por !p2, p0  }
0x20: {  	[sflag:s8] =	ssyncset.s32 @!p0 $0xFFFFF086;
	s6 =	sadd.s32 @!p0 s3, s7;
	s7 =	simm.s32 @!p0 $0x108  }
0x21: {  	s3 =	sadd.s32 s3, s9;
	s6 =	sadd.s32 @!p0 $0x88, s6;
	s7 =	simm.s32 @p2 $0x1082  }
0x22: {  	[simem:s7], [sflag:s8] =	dma.local @!p0 [hbm:s6], $0xF7A  }
0x23: {  	s9 =	sor.u32 $0xD0000000, s2;
	s6 =	simm.s32 $0x108;
	_ =	swait.ge @!p0 [sflag:s8], $0x0  }
0x24: {  	s3 =	sadd.s32 $0x88, s3;
	s6 =	simm.s32 @!p1 $0x1082;
	[sflag:s4] =	ssyncset.s32 $0xFFFFF086  }
0x25: {  	[simem:s6], [sflag:s4] =	dma.local [hbm:s3], $0xF7A  }
0x26: {  	[smem:$0x3F9D] =	sst s1;
	(tag) =	ssettag s2;
	_ =	strace s9  }
0x27: {  	s1 =	sld [smem:$0x3FAD]  }
0x28: {  	s2 =	sld [smem:$0x3FAE]  }
0x29: {  	s4 =	sld [smem:$0x3FB0]  }
0x2a: {  	p0 =	seq.s32 s5, $0x0;
	s5 =	sld [smem:$0x3FB1]  }
0x2b: {  	s6 =	sld [smem:$0x3FB2]  }
0x2c: {  	s7 =	sld [smem:$0x3FB3]  }
0x2d: {  	s3 =	simm.s32 $0x108;
	s8 =	sld [smem:$0x3FB4]  }
0x2e: {  	s3 =	simm.s32 @!p0 $0x1082;
	s9 =	sld [smem:$0x3FB5]  }
0x2f: {  	lr =	sadd.s32 s0, s3;
	s0 =	sld [smem:$0x3FAC]  }
0x30: {  	s3 =	sld [smem:$0x3FAF]  }
0x31: {  	[smem:$0x3FB8] =	sst s10  }
0x32: {  	s10 =	sld [smem:$0x3FB6];
	_ =	sdelay $0x3  }
0x33: {  	p0 =	seq.s32 s10, $0x1;
	s10 =	sld [smem:$0x3FB8];
	_ =	sdelay $0x3  }
0x34: {  	[smem:$0x3FB8] =	sst s10  }
0x35: {  	s10 =	sld [smem:$0x3FB7];
	_ =	sdelay $0x3  }
0x36: {  	p1 =	seq.s32 s10, $0x1;
	s10 =	sld [smem:$0x3FB8];
	_ =	sdelay $0x3  }
0x37: {  	[smem:$0x3FB8] =	sst s10  }
0x38: {  	s10 =	sld [smem:$0x3FB9]  }
0x39: {  	_ = 	snop;
	(pc) =	sbr.ind lr, $3  }
0x3a: {  	_ = 	snop  }
0x3b: {  	_ = 	snop  }
0x3c: {  	p2 =	seq.s32 s10, $0x1;
	s10 =	sld [smem:$0x3FB8]  }
0x3d: {  	_ =	shalt  }
0x3e: {  	_ =	shalt  }
0x3f: {  	_ =	shalt  }
0x40: {  	_ =	shalt  }
0x41: {  	_ =	shalt  }
0x42: {  	_ =	shalt  }
0x43: {  	_ =	shalt  }
0x44: {  	_ =	shalt  }
0x45: {  	_ =	shalt  }
0x46: {  	_ =	shalt  }
0x47: {  	_ =	shalt  }
0x48: {  	_ =	shalt  }
0x49: {  	_ =	shalt  }
0x4a: {  	_ =	shalt  }
0x4b: {  	_ =	shalt  }
0x4c: {  	_ =	shalt  }
0x4d: {  	_ =	shalt  }
0x4e: {  	_ =	shalt  }
0x4f: {  	_ =	shalt  }
0x50: {  	_ =	shalt  }
0x51: {  	_ =	shalt  }
0x52: {  	_ =	shalt  }
0x53: {  	_ =	shalt  }
0x54: {  	_ =	shalt  }
0x55: {  	_ =	shalt  }
0x56: {  	_ =	shalt  }
0x57: {  	_ =	shalt  }
0x58: {  	_ =	shalt  }
0x59: {  	_ =	shalt  }
0x5a: {  	_ =	shalt  }
0x5b: {  	_ =	shalt  }
0x5c: {  	_ =	shalt  }
0x5d: {  	_ =	shalt  }
0x5e: {  	_ =	shalt  }
0x5f: {  	_ =	shalt  }
0x60: {  	_ =	shalt  }
0x61: {  	_ =	shalt  }
0x62: {  	_ =	shalt  }
0x63: {  	_ =	shalt  }
0x64: {  	_ =	shalt  }
0x65: {  	_ =	shalt  }
0x66: {  	_ =	shalt  }
0x67: {  	_ =	shalt  }
0x68: {  	_ =	shalt  }
0x69: {  	_ =	shalt  }
0x6a: {  	_ =	shalt  }
0x6b: {  	_ =	shalt  }
0x6c: {  	_ =	shalt  }
0x6d: {  	_ =	shalt  }
0x6e: {  	_ =	shalt  }
0x6f: {  	_ =	shalt  }
0x70: {  	_ =	shalt  }
0x71: {  	_ =	shalt  }
0x72: {  	_ =	shalt  }
0x73: {  	_ =	shalt  }
0x74: {  	_ =	shalt  }
0x75: {  	_ =	shalt  }
0x76: {  	_ =	shalt  }
0x77: {  	_ =	shalt  }
0x78: {  	_ =	shalt  }
0x79: {  	_ =	shalt  }
0x7a: {  	_ =	shalt  }
0x7b: {  	_ =	shalt  }
0x7c: {  	_ =	shalt  }
0x7d: {  	_ =	shalt  }
0x7e: {  	_ =	shalt  }
0x7f: {  	_ =	shalt  }
0x80: {  	_ =	shalt  }
0x81: {  	_ =	shalt  }
0x82: {  	_ =	shalt  }
0x83: {  	_ =	shalt  }
0x84: {  	_ =	shalt  }
0x85: {  	_ =	shalt  }
0x86: {  	_ =	shalt  }
0x87: {  	_ =	shalt  }
.Lfunc_end0:
.L_simem_size_0:
called_computation_lowered:
.L_overlay_start_0:
0x88: {  	s2 =	sld [smem:$0x3FD9]  }
0x89: {  	s3 =	sld [smem:$0x3FFE];
	_ =	sdelay $0x1  }
0x8a: {  	s1 =	srdreg.scid  }
0x8b: {  	s0 =	sand.u32 $0x1, s1  }
0x8c: {  	s17 =	sshll.u32 s0, $0xA;
	s2 =	sadd.s32 s3, s2  }
0x8d: {  	s2 =	sadd.s32 s2, s17  }
0x8e: {  	[smem:$0x3FC4] =	sst s2  }
0x8f: {  	_ = 	snop  }
0x90: {  	s2 =	sld [smem:$0x3FC8]  }
0x91: {  	s18 =	sld [smem:$0x3FC7]  }
0x92: {  	s4 =	sld [smem:$0x3FD0];
	(tm) =	ssettm $0x1  }
0x93: {  	s5 =	sld [smem:$0x3FFB];
	_ =	sdelay $0x3  }
0x94: {  	_ =	strace s5  }
0x95: {  	s5 =	sld [smem:$0x3FFC];
	_ =	sdelay $0x3  }
0x96: {  	_ =	strace s5  }
0x97: {  	s5 =	sld [smem:$0x3FFD];
	_ =	sdelay $0x3  }
0x98: {  	_ =	strace s5  }
0x99: {  	_ =	strace $0x8FFFFFFF  }
0x9a: {  	s19 =	sld [smem:$0x3FDB];
	_ =	sdelay $0x1  }
0x9b: {  	s6 =	simm.s32 $_scs_section_size  }
0x9c: {  	s7 =	simm.s32 $_size__tile_overlayer_lowered;
	s8 =	simm.s32 $_tile_overlayer_lowered  }
0x9d: {  	s22 =	simm.s32 $0x1BFF;
	s21 =	sshll.u32 s8, $0x1;
	s5 =	sadd.s32 s6, s19  }
0x9e: {  	s9 =	simm.s32 $0x0;
	s20 =	sshll.u32 s7, $0x1;
	s7 =	sadd.s32 s21, s5  }
0x9f: {  	[timem:s9], [sflag:s22] =	dma.local [hbm:s7], s20  }
0xa0: {  	_ =	swait.ge [sflag:s22], s20  }
0xa1: {  	s6 =	ssub.s32 $0x0, s20;
	[sflag:s22] =	ssyncset.done $0x0  }
0xa2: {  	[sflag:s22] =	ssyncadd.s32 s6;
	_ =	sdelay $0x1  }
0xa3: {  	s23 =	simm.s32 $0x1B8B  }
0xa4: {  	_ =	swait.ge [sflag:s23], $0x1  }
0xa5: {  	[sflag:s23] =	ssyncset.done $0x0  }
0xa6: {  	s25 =	simm.s32 $0x1B8E;
	s24 =	sld [smem:$0x3FFE];
	[sflag:s23] =	ssyncadd.s32 $0xFFFFFFFF  }
0xa7: {  	s26 =	simm.s32 $execute0_lowered;
	[smem:$0x3FD2] =	sst s25  }
0xa8: {  	s7 =	sshll.u32 s26, $0x1;
	_ =	strace $0x80000046;
	[dreg:$0x1] =	wrdreg $0xFFFFFFFF  }
0xa9: {  	s28 =	simm.s32 $_size_execute0_lowered;
	s5 =	sadd.s32 s5, s7;
	[dreg:$0x0] =	wrdreg $0x0  }
0xaa: {  	s7 =	sshll.u32 s28, $0x1;
	[dreg:$0x2] =	wrdreg s5  }
0xab: {  	[dreg:$0x3] =	wrdreg s7  }
0xac: {  	[dreg:$0x4] =	wrdreg $0xC0  }
0xad: {  	_ =	task [dreg:s9], $0x5FFFF  }
0xae: {  	[dreg:$0x1] =	wrdreg $0xFFFFFFFF  }
0xaf: {  	[dreg:$0x0] =	wrdreg $0x60  }
0xb0: {  	[dreg:$0x2] =	wrdreg s24  }
0xb1: {  	[dreg:$0x3] =	wrdreg s2  }
0xb2: {  	[dreg:$0x4] =	wrdreg s18  }
0xb3: {  	[dreg:$0x5] =	wrdreg s4  }
0xb4: {  	[dreg:$0x6] =	wrdreg $0x9  }
0xb5: {  	_ =	task.clear_ibuf [dreg:s9], $0x7FFFF;
	_ =	strace $0x90000046  }
0xb6: {  	s29 =	simm.s32 $0x9;
	_ =	strace $0x80000048  }
0xb7: {  	_ =	swait.ge [sflag:s29], $0x1  }
0xb8: {  	[sflag:s29] =	ssyncadd.s32 $0xFFFFFFFF  }
0xb9: {  	_ =	strace $0x90000048  }
0xba: {  	_ =	sfence  }
0xbb: {  	s30 =	sld [smem:$0x0];
	_ =	sdelay $0x2  }
0xbc: {  	s31 =	sshll.u32 s1, $0xD;
	s1 =	sshrl.u32 s1, $0x2  }
0xbd: {  	s3 =	sand.u32 $0x4000, s31;
	s1 =	sadd.s32 s1, s30  }
0xbe: {  	s0 =	sor.u32 s3, s0;
	s1 =	sshll.u32 s1, $0x11  }
0xbf: {  	s0 =	sor.u32 s1, s0  }
0xc0: {  	s0 =	sadd.s32 $0x8F2B, s0  }
0xc1: {  	[sflag:s0] =	ssyncadd.remote.s32 $0x1  }
0xc2: {  	_ =	sfence.sel $0xFFFF  }
0xc3: {  	[dreg:$0x0] =	wrdreg $0xFFFFFFFF;
	(pc) =	sbr.abs _section_cstart, $3  }
0xc4: {  	[dreg:$0x1] =	wrdreg $0xFFFFFFFF  }
0xc5: {  	_ =	task.clear_ibuf [dreg:s9], $0x2FFFF;
	_ =	strace $0x9FFFFFFF  }
0xc6: {  	(tm) =	ssettm $0x7FFFFFFF  }
0xc7: {  	_ =	shalt  }
tec
execute0_lowered:
.L_overlay_start_1:
0x0: {  	(tag) =	ssettag $0x1  }
0x1: {  	s7 =	rddreg [dreg:$0x0]  }
0x2: {  	s2 =	rddreg [dreg:$0x1]  }
0x3: {  	s4 =	rddreg [dreg:$0x2]  }
0x4: {  	s5 =	rddreg [dreg:$0x3];
	s0 =	srdreg.scid  }
0x5: {  	s1 =	stileid.u32;
	s6 =	simm.s32 $0x0;
	s29 =	simm.s32 $0x186A0  }
0x6: {  	s0 =	sand.u32 $0x1, s0;
	s1 =	sshll.u32 s1, $0x1;
	[smem:$0x7FF] =	sst s6  }
0x7: {  	s3 =	sadd.s32 $0x6400, s7;
	s1 =	sor.u32 s0, s1;
	s0 =	ssub.s32 $0x2, s0  }
0x8: {  	s28 =	sadd.s32 $0x3200, s7;
	s8 =	smul.u32 $0x30D40, s1;
	s15 =	sshrl.u32 s0, $0x1  }
0x9: {  	_ =	strace $0x80000047;
	[dreg:$0x5] =	wrdreg s3;
	s0 =	ssub.s32 s0, s15  }
0xa: {  	[dreg:$0x13] =	wrdreg s28;
	s16 =	sshrl.u32 s8, $0x3;
	s0 =	smax.u32 s0, $0x1  }
0xb: {  	s30 =	simm.s32 $0x18E70;
	s17 =	sadd.s32 s2, s16;
	[dreg:$0x12] =	wrdreg s0  }
0xc: {  	s9 =	sadd.s32 $0x190200, s7;
	s18 =	sadd.s32 s4, s16;
	[dreg:$0x6] =	wrdreg s17  }
0xd: {  	s10 =	sadd.s32 $0xCCC00, s7;
	s19 =	sadd.s32 s9, s16;
	[dreg:$0x7] =	wrdreg s18  }
0xe: {  	s11 =	sadd.s32 $0x9600, s7;
	s23 =	sadd.s32 s5, s16;
	[dreg:$0x8] =	wrdreg s19  }
0xf: {  	s13 =	sadd.s32 $0x7D0, s8;
	s24 =	sadd.s32 s10, s16;
	[dreg:$0xc] =	wrdreg s23  }
0x10: {  	s20 =	sshrl.u32 s13, $0x3;
	s3 =	sadd.s32 s11, s16;
	[dreg:$0xd] =	wrdreg s24  }
0x11: {  	s31 =	simm.s32 $0x19640;
	s12 =	sadd.s32 s2, s20;
	[dreg:$0x10] =	wrdreg s3  }
0x12: {  	s7 =	simm.s32 $0x1;
	s21 =	sadd.s32 s4, s20;
	[dreg:$0x9] =	wrdreg s12  }
0x13: {  	s15 =	simm.s32 $0x1A5E0;
	s22 =	sadd.s32 s9, s20;
	[dreg:$0xa] =	wrdreg s21  }
0x14: {  	s0 =	simm.s32 $0x1ADB0;
	s25 =	sadd.s32 s10, s20;
	[dreg:$0xb] =	wrdreg s22  }
0x15: {  	s26 =	sadd.s32 s5, s20;
	s1 =	sadd.s32 s11, s20;
	[dreg:$0xe] =	wrdreg s25  }
0x16: {  	s3 =	simm.s32 $0x1B580;
	s18 =	simm.s32 $0x2;
	[dreg:$0xf] =	wrdreg s26  }
0x17: {  	s20 =	simm.s32 $0x1CCF0;
	s24 =	simm.s32 $0x19E10;
	[dreg:$0x11] =	wrdreg s1  }
0x18: {  	s1 =	simm.s32 $0x1BD50;
	s25 =	simm.s32 $0x1C520;
	s26 =	simm.s32 $0x0  }
.LBB2_1:
0x19: {  	s12 =	rddreg [dreg:$0x5];
	s16 =	simm.s32 $0x5  }
0x1a: {  	[tilespmem:s6], [sflag:$0x5] =	stream.linear.gather [hbm4b:s12+s6], $0x186A0, $0x38;
	[tilespmem:$0x1D4C0] =	vst v63  }
0x1b: {  	_ =	swait.ge [sflag:s16], $0x186A0  }
0x1c: {  	[sflag:s16] =	ssyncset.done $0x0  }
0x1d: {  	s17 =	rddreg [dreg:$0x6];
	[sflag:s16] =	ssyncadd.s32 $0xFFFE7960  }
0x1e: {  	[tilespmem:s29], [sflag:$0x1] =	stream.linear.gather [hbm4b:s17+s6], $0x7D0, $0x38;
	[tilespmem:$0x1D4C0] =	vst v63  }
0x1f: {  	s19 =	rddreg [dreg:$0x7]  }
0x20: {  	[tilespmem:s30], [sflag:$0x1] =	stream.linear.gather [hbm4b:s19+s6], $0x7D0, $0x38;
	[tilespmem:$0x1D4C0] =	vst v63  }
0x21: {  	s21 =	rddreg [dreg:$0x8]  }
0x22: {  	[tilespmem:s31], [sflag:$0x1] =	stream.linear.gather [hbm4b:s21+s6], $0x7D0, $0x38;
	[tilespmem:$0x1D4C0] =	vst v63  }
0x23: {  	s22 =	rddreg [dreg:$0x9]  }
0x24: {  	[tilespmem:s0], [sflag:$0x2] =	stream.linear.gather [hbm4b:s22+s6], $0x7D0, $0x38;
	[tilespmem:$0x1D4C0] =	vst v63  }
0x25: {  	s23 =	rddreg [dreg:$0xa]  }
0x26: {  	[tilespmem:s3], [sflag:$0x2] =	stream.linear.gather [hbm4b:s23+s6], $0x7D0, $0x38;
	[tilespmem:$0x1D4C0] =	vst v63  }
0x27: {  	s28 =	rddreg [dreg:$0xb];
	s19 =	simm.s32 $0x0  }
0x28: {  	[tilespmem:s1], [sflag:$0x2] =	stream.linear.gather [hbm4b:s28+s6], $0x7D0, $0x38;
	[tilespmem:$0x1D4C0] =	vst v63  }
.LBB2_2:
0x29: {  	_ =	swait.ge [sflag:s7], $0x7D0  }
0x2a: {  	[sflag:s7] =	ssyncset.done $0x0  }
0x2b: {  	[sflag:s7] =	ssyncadd.s32 $0xFFFFF830  }
0x2c: {  	_ =	swait.ge [sflag:s7], $0x7D0  }
0x2d: {  	[sflag:s7] =	ssyncset.done $0x0  }
0x2e: {  	[sflag:s7] =	ssyncadd.s32 $0xFFFFF830  }
0x2f: {  	_ =	swait.ge [sflag:s7], $0x7D0  }
0x30: {  	p0 =	seq.s32 s19, $0x0;
	[sflag:s7] =	ssyncset.done $0x0  }
0x31: {  	s14 =	simm.s32 @!p0 $0x3;
	[sflag:s7] =	ssyncadd.s32 $0xFFFFF830  }
0x32: {  	s12 =	sshll.u32 s19, $0x1;
	s16 =	simm.s32 $0x186C0;
	_ =	swait.ge @!p0 [sflag:s14], $0x7D0  }
0x33: {  	s17 =	simm.s32 $0x18E90;
	s21 =	simm.s32 $0x19660;
	[sflag:s14] =	ssyncset.done @!p0 $0x0  }
0x34: {  	s22 =	simm.s32 $0x1A600;
	[sflag:s14] =	ssyncadd.s32 @!p0 $0xFFFFF830;
	s14 =	simm.s32 $0xFFFFFFFC  }
.LBB2_3:
0x35: {  	v0 =	vld [tilespmem:s16+$0xFFFFFFE0]  }
0x36: {  	v1 =	vld [tilespmem:s17+$0xFFFFFFE0];
	_ =	sdelay $0x6  }
0x37: {  	v0 =	vld.idx.msk [tilespmem:v0+s6+$0x0], $0xffff  }
0x38: {  	v1 =	vld.idx.msk [tilespmem:v1+s6+$0x0], $0xffff;
	_ =	sdelay $0x1  }
0x39: {  	v2 =	vld [tilespmem:s21+$0xFFFFFFE0];
	_ =	sdelay $0x2  }
0x3a: {  	v0 =	vsub.f32 v0, v1;
	_ =	sdelay $0x1  }
0x3b: {  	v0 =	vsub.f32 v0, v2;
	_ =	sdelay $0x1  }
0x3c: {  	v0 =	vadd.f32 $1.000000000e-15, v0;
	_ =	sdelay $0x1  }
0x3d: {  	v0 =	vmul.f32 v0, v0;
	_ =	sdelay $0x1  }
0x3e: {  	[tilespmem:s22+$0xFFFFFFE0] =	vst v0  }
0x3f: {  	v0 =	vld [tilespmem:s16+$0xFFFFFFF0]  }
0x40: {  	v58 =	vld [tilespmem:s17+$0xFFFFFFF0];
	_ =	sdelay $0x6  }
0x41: {  	v0 =	vld.idx.msk [tilespmem:v0+s6+$0x0], $0xffff  }
0x42: {  	v1 =	vld.idx.msk [tilespmem:v58+s6+$0x0], $0xffff;
	_ =	sdelay $0x1  }
0x43: {  	v59 =	vld [tilespmem:s21+$0xFFFFFFF0];
	_ =	sdelay $0x2  }
0x44: {  	v0 =	vsub.f32 v0, v1;
	_ =	sdelay $0x1  }
0x45: {  	v0 =	vsub.f32 v0, v59;
	_ =	sdelay $0x1  }
0x46: {  	v0 =	vadd.f32 $1.000000000e-15, v0;
	_ =	sdelay $0x1  }
0x47: {  	v0 =	vmul.f32 v0, v0;
	_ =	sdelay $0x1  }
0x48: {  	[tilespmem:s22+$0xFFFFFFF0] =	vst v0  }
0x49: {  	v0 =	vld [tilespmem:s16+$0x0]  }
0x4a: {  	v60 =	vld [tilespmem:s17+$0x0];
	_ =	sdelay $0x6  }
0x4b: {  	v0 =	vld.idx.msk [tilespmem:v0+s6+$0x0], $0xffff  }
0x4c: {  	v1 =	vld.idx.msk [tilespmem:v60+s6+$0x0], $0xffff;
	_ =	sdelay $0x1  }
0x4d: {  	v61 =	vld [tilespmem:s21+$0x0];
	_ =	sdelay $0x2  }
0x4e: {  	v0 =	vsub.f32 v0, v1;
	_ =	sdelay $0x1  }
0x4f: {  	v0 =	vsub.f32 v0, v61;
	_ =	sdelay $0x1  }
0x50: {  	v0 =	vadd.f32 $1.000000000e-15, v0;
	_ =	sdelay $0x1  }
0x51: {  	v0 =	vmul.f32 v0, v0;
	_ =	sdelay $0x1  }
0x52: {  	[tilespmem:s22+$0x0] =	vst v0  }
0x53: {  	v0 =	vld [tilespmem:s16+$0x10]  }
0x54: {  	v62 =	vld [tilespmem:s17+$0x10];
	_ =	sdelay $0x6  }
0x55: {  	v0 =	vld.idx.msk [tilespmem:v0+s6+$0x0], $0xffff  }
0x56: {  	v1 =	vld.idx.msk [tilespmem:v62+s6+$0x0], $0xffff;
	_ =	sdelay $0x1  }
0x57: {  	v63 =	vld [tilespmem:s21+$0x10];
	_ =	sdelay $0x2  }
0x58: {  	v0 =	vsub.f32 v0, v1;
	_ =	sdelay $0x1  }
0x59: {  	s14 =	sadd.s32 $0x4, s14;
	v0 =	vsub.f32 v0, v63  }
0x5a: {  	p1 =	slt.u32 s14, $0x78  }
.Ltmp0:
0x5b: {  	v0 =	vadd.f32 $1.000000000e-15, v0;
	(pc) =	sbr.rel @p1 .LBB2_3-.Ltmp0, $4  }
0x5c: {  	_ = 	snop  }
0x5d: {  	v0 =	vmul.f32 v0, v0  }
0x5e: {  	s16 =	sadd.s32 $0x40, s16  }
0x5f: {  	s17 =	sadd.s32 $0x40, s17;
	s21 =	sadd.s32 $0x40, s21;
	[tilespmem:s22+$0x10] =	vst v0;
	s22 =	sadd.s32 $0x40, s22  }
0x60: {  	v0 =	vld [tilespmem:$0x18E60]  }
0x61: {  	v1 =	vld [tilespmem:$0x19630];
	_ =	sdelay $0x6  }
0x62: {  	v0 =	vld.idx.msk [tilespmem:v0+s6+$0x0], $0xffff  }
0x63: {  	v1 =	vld.idx.msk [tilespmem:v1+s6+$0x0], $0xffff;
	_ =	sdelay $0x1  }
0x64: {  	v2 =	vld [tilespmem:$0x19E00];
	_ =	sdelay $0x2  }
0x65: {  	v0 =	vsub.f32 v0, v1;
	_ =	sdelay $0x1  }
0x66: {  	v0 =	vsub.f32 v0, v2;
	_ =	sdelay $0x1  }
0x67: {  	s14 =	smul.u32 $0xFA0, s19;
	s21 =	sadd.s32 $0x2, s12;
	v0 =	vadd.f32 $1.000000000e-15, v0  }
0x68: {  	s17 =	smul.u32 $0x7D0, s21  }
0x69: {  	p1 =	seq.s32 s21, $0x64;
	s16 =	sadd.s32 s8, s14;
	v0 =	vmul.f32 v0, v0  }
0x6a: {  	s16 =	sshrl.u32 s16, $0x3;
	s17 =	simm.s32 @p1 $0x0  }
0x6b: {  	s16 =	sadd.s32 s5, s16;
	s22 =	sadd.s32 s8, s17;
	[tilespmem:$0x1ADA0] =	vst v0  }
0x6c: {  	[hbm4b:s16+s6] =	stream.linear.scatter [tilespmem:s15], [sflag:$0x3], $0x7D0, $0x38;
	[tilespmem:$0x1D4C0] =	vst v63  }
0x6d: {  	s16 =	sshrl.u32 s22, $0x3  }
0x6e: {  	s23 =	sadd.s32 s2, s16  }
0x6f: {  	[tilespmem:s29], [sflag:$0x1] =	stream.linear.gather [hbm4b:s23+s6], $0x7D0, $0x38;
	[tilespmem:$0x1D4C0] =	vst v63  }
0x70: {  	s28 =	sadd.s32 s4, s16  }
0x71: {  	[tilespmem:s30], [sflag:$0x1] =	stream.linear.gather [hbm4b:s28+s6], $0x7D0, $0x38;
	[tilespmem:$0x1D4C0] =	vst v63  }
0x72: {  	s16 =	sadd.s32 s9, s16  }
0x73: {  	[tilespmem:s31], [sflag:$0x1] =	stream.linear.gather [hbm4b:s16+s6], $0x7D0, $0x38;
	[tilespmem:$0x1D4C0] =	vst v63  }
0x74: {  	_ =	swait.ge [sflag:s18], $0x7D0  }
0x75: {  	[sflag:s18] =	ssyncset.done $0x0  }
0x76: {  	[sflag:s18] =	ssyncadd.s32 $0xFFFFF830  }
0x77: {  	_ =	swait.ge [sflag:s18], $0x7D0  }
0x78: {  	[sflag:s18] =	ssyncset.done $0x0  }
0x79: {  	[sflag:s18] =	ssyncadd.s32 $0xFFFFF830  }
0x7a: {  	_ =	swait.ge [sflag:s18], $0x7D0  }
0x7b: {  	[sflag:s18] =	ssyncset.done $0x0  }
0x7c: {  	s16 =	simm.s32 @!p0 $0x4;
	[sflag:s18] =	ssyncadd.s32 $0xFFFFF830  }
0x7d: {  	s21 =	simm.s32 $0x1B5A0;
	_ =	swait.ge @!p0 [sflag:s16], $0x7D0  }
0x7e: {  	s17 =	simm.s32 $0x1ADD0;
	s22 =	simm.s32 $0x1BD70;
	[sflag:s16] =	ssyncset.done @!p0 $0x0  }
0x7f: {  	s23 =	simm.s32 $0x1CD10;
	[sflag:s16] =	ssyncadd.s32 @!p0 $0xFFFFF830;
	s16 =	simm.s32 $0xFFFFFFFC  }
.LBB2_5:
0x80: {  	v0 =	vld [tilespmem:s17+$0xFFFFFFE0]  }
0x81: {  	v1 =	vld [tilespmem:s21+$0xFFFFFFE0];
	_ =	sdelay $0x6  }
0x82: {  	v0 =	vld.idx.msk [tilespmem:v0+s6+$0x0], $0xffff  }
0x83: {  	v1 =	vld.idx.msk [tilespmem:v1+s6+$0x0], $0xffff;
	_ =	sdelay $0x1  }
0x84: {  	v2 =	vld [tilespmem:s22+$0xFFFFFFE0];
	_ =	sdelay $0x2  }
0x85: {  	v0 =	vsub.f32 v0, v1;
	_ =	sdelay $0x1  }
0x86: {  	v0 =	vsub.f32 v0, v2;
	_ =	sdelay $0x1  }
0x87: {  	v0 =	vadd.f32 $1.000000000e-15, v0;
	_ =	sdelay $0x1  }
0x88: {  	v0 =	vmul.f32 v0, v0;
	_ =	sdelay $0x1  }
0x89: {  	[tilespmem:s23+$0xFFFFFFE0] =	vst v0  }
0x8a: {  	v0 =	vld [tilespmem:s17+$0xFFFFFFF0]  }
0x8b: {  	v58 =	vld [tilespmem:s21+$0xFFFFFFF0];
	_ =	sdelay $0x6  }
0x8c: {  	v0 =	vld.idx.msk [tilespmem:v0+s6+$0x0], $0xffff  }
0x8d: {  	v1 =	vld.idx.msk [tilespmem:v58+s6+$0x0], $0xffff;
	_ =	sdelay $0x1  }
0x8e: {  	v59 =	vld [tilespmem:s22+$0xFFFFFFF0];
	_ =	sdelay $0x2  }
0x8f: {  	v0 =	vsub.f32 v0, v1;
	_ =	sdelay $0x1  }
0x90: {  	v0 =	vsub.f32 v0, v59;
	_ =	sdelay $0x1  }
0x91: {  	v0 =	vadd.f32 $1.000000000e-15, v0;
	_ =	sdelay $0x1  }
0x92: {  	v0 =	vmul.f32 v0, v0;
	_ =	sdelay $0x1  }
0x93: {  	[tilespmem:s23+$0xFFFFFFF0] =	vst v0  }
0x94: {  	v0 =	vld [tilespmem:s17+$0x0]  }
0x95: {  	v60 =	vld [tilespmem:s21+$0x0];
	_ =	sdelay $0x6  }
0x96: {  	v0 =	vld.idx.msk [tilespmem:v0+s6+$0x0], $0xffff  }
0x97: {  	v1 =	vld.idx.msk [tilespmem:v60+s6+$0x0], $0xffff;
	_ =	sdelay $0x1  }
0x98: {  	v61 =	vld [tilespmem:s22+$0x0];
	_ =	sdelay $0x2  }
0x99: {  	v0 =	vsub.f32 v0, v1;
	_ =	sdelay $0x1  }
0x9a: {  	v0 =	vsub.f32 v0, v61;
	_ =	sdelay $0x1  }
0x9b: {  	v0 =	vadd.f32 $1.000000000e-15, v0;
	_ =	sdelay $0x1  }
0x9c: {  	v0 =	vmul.f32 v0, v0;
	_ =	sdelay $0x1  }
0x9d: {  	[tilespmem:s23+$0x0] =	vst v0  }
0x9e: {  	v0 =	vld [tilespmem:s17+$0x10]  }
0x9f: {  	v62 =	vld [tilespmem:s21+$0x10];
	_ =	sdelay $0x6  }
0xa0: {  	v0 =	vld.idx.msk [tilespmem:v0+s6+$0x0], $0xffff  }
0xa1: {  	v1 =	vld.idx.msk [tilespmem:v62+s6+$0x0], $0xffff;
	_ =	sdelay $0x1  }
0xa2: {  	v63 =	vld [tilespmem:s22+$0x10];
	_ =	sdelay $0x2  }
0xa3: {  	v0 =	vsub.f32 v0, v1;
	_ =	sdelay $0x1  }
0xa4: {  	s16 =	sadd.s32 $0x4, s16;
	v0 =	vsub.f32 v0, v63  }
0xa5: {  	p0 =	slt.u32 s16, $0x78  }
.Ltmp1:
0xa6: {  	v0 =	vadd.f32 $1.000000000e-15, v0;
	(pc) =	sbr.rel @p0 .LBB2_5-.Ltmp1, $4  }
0xa7: {  	_ = 	snop  }
0xa8: {  	v0 =	vmul.f32 v0, v0  }
0xa9: {  	s17 =	sadd.s32 $0x40, s17  }
0xaa: {  	s21 =	sadd.s32 $0x40, s21;
	s22 =	sadd.s32 $0x40, s22;
	[tilespmem:s23+$0x10] =	vst v0;
	s23 =	sadd.s32 $0x40, s23  }
0xab: {  	v0 =	vld [tilespmem:$0x1B570]  }
0xac: {  	v1 =	vld [tilespmem:$0x1BD40];
	_ =	sdelay $0x6  }
0xad: {  	v0 =	vld.idx.msk [tilespmem:v0+s6+$0x0], $0xffff  }
0xae: {  	v1 =	vld.idx.msk [tilespmem:v1+s6+$0x0], $0xffff;
	_ =	sdelay $0x1  }
0xaf: {  	v2 =	vld [tilespmem:$0x1C510]  }
0xb0: {  	s12 =	sadd.s32 $0x3, s12  }
0xb1: {  	s16 =	smulhi.u32 $0x51EB851F, s12  }
0xb2: {  	v0 =	vsub.f32 v0, v1  }
0xb3: {  	s16 =	sshrl.u32 s16, $0x5  }
0xb4: {  	s16 =	smul.u32 $0x64, s16;
	v0 =	vsub.f32 v0, v2;
	_ =	sdelay $0x1  }
0xb5: {  	s12 =	ssub.s32 s12, s16;
	v0 =	vadd.f32 $1.000000000e-15, v0  }
0xb6: {  	s12 =	smul.u32 $0x7D0, s12  }
0xb7: {  	s14 =	sadd.s32 s14, s13;
	v0 =	vmul.f32 v0, v0  }
0xb8: {  	s14 =	sshrl.u32 s14, $0x3;
	s12 =	sadd.s32 s8, s12  }
0xb9: {  	s19 =	sadd.s32 $0x1, s19;
	s14 =	sadd.s32 s5, s14;
	s12 =	sshrl.u32 s12, $0x3;
	[tilespmem:$0x1D4B0] =	vst v0  }
0xba: {  	[hbm4b:s14+s6] =	stream.linear.scatter [tilespmem:s20], [sflag:$0x4], $0x7D0, $0x38;
	[tilespmem:$0x1D4C0] =	vst v63  }
0xbb: {  	p0 =	sne.s32 s19, $0x32;
	s23 =	sadd.s32 s2, s12  }
0xbc: {  	[tilespmem:s0], [sflag:$0x2] =	stream.linear.gather [hbm4b:s23+s6], $0x7D0, $0x38;
	[tilespmem:$0x1D4C0] =	vst v63  }
.Ltmp2:
0xbd: {  	_ = 	snop;
	(pc) =	sbr.rel @p0 .LBB2_2-.Ltmp2, $4  }
0xbe: {  	s28 =	sadd.s32 s4, s12  }
0xbf: {  	[tilespmem:s3], [sflag:$0x2] =	stream.linear.gather [hbm4b:s28+s6], $0x7D0, $0x38;
	[tilespmem:$0x1D4C0] =	vst v63  }
0xc0: {  	s12 =	sadd.s32 s9, s12  }
0xc1: {  	[tilespmem:s1], [sflag:$0x2] =	stream.linear.gather [hbm4b:s12+s6], $0x7D0, $0x38;
	[tilespmem:$0x1D4C0] =	vst v63  }
0xc2: {  	_ =	swait.ge [sflag:s7], $0x7D0  }
0xc3: {  	[sflag:s7] =	ssyncset.done $0x0  }
0xc4: {  	[sflag:s7] =	ssyncadd.s32 $0xFFFFF830  }
0xc5: {  	_ =	swait.ge [sflag:s7], $0x7D0  }
0xc6: {  	[sflag:s7] =	ssyncset.done $0x0  }
0xc7: {  	[sflag:s7] =	ssyncadd.s32 $0xFFFFF830  }
0xc8: {  	_ =	swait.ge [sflag:s7], $0x7D0  }
0xc9: {  	[sflag:s7] =	ssyncset.done $0x0  }
0xca: {  	[sflag:s7] =	ssyncadd.s32 $0xFFFFF830  }
0xcb: {  	_ =	swait.ge [sflag:s18], $0x7D0  }
0xcc: {  	[sflag:s18] =	ssyncset.done $0x0  }
0xcd: {  	[sflag:s18] =	ssyncadd.s32 $0xFFFFF830  }
0xce: {  	_ =	swait.ge [sflag:s18], $0x7D0  }
0xcf: {  	[sflag:s18] =	ssyncset.done $0x0  }
0xd0: {  	[sflag:s18] =	ssyncadd.s32 $0xFFFFF830  }
0xd1: {  	_ =	swait.ge [sflag:s18], $0x7D0  }
0xd2: {  	[sflag:s18] =	ssyncset.done $0x0  }
0xd3: {  	s12 =	simm.s32 $0x3;
	[sflag:s18] =	ssyncadd.s32 $0xFFFFF830  }
0xd4: {  	_ =	swait.ge [sflag:s12], $0x7D0  }
0xd5: {  	[sflag:s12] =	ssyncset.done $0x0  }
0xd6: {  	s21 =	simm.s32 $0x4;
	[sflag:s12] =	ssyncadd.s32 $0xFFFFF830  }
0xd7: {  	_ =	swait.ge [sflag:s21], $0x7D0  }
0xd8: {  	s19 =	simm.s32 $0x0;
	[sflag:s21] =	ssyncset.done $0x0  }
0xd9: {  	s23 =	simm.s32 $0x5;
	s22 =	rddreg [dreg:$0x13];
	[sflag:s21] =	ssyncadd.s32 $0xFFFFF830  }
0xda: {  	[tilespmem:s19], [sflag:$0x5] =	stream.linear.gather [hbm4b:s22+s19], $0x186A0, $0x38;
	[tilespmem:$0x1D4C0] =	vst v63  }
0xdb: {  	_ =	swait.ge [sflag:s23], $0x186A0  }
0xdc: {  	[sflag:s23] =	ssyncset.done $0x0  }
0xdd: {  	s28 =	rddreg [dreg:$0x6];
	[sflag:s23] =	ssyncadd.s32 $0xFFFE7960  }
0xde: {  	[tilespmem:s29], [sflag:$0x1] =	stream.linear.gather [hbm4b:s28+s19], $0x7D0, $0x38;
	[tilespmem:$0x1D4C0] =	vst v63  }
0xdf: {  	s14 =	rddreg [dreg:$0x7]  }
0xe0: {  	[tilespmem:s30], [sflag:$0x1] =	stream.linear.gather [hbm4b:s14+s19], $0x7D0, $0x38;
	[tilespmem:$0x1D4C0] =	vst v63  }
0xe1: {  	s16 =	rddreg [dreg:$0xd]  }
0xe2: {  	[tilespmem:s31], [sflag:$0x1] =	stream.linear.gather [hbm4b:s16+s19], $0x7D0, $0x38;
	[tilespmem:$0x1D4C0] =	vst v63  }
0xe3: {  	s17 =	rddreg [dreg:$0xc]  }
0xe4: {  	[tilespmem:s24], [sflag:$0x1] =	stream.linear.gather [hbm4b:s17+s19], $0x7D0, $0x38;
	[tilespmem:$0x1D4C0] =	vst v63  }
0xe5: {  	s21 =	rddreg [dreg:$0x9]  }
0xe6: {  	[tilespmem:s0], [sflag:$0x2] =	stream.linear.gather [hbm4b:s21+s19], $0x7D0, $0x38;
	[tilespmem:$0x1D4C0] =	vst v63  }
0xe7: {  	s22 =	rddreg [dreg:$0xa]  }
0xe8: {  	[tilespmem:s3], [sflag:$0x2] =	stream.linear.gather [hbm4b:s22+s19], $0x7D0, $0x38;
	[tilespmem:$0x1D4C0] =	vst v63  }
0xe9: {  	s23 =	rddreg [dreg:$0xe]  }
0xea: {  	[tilespmem:s1], [sflag:$0x2] =	stream.linear.gather [hbm4b:s23+s19], $0x7D0, $0x38;
	[tilespmem:$0x1D4C0] =	vst v63  }
0xeb: {  	s28 =	rddreg [dreg:$0xf]  }
0xec: {  	[tilespmem:s25], [sflag:$0x2] =	stream.linear.gather [hbm4b:s28+s19], $0x7D0, $0x38;
	[tilespmem:$0x1D4C0] =	vst v63  }
.LBB2_8:
0xed: {  	_ =	swait.ge [sflag:s7], $0x7D0  }
0xee: {  	[sflag:s7] =	ssyncset.done $0x0  }
0xef: {  	[sflag:s7] =	ssyncadd.s32 $0xFFFFF830  }
0xf0: {  	_ =	swait.ge [sflag:s7], $0x7D0  }
0xf1: {  	[sflag:s7] =	ssyncset.done $0x0  }
0xf2: {  	[sflag:s7] =	ssyncadd.s32 $0xFFFFF830  }
0xf3: {  	_ =	swait.ge [sflag:s7], $0x7D0  }
0xf4: {  	[sflag:s7] =	ssyncset.done $0x0  }
0xf5: {  	[sflag:s7] =	ssyncadd.s32 $0xFFFFF830  }
0xf6: {  	_ =	swait.ge [sflag:s7], $0x7D0  }
0xf7: {  	p0 =	seq.s32 s19, $0x0;
	[sflag:s7] =	ssyncset.done $0x0  }
0xf8: {  	s12 =	sshll.u32 s19, $0x1;
	s14 =	simm.s32 @!p0 $0x3;
	[sflag:s7] =	ssyncadd.s32 $0xFFFFF830  }
0xf9: {  	s16 =	simm.s32 $0x186C0;
	s17 =	simm.s32 $0x18E90;
	_ =	swait.ge @!p0 [sflag:s14], $0x7D0  }
0xfa: {  	s21 =	simm.s32 $0x19660;
	s22 =	simm.s32 $0x19E30;
	[sflag:s14] =	ssyncset.done @!p0 $0x0  }
0xfb: {  	s23 =	simm.s32 $0x1A600;
	[sflag:s14] =	ssyncadd.s32 @!p0 $0xFFFFF830;
	s14 =	simm.s32 $0xFFFFFFFC  }
.LBB2_9:
0xfc: {  	v0 =	vld [tilespmem:s16+$0xFFFFFFE0]  }
0xfd: {  	v1 =	vld [tilespmem:s17+$0xFFFFFFE0];
	_ =	sdelay $0x6  }
0xfe: {  	v0 =	vld.idx.msk [tilespmem:v0+s6+$0x0], $0xffff  }
0xff: {  	v1 =	vld.idx.msk [tilespmem:v1+s6+$0x0], $0xffff;
	_ =	sdelay $0x1  }
0x100: {  	v2 =	vld [tilespmem:s21+$0xFFFFFFE0];
	_ =	sdelay $0x2  }
0x101: {  	v0 =	vsub.f32 v0, v1;
	_ =	sdelay $0x1  }
0x102: {  	v0 =	vsub.f32 v0, v2  }
0x103: {  	v54 =	vld [tilespmem:s22+$0xFFFFFFE0]  }
0x104: {  	v0 =	vadd.f32 $1.000000000e-15, v0;
	_ =	sdelay $0x1  }
0x105: {  	v0 =	vmul.f32 v0, v0;
	_ =	sdelay $0x1  }
0x106: {  	v0 =	vadd.f32 v0, v54;
	_ =	sdelay $0x1  }
0x107: {  	[tilespmem:s23+$0xFFFFFFE0] =	vst v0  }
0x108: {  	v0 =	vld [tilespmem:s16+$0xFFFFFFF0]  }
0x109: {  	v55 =	vld [tilespmem:s17+$0xFFFFFFF0];
	_ =	sdelay $0x6  }
0x10a: {  	v0 =	vld.idx.msk [tilespmem:v0+s6+$0x0], $0xffff  }
0x10b: {  	v1 =	vld.idx.msk [tilespmem:v55+s6+$0x0], $0xffff;
	_ =	sdelay $0x1  }
0x10c: {  	v56 =	vld [tilespmem:s21+$0xFFFFFFF0];
	_ =	sdelay $0x2  }
0x10d: {  	v0 =	vsub.f32 v0, v1;
	_ =	sdelay $0x1  }
0x10e: {  	v0 =	vsub.f32 v0, v56  }
0x10f: {  	v57 =	vld [tilespmem:s22+$0xFFFFFFF0]  }
0x110: {  	v0 =	vadd.f32 $1.000000000e-15, v0;
	_ =	sdelay $0x1  }
0x111: {  	v0 =	vmul.f32 v0, v0;
	_ =	sdelay $0x1  }
0x112: {  	v0 =	vadd.f32 v0, v57;
	_ =	sdelay $0x1  }
0x113: {  	[tilespmem:s23+$0xFFFFFFF0] =	vst v0  }
0x114: {  	v0 =	vld [tilespmem:s16+$0x0]  }
0x115: {  	v58 =	vld [tilespmem:s17+$0x0];
	_ =	sdelay $0x6  }
0x116: {  	v0 =	vld.idx.msk [tilespmem:v0+s6+$0x0], $0xffff  }
0x117: {  	v1 =	vld.idx.msk [tilespmem:v58+s6+$0x0], $0xffff;
	_ =	sdelay $0x1  }
0x118: {  	v59 =	vld [tilespmem:s21+$0x0];
	_ =	sdelay $0x2  }
0x119: {  	v0 =	vsub.f32 v0, v1;
	_ =	sdelay $0x1  }
0x11a: {  	v0 =	vsub.f32 v0, v59  }
0x11b: {  	v60 =	vld [tilespmem:s22+$0x0]  }
0x11c: {  	v0 =	vadd.f32 $1.000000000e-15, v0;
	_ =	sdelay $0x1  }
0x11d: {  	v0 =	vmul.f32 v0, v0;
	_ =	sdelay $0x1  }
0x11e: {  	v0 =	vadd.f32 v0, v60;
	_ =	sdelay $0x1  }
0x11f: {  	[tilespmem:s23+$0x0] =	vst v0  }
0x120: {  	v0 =	vld [tilespmem:s16+$0x10]  }
0x121: {  	v61 =	vld [tilespmem:s17+$0x10];
	_ =	sdelay $0x6  }
0x122: {  	v0 =	vld.idx.msk [tilespmem:v0+s6+$0x0], $0xffff  }
0x123: {  	v1 =	vld.idx.msk [tilespmem:v61+s6+$0x0], $0xffff;
	_ =	sdelay $0x1  }
0x124: {  	v62 =	vld [tilespmem:s21+$0x10];
	_ =	sdelay $0x2  }
0x125: {  	v0 =	vsub.f32 v0, v1;
	_ =	sdelay $0x1  }
0x126: {  	v0 =	vsub.f32 v0, v62  }
0x127: {  	v63 =	vld [tilespmem:s22+$0x10]  }
0x128: {  	s14 =	sadd.s32 $0x4, s14;
	v0 =	vadd.f32 $1.000000000e-15, v0  }
0x129: {  	p1 =	slt.u32 s14, $0x78  }
.Ltmp3:
0x12a: {  	v0 =	vmul.f32 v0, v0;
	(pc) =	sbr.rel @p1 .LBB2_9-.Ltmp3, $4  }
0x12b: {  	_ = 	snop  }
0x12c: {  	v0 =	vadd.f32 v0, v63  }
0x12d: {  	s16 =	sadd.s32 $0x40, s16;
	s17 =	sadd.s32 $0x40, s17  }
0x12e: {  	s21 =	sadd.s32 $0x40, s21;
	s22 =	sadd.s32 $0x40, s22;
	[tilespmem:s23+$0x10] =	vst v0;
	s23 =	sadd.s32 $0x40, s23  }
0x12f: {  	v0 =	vld [tilespmem:$0x18E60]  }
0x130: {  	v1 =	vld [tilespmem:$0x19630];
	_ =	sdelay $0x6  }
0x131: {  	v0 =	vld.idx.msk [tilespmem:v0+s6+$0x0], $0xffff  }
0x132: {  	v1 =	vld.idx.msk [tilespmem:v1+s6+$0x0], $0xffff;
	_ =	sdelay $0x1  }
0x133: {  	v2 =	vld [tilespmem:$0x19E00];
	_ =	sdelay $0x2  }
0x134: {  	v0 =	vsub.f32 v0, v1;
	_ =	sdelay $0x1  }
0x135: {  	v0 =	vsub.f32 v0, v2  }
0x136: {  	v63 =	vld [tilespmem:$0x1A5D0]  }
0x137: {  	v0 =	vadd.f32 $1.000000000e-15, v0;
	_ =	sdelay $0x1  }
0x138: {  	s14 =	smul.u32 $0xFA0, s19;
	s23 =	sadd.s32 $0x2, s12;
	v0 =	vmul.f32 v0, v0  }
0x139: {  	s17 =	smul.u32 $0x7D0, s23  }
0x13a: {  	p1 =	seq.s32 s23, $0x64;
	s16 =	sadd.s32 s8, s14;
	v0 =	vadd.f32 v0, v63  }
0x13b: {  	s16 =	sshrl.u32 s16, $0x3;
	s17 =	simm.s32 @p1 $0x0  }
0x13c: {  	s16 =	sadd.s32 s5, s16;
	s17 =	sadd.s32 s8, s17;
	[tilespmem:$0x1ADA0] =	vst v0  }
0x13d: {  	[hbm4b:s16+s6] =	stream.linear.scatter [tilespmem:s15], [sflag:$0x3], $0x7D0, $0x38;
	[tilespmem:$0x1D4C0] =	vst v63  }
0x13e: {  	s16 =	sshrl.u32 s17, $0x3  }
0x13f: {  	s21 =	sadd.s32 s2, s16  }
0x140: {  	[tilespmem:s29], [sflag:$0x1] =	stream.linear.gather [hbm4b:s21+s6], $0x7D0, $0x38;
	[tilespmem:$0x1D4C0] =	vst v63  }
0x141: {  	s22 =	sadd.s32 s4, s16  }
0x142: {  	[tilespmem:s30], [sflag:$0x1] =	stream.linear.gather [hbm4b:s22+s6], $0x7D0, $0x38;
	[tilespmem:$0x1D4C0] =	vst v63  }
0x143: {  	s23 =	sadd.s32 s10, s16  }
0x144: {  	[tilespmem:s31], [sflag:$0x1] =	stream.linear.gather [hbm4b:s23+s6], $0x7D0, $0x38;
	[tilespmem:$0x1D4C0] =	vst v63  }
0x145: {  	s16 =	sadd.s32 s5, s16  }
0x146: {  	[tilespmem:s24], [sflag:$0x1] =	stream.linear.gather [hbm4b:s16+s6], $0x7D0, $0x38;
	[tilespmem:$0x1D4C0] =	vst v63  }
0x147: {  	_ =	swait.ge [sflag:s18], $0x7D0  }
0x148: {  	[sflag:s18] =	ssyncset.done $0x0  }
0x149: {  	[sflag:s18] =	ssyncadd.s32 $0xFFFFF830  }
0x14a: {  	_ =	swait.ge [sflag:s18], $0x7D0  }
0x14b: {  	[sflag:s18] =	ssyncset.done $0x0  }
0x14c: {  	[sflag:s18] =	ssyncadd.s32 $0xFFFFF830  }
0x14d: {  	_ =	swait.ge [sflag:s18], $0x7D0  }
0x14e: {  	[sflag:s18] =	ssyncset.done $0x0  }
0x14f: {  	[sflag:s18] =	ssyncadd.s32 $0xFFFFF830  }
0x150: {  	_ =	swait.ge [sflag:s18], $0x7D0  }
0x151: {  	[sflag:s18] =	ssyncset.done $0x0  }
0x152: {  	s16 =	simm.s32 @!p0 $0x4;
	[sflag:s18] =	ssyncadd.s32 $0xFFFFF830  }
0x153: {  	s28 =	simm.s32 $0x1CD10;
	s17 =	simm.s32 $0x1ADD0;
	_ =	swait.ge @!p0 [sflag:s16], $0x7D0  }
0x154: {  	s21 =	simm.s32 $0x1B5A0;
	s22 =	simm.s32 $0x1BD70;
	[sflag:s16] =	ssyncset.done @!p0 $0x0  }
0x155: {  	s23 =	simm.s32 $0x1C540;
	[sflag:s16] =	ssyncadd.s32 @!p0 $0xFFFFF830;
	s16 =	simm.s32 $0xFFFFFFFC  }
.LBB2_11:
0x156: {  	v0 =	vld [tilespmem:s17+$0xFFFFFFE0]  }
0x157: {  	v1 =	vld [tilespmem:s21+$0xFFFFFFE0];
	_ =	sdelay $0x6  }
0x158: {  	v0 =	vld.idx.msk [tilespmem:v0+s6+$0x0], $0xffff  }
0x159: {  	v1 =	vld.idx.msk [tilespmem:v1+s6+$0x0], $0xffff;
	_ =	sdelay $0x1  }
0x15a: {  	v2 =	vld [tilespmem:s22+$0xFFFFFFE0];
	_ =	sdelay $0x2  }
0x15b: {  	v0 =	vsub.f32 v0, v1;
	_ =	sdelay $0x1  }
0x15c: {  	v0 =	vsub.f32 v0, v2  }
0x15d: {  	v54 =	vld [tilespmem:s23+$0xFFFFFFE0]  }
0x15e: {  	v0 =	vadd.f32 $1.000000000e-15, v0;
	_ =	sdelay $0x1  }
0x15f: {  	v0 =	vmul.f32 v0, v0;
	_ =	sdelay $0x1  }
0x160: {  	v0 =	vadd.f32 v0, v54;
	_ =	sdelay $0x1  }
0x161: {  	[tilespmem:s28+$0xFFFFFFE0] =	vst v0  }
0x162: {  	v0 =	vld [tilespmem:s17+$0xFFFFFFF0]  }
0x163: {  	v55 =	vld [tilespmem:s21+$0xFFFFFFF0];
	_ =	sdelay $0x6  }
0x164: {  	v0 =	vld.idx.msk [tilespmem:v0+s6+$0x0], $0xffff  }
0x165: {  	v1 =	vld.idx.msk [tilespmem:v55+s6+$0x0], $0xffff;
	_ =	sdelay $0x1  }
0x166: {  	v56 =	vld [tilespmem:s22+$0xFFFFFFF0];
	_ =	sdelay $0x2  }
0x167: {  	v0 =	vsub.f32 v0, v1;
	_ =	sdelay $0x1  }
0x168: {  	v0 =	vsub.f32 v0, v56  }
0x169: {  	v57 =	vld [tilespmem:s23+$0xFFFFFFF0]  }
0x16a: {  	v0 =	vadd.f32 $1.000000000e-15, v0;
	_ =	sdelay $0x1  }
0x16b: {  	v0 =	vmul.f32 v0, v0;
	_ =	sdelay $0x1  }
0x16c: {  	v0 =	vadd.f32 v0, v57;
	_ =	sdelay $0x1  }
0x16d: {  	[tilespmem:s28+$0xFFFFFFF0] =	vst v0  }
0x16e: {  	v0 =	vld [tilespmem:s17+$0x0]  }
0x16f: {  	v58 =	vld [tilespmem:s21+$0x0];
	_ =	sdelay $0x6  }
0x170: {  	v0 =	vld.idx.msk [tilespmem:v0+s6+$0x0], $0xffff  }
0x171: {  	v1 =	vld.idx.msk [tilespmem:v58+s6+$0x0], $0xffff;
	_ =	sdelay $0x1  }
0x172: {  	v59 =	vld [tilespmem:s22+$0x0];
	_ =	sdelay $0x2  }
0x173: {  	v0 =	vsub.f32 v0, v1;
	_ =	sdelay $0x1  }
0x174: {  	v0 =	vsub.f32 v0, v59  }
0x175: {  	v60 =	vld [tilespmem:s23+$0x0]  }
0x176: {  	v0 =	vadd.f32 $1.000000000e-15, v0;
	_ =	sdelay $0x1  }
0x177: {  	v0 =	vmul.f32 v0, v0;
	_ =	sdelay $0x1  }
0x178: {  	v0 =	vadd.f32 v0, v60;
	_ =	sdelay $0x1  }
0x179: {  	[tilespmem:s28+$0x0] =	vst v0  }
0x17a: {  	v0 =	vld [tilespmem:s17+$0x10]  }
0x17b: {  	v61 =	vld [tilespmem:s21+$0x10];
	_ =	sdelay $0x6  }
0x17c: {  	v0 =	vld.idx.msk [tilespmem:v0+s6+$0x0], $0xffff  }
0x17d: {  	v1 =	vld.idx.msk [tilespmem:v61+s6+$0x0], $0xffff;
	_ =	sdelay $0x1  }
0x17e: {  	v62 =	vld [tilespmem:s22+$0x10];
	_ =	sdelay $0x2  }
0x17f: {  	v0 =	vsub.f32 v0, v1;
	_ =	sdelay $0x1  }
0x180: {  	v0 =	vsub.f32 v0, v62  }
0x181: {  	v63 =	vld [tilespmem:s23+$0x10]  }
0x182: {  	s16 =	sadd.s32 $0x4, s16;
	v0 =	vadd.f32 $1.000000000e-15, v0  }
0x183: {  	p0 =	slt.u32 s16, $0x78  }
.Ltmp4:
0x184: {  	v0 =	vmul.f32 v0, v0;
	(pc) =	sbr.rel @p0 .LBB2_11-.Ltmp4, $4  }
0x185: {  	_ = 	snop  }
0x186: {  	v0 =	vadd.f32 v0, v63  }
0x187: {  	s17 =	sadd.s32 $0x40, s17;
	s21 =	sadd.s32 $0x40, s21  }
0x188: {  	s22 =	sadd.s32 $0x40, s22;
	s23 =	sadd.s32 $0x40, s23;
	[tilespmem:s28+$0x10] =	vst v0;
	s28 =	sadd.s32 $0x40, s28  }
0x189: {  	v0 =	vld [tilespmem:$0x1B570]  }
0x18a: {  	v1 =	vld [tilespmem:$0x1BD40];
	_ =	sdelay $0x6  }
0x18b: {  	v0 =	vld.idx.msk [tilespmem:v0+s6+$0x0], $0xffff  }
0x18c: {  	v1 =	vld.idx.msk [tilespmem:v1+s6+$0x0], $0xffff;
	_ =	sdelay $0x1  }
0x18d: {  	v2 =	vld [tilespmem:$0x1C510];
	_ =	sdelay $0x2  }
0x18e: {  	s12 =	sadd.s32 $0x3, s12;
	v0 =	vsub.f32 v0, v1  }
0x18f: {  	s16 =	smulhi.u32 $0x51EB851F, s12  }
0x190: {  	v0 =	vsub.f32 v0, v2  }
0x191: {  	v63 =	vld [tilespmem:$0x1CCE0];
	s16 =	sshrl.u32 s16, $0x5  }
0x192: {  	s16 =	smul.u32 $0x64, s16;
	v0 =	vadd.f32 $1.000000000e-15, v0;
	_ =	sdelay $0x1  }
0x193: {  	s12 =	ssub.s32 s12, s16;
	v0 =	vmul.f32 v0, v0  }
0x194: {  	s12 =	smul.u32 $0x7D0, s12  }
0x195: {  	s14 =	sadd.s32 s14, s13;
	v0 =	vadd.f32 v0, v63  }
0x196: {  	s14 =	sshrl.u32 s14, $0x3;
	s12 =	sadd.s32 s8, s12  }
0x197: {  	s14 =	sadd.s32 s5, s14;
	s12 =	sshrl.u32 s12, $0x3;
	[tilespmem:$0x1D4B0] =	vst v0  }
0x198: {  	[hbm4b:s14+s6] =	stream.linear.scatter [tilespmem:s20], [sflag:$0x4], $0x7D0, $0x38;
	[tilespmem:$0x1D4C0] =	vst v63  }
0x199: {  	s19 =	sadd.s32 $0x1, s19;
	s22 =	sadd.s32 s2, s12  }
0x19a: {  	[tilespmem:s0], [sflag:$0x2] =	stream.linear.gather [hbm4b:s22+s6], $0x7D0, $0x38;
	[tilespmem:$0x1D4C0] =	vst v63  }
0x19b: {  	p0 =	sne.s32 s19, $0x32;
	s23 =	sadd.s32 s4, s12  }
0x19c: {  	[tilespmem:s3], [sflag:$0x2] =	stream.linear.gather [hbm4b:s23+s6], $0x7D0, $0x38;
	[tilespmem:$0x1D4C0] =	vst v63  }
.Ltmp5:
0x19d: {  	_ = 	snop;
	(pc) =	sbr.rel @p0 .LBB2_8-.Ltmp5, $4  }
0x19e: {  	s28 =	sadd.s32 s10, s12  }
0x19f: {  	[tilespmem:s1], [sflag:$0x2] =	stream.linear.gather [hbm4b:s28+s6], $0x7D0, $0x38;
	[tilespmem:$0x1D4C0] =	vst v63  }
0x1a0: {  	s12 =	sadd.s32 s5, s12  }
0x1a1: {  	[tilespmem:s25], [sflag:$0x2] =	stream.linear.gather [hbm4b:s12+s6], $0x7D0, $0x38;
	[tilespmem:$0x1D4C0] =	vst v63  }
0x1a2: {  	_ =	swait.ge [sflag:s7], $0x7D0  }
0x1a3: {  	[sflag:s7] =	ssyncset.done $0x0  }
0x1a4: {  	[sflag:s7] =	ssyncadd.s32 $0xFFFFF830  }
0x1a5: {  	_ =	swait.ge [sflag:s7], $0x7D0  }
0x1a6: {  	[sflag:s7] =	ssyncset.done $0x0  }
0x1a7: {  	[sflag:s7] =	ssyncadd.s32 $0xFFFFF830  }
0x1a8: {  	_ =	swait.ge [sflag:s7], $0x7D0  }
0x1a9: {  	[sflag:s7] =	ssyncset.done $0x0  }
0x1aa: {  	[sflag:s7] =	ssyncadd.s32 $0xFFFFF830  }
0x1ab: {  	_ =	swait.ge [sflag:s7], $0x7D0  }
0x1ac: {  	[sflag:s7] =	ssyncset.done $0x0  }
0x1ad: {  	[sflag:s7] =	ssyncadd.s32 $0xFFFFF830  }
0x1ae: {  	_ =	swait.ge [sflag:s18], $0x7D0  }
0x1af: {  	[sflag:s18] =	ssyncset.done $0x0  }
0x1b0: {  	[sflag:s18] =	ssyncadd.s32 $0xFFFFF830  }
0x1b1: {  	_ =	swait.ge [sflag:s18], $0x7D0  }
0x1b2: {  	[sflag:s18] =	ssyncset.done $0x0  }
0x1b3: {  	[sflag:s18] =	ssyncadd.s32 $0xFFFFF830  }
0x1b4: {  	_ =	swait.ge [sflag:s18], $0x7D0  }
0x1b5: {  	[sflag:s18] =	ssyncset.done $0x0  }
0x1b6: {  	[sflag:s18] =	ssyncadd.s32 $0xFFFFF830  }
0x1b7: {  	_ =	swait.ge [sflag:s18], $0x7D0  }
0x1b8: {  	[sflag:s18] =	ssyncset.done $0x0  }
0x1b9: {  	s12 =	simm.s32 $0x3;
	[sflag:s18] =	ssyncadd.s32 $0xFFFFF830  }
0x1ba: {  	_ =	swait.ge [sflag:s12], $0x7D0  }
0x1bb: {  	[sflag:s12] =	ssyncset.done $0x0  }
0x1bc: {  	s22 =	simm.s32 $0x4;
	[sflag:s12] =	ssyncadd.s32 $0xFFFFF830  }
0x1bd: {  	_ =	swait.ge [sflag:s22], $0x7D0  }
0x1be: {  	[sflag:s22] =	ssyncset.done $0x0  }
0x1bf: {  	[sflag:s22] =	ssyncadd.s32 $0xFFFFF830  }
0x1c0: {  	s19 =	simm.s32 $0x0;
	s23 =	simm.s32 $0x5;
	s12 =	rddreg [dreg:$0x0]  }
0x1c1: {  	[tilespmem:s19], [sflag:$0x5] =	stream.linear.gather [hbm4b:s12+s19], $0x186A0, $0x38;
	[tilespmem:$0x1D4C0] =	vst v63  }
0x1c2: {  	_ =	swait.ge [sflag:s23], $0x186A0  }
0x1c3: {  	[sflag:s23] =	ssyncset.done $0x0  }
0x1c4: {  	s28 =	rddreg [dreg:$0x6];
	[sflag:s23] =	ssyncadd.s32 $0xFFFE7960  }
0x1c5: {  	[tilespmem:s29], [sflag:$0x1] =	stream.linear.gather [hbm4b:s28+s19], $0x7D0, $0x38;
	[tilespmem:$0x1D4C0] =	vst v63  }
0x1c6: {  	s14 =	rddreg [dreg:$0x7]  }
0x1c7: {  	[tilespmem:s30], [sflag:$0x1] =	stream.linear.gather [hbm4b:s14+s19], $0x7D0, $0x38;
	[tilespmem:$0x1D4C0] =	vst v63  }
0x1c8: {  	s16 =	rddreg [dreg:$0x10]  }
0x1c9: {  	[tilespmem:s31], [sflag:$0x1] =	stream.linear.gather [hbm4b:s16+s19], $0x7D0, $0x38;
	[tilespmem:$0x1D4C0] =	vst v63  }
0x1ca: {  	s17 =	rddreg [dreg:$0xc]  }
0x1cb: {  	[tilespmem:s24], [sflag:$0x1] =	stream.linear.gather [hbm4b:s17+s19], $0x7D0, $0x38;
	[tilespmem:$0x1D4C0] =	vst v63  }
0x1cc: {  	s21 =	rddreg [dreg:$0x9]  }
0x1cd: {  	[tilespmem:s0], [sflag:$0x2] =	stream.linear.gather [hbm4b:s21+s19], $0x7D0, $0x38;
	[tilespmem:$0x1D4C0] =	vst v63  }
0x1ce: {  	s22 =	rddreg [dreg:$0xa]  }
0x1cf: {  	[tilespmem:s3], [sflag:$0x2] =	stream.linear.gather [hbm4b:s22+s19], $0x7D0, $0x38;
	[tilespmem:$0x1D4C0] =	vst v63  }
0x1d0: {  	s23 =	rddreg [dreg:$0x11]  }
0x1d1: {  	[tilespmem:s1], [sflag:$0x2] =	stream.linear.gather [hbm4b:s23+s19], $0x7D0, $0x38;
	[tilespmem:$0x1D4C0] =	vst v63  }
0x1d2: {  	s28 =	rddreg [dreg:$0xf]  }
0x1d3: {  	[tilespmem:s25], [sflag:$0x2] =	stream.linear.gather [hbm4b:s28+s19], $0x7D0, $0x38;
	[tilespmem:$0x1D4C0] =	vst v63  }
.LBB2_14:
0x1d4: {  	_ =	swait.ge [sflag:s7], $0x7D0  }
0x1d5: {  	[sflag:s7] =	ssyncset.done $0x0  }
0x1d6: {  	[sflag:s7] =	ssyncadd.s32 $0xFFFFF830  }
0x1d7: {  	_ =	swait.ge [sflag:s7], $0x7D0  }
0x1d8: {  	[sflag:s7] =	ssyncset.done $0x0  }
0x1d9: {  	[sflag:s7] =	ssyncadd.s32 $0xFFFFF830  }
0x1da: {  	_ =	swait.ge [sflag:s7], $0x7D0  }
0x1db: {  	[sflag:s7] =	ssyncset.done $0x0  }
0x1dc: {  	[sflag:s7] =	ssyncadd.s32 $0xFFFFF830  }
0x1dd: {  	_ =	swait.ge [sflag:s7], $0x7D0  }
0x1de: {  	p0 =	seq.s32 s19, $0x0;
	[sflag:s7] =	ssyncset.done $0x0  }
0x1df: {  	s22 =	sshll.u32 s19, $0x1;
	s12 =	simm.s32 @!p0 $0x3;
	[sflag:s7] =	ssyncadd.s32 $0xFFFFF830  }
0x1e0: {  	s14 =	simm.s32 $0x186C0;
	s16 =	simm.s32 $0x18E90;
	_ =	swait.ge @!p0 [sflag:s12], $0x7D0  }
0x1e1: {  	s17 =	simm.s32 $0x19660;
	s28 =	simm.s32 $0x19E30;
	[sflag:s12] =	ssyncset.done @!p0 $0x0  }
0x1e2: {  	s21 =	simm.s32 $0x1A600;
	[sflag:s12] =	ssyncadd.s32 @!p0 $0xFFFFF830;
	s12 =	simm.s32 $0xFFFFFFFC  }
.LBB2_15:
0x1e3: {  	v0 =	vld [tilespmem:s14+$0xFFFFFFE0]  }
0x1e4: {  	v1 =	vld [tilespmem:s16+$0xFFFFFFE0];
	_ =	sdelay $0x6  }
0x1e5: {  	v0 =	vld.idx.msk [tilespmem:v0+s6+$0x0], $0xffff  }
0x1e6: {  	v1 =	vld.idx.msk [tilespmem:v1+s6+$0x0], $0xffff;
	_ =	sdelay $0x1  }
0x1e7: {  	v2 =	vld [tilespmem:s17+$0xFFFFFFE0];
	_ =	sdelay $0x2  }
0x1e8: {  	v0 =	vsub.f32 v0, v1;
	_ =	sdelay $0x1  }
0x1e9: {  	v0 =	vsub.f32 v0, v2  }
0x1ea: {  	v47 =	vld [tilespmem:s28+$0xFFFFFFE0]  }
0x1eb: {  	v0 =	vadd.f32 $1.000000000e-15, v0;
	_ =	sdelay $0x1  }
0x1ec: {  	v0 =	vmul.f32 v0, v0;
	_ =	sdelay $0x1  }
0x1ed: {  	v0 =	vadd.f32 v0, v47;
	_ =	sdelay $0x1  }
0x1ee: {  	v1 =	vshra.s32 v0, $0x1;
	v48 =	vmul.f32 $5.000000000e-01, v0  }
0x1ef: {  	v1 =	vsub.s32 $0x5F3759DF, v1  }
0x1f0: {  	v3 =	vmul.f32 v1, v48;
	_ =	sdelay $0x1  }
0x1f1: {  	v3 =	vmul.f32 v1, v3;
	_ =	sdelay $0x1  }
0x1f2: {  	v3 =	vsub.f32 $1.500000000e+00, v3;
	_ =	sdelay $0x1  }
0x1f3: {  	v1 =	vmul.f32 v1, v3;
	_ =	sdelay $0x1  }
0x1f4: {  	v3 =	vmul.f32 v1, v48;
	_ =	sdelay $0x1  }
0x1f5: {  	v3 =	vmul.f32 v3, v1;
	_ =	sdelay $0x1  }
0x1f6: {  	v3 =	vsub.f32 $1.500000000e+00, v3;
	_ =	sdelay $0x1  }
0x1f7: {  	v1 =	vmul.f32 v3, v1;
	_ =	sdelay $0x1  }
0x1f8: {  	v2 =	vmul.f32 v1, v48;
	_ =	sdelay $0x1  }
0x1f9: {  	v2 =	vmul.f32 v2, v1;
	_ =	sdelay $0x1  }
0x1fa: {  	v2 =	vsub.f32 $1.500000000e+00, v2;
	_ =	sdelay $0x1  }
0x1fb: {  	v1 =	vmul.f32 v2, v1;
	_ =	sdelay $0x1  }
0x1fc: {  	v0 =	vmul.f32 v1, v0;
	_ =	sdelay $0x1  }
0x1fd: {  	[tilespmem:s21+$0xFFFFFFE0] =	vst v0  }
0x1fe: {  	v0 =	vld [tilespmem:s14+$0xFFFFFFF0]  }
0x1ff: {  	v49 =	vld [tilespmem:s16+$0xFFFFFFF0];
	_ =	sdelay $0x6  }
0x200: {  	v0 =	vld.idx.msk [tilespmem:v0+s6+$0x0], $0xffff  }
0x201: {  	v1 =	vld.idx.msk [tilespmem:v49+s6+$0x0], $0xffff;
	_ =	sdelay $0x1  }
0x202: {  	v50 =	vld [tilespmem:s17+$0xFFFFFFF0];
	_ =	sdelay $0x2  }
0x203: {  	v0 =	vsub.f32 v0, v1;
	_ =	sdelay $0x1  }
0x204: {  	v0 =	vsub.f32 v0, v50  }
0x205: {  	v51 =	vld [tilespmem:s28+$0xFFFFFFF0]  }
0x206: {  	v0 =	vadd.f32 $1.000000000e-15, v0;
	_ =	sdelay $0x1  }
0x207: {  	v0 =	vmul.f32 v0, v0;
	_ =	sdelay $0x1  }
0x208: {  	v0 =	vadd.f32 v0, v51;
	_ =	sdelay $0x1  }
0x209: {  	v1 =	vshra.s32 v0, $0x1;
	v52 =	vmul.f32 $5.000000000e-01, v0  }
0x20a: {  	v1 =	vsub.s32 $0x5F3759DF, v1  }
0x20b: {  	v53 =	vmul.f32 v1, v52;
	_ =	sdelay $0x1  }
0x20c: {  	v3 =	vmul.f32 v1, v53;
	_ =	sdelay $0x1  }
0x20d: {  	v3 =	vsub.f32 $1.500000000e+00, v3;
	_ =	sdelay $0x1  }
0x20e: {  	v1 =	vmul.f32 v1, v3;
	_ =	sdelay $0x1  }
0x20f: {  	v3 =	vmul.f32 v1, v52;
	_ =	sdelay $0x1  }
0x210: {  	v3 =	vmul.f32 v3, v1;
	_ =	sdelay $0x1  }
0x211: {  	v3 =	vsub.f32 $1.500000000e+00, v3;
	_ =	sdelay $0x1  }
0x212: {  	v1 =	vmul.f32 v3, v1;
	_ =	sdelay $0x1  }
0x213: {  	v2 =	vmul.f32 v1, v52;
	_ =	sdelay $0x1  }
0x214: {  	v2 =	vmul.f32 v2, v1;
	_ =	sdelay $0x1  }
0x215: {  	v2 =	vsub.f32 $1.500000000e+00, v2;
	_ =	sdelay $0x1  }
0x216: {  	v1 =	vmul.f32 v2, v1;
	_ =	sdelay $0x1  }
0x217: {  	v0 =	vmul.f32 v1, v0;
	_ =	sdelay $0x1  }
0x218: {  	[tilespmem:s21+$0xFFFFFFF0] =	vst v0  }
0x219: {  	v0 =	vld [tilespmem:s14+$0x0]  }
0x21a: {  	v54 =	vld [tilespmem:s16+$0x0];
	_ =	sdelay $0x6  }
0x21b: {  	v0 =	vld.idx.msk [tilespmem:v0+s6+$0x0], $0xffff  }
0x21c: {  	v1 =	vld.idx.msk [tilespmem:v54+s6+$0x0], $0xffff;
	_ =	sdelay $0x1  }
0x21d: {  	v55 =	vld [tilespmem:s17+$0x0];
	_ =	sdelay $0x2  }
0x21e: {  	v0 =	vsub.f32 v0, v1;
	_ =	sdelay $0x1  }
0x21f: {  	v0 =	vsub.f32 v0, v55  }
0x220: {  	v56 =	vld [tilespmem:s28+$0x0]  }
0x221: {  	v0 =	vadd.f32 $1.000000000e-15, v0;
	_ =	sdelay $0x1  }
0x222: {  	v0 =	vmul.f32 v0, v0;
	_ =	sdelay $0x1  }
0x223: {  	v0 =	vadd.f32 v0, v56;
	_ =	sdelay $0x1  }
0x224: {  	v1 =	vshra.s32 v0, $0x1;
	v57 =	vmul.f32 $5.000000000e-01, v0  }
0x225: {  	v1 =	vsub.s32 $0x5F3759DF, v1  }
0x226: {  	v58 =	vmul.f32 v1, v57;
	_ =	sdelay $0x1  }
0x227: {  	v3 =	vmul.f32 v1, v58;
	_ =	sdelay $0x1  }
0x228: {  	v3 =	vsub.f32 $1.500000000e+00, v3;
	_ =	sdelay $0x1  }
0x229: {  	v1 =	vmul.f32 v1, v3;
	_ =	sdelay $0x1  }
0x22a: {  	v3 =	vmul.f32 v1, v57;
	_ =	sdelay $0x1  }
0x22b: {  	v3 =	vmul.f32 v3, v1;
	_ =	sdelay $0x1  }
0x22c: {  	v3 =	vsub.f32 $1.500000000e+00, v3;
	_ =	sdelay $0x1  }
0x22d: {  	v1 =	vmul.f32 v3, v1;
	_ =	sdelay $0x1  }
0x22e: {  	v2 =	vmul.f32 v1, v57;
	_ =	sdelay $0x1  }
0x22f: {  	v2 =	vmul.f32 v2, v1;
	_ =	sdelay $0x1  }
0x230: {  	v2 =	vsub.f32 $1.500000000e+00, v2;
	_ =	sdelay $0x1  }
0x231: {  	v1 =	vmul.f32 v2, v1;
	_ =	sdelay $0x1  }
0x232: {  	v0 =	vmul.f32 v1, v0;
	_ =	sdelay $0x1  }
0x233: {  	[tilespmem:s21+$0x0] =	vst v0  }
0x234: {  	v0 =	vld [tilespmem:s14+$0x10]  }
0x235: {  	v59 =	vld [tilespmem:s16+$0x10];
	_ =	sdelay $0x6  }
0x236: {  	v0 =	vld.idx.msk [tilespmem:v0+s6+$0x0], $0xffff  }
0x237: {  	v1 =	vld.idx.msk [tilespmem:v59+s6+$0x0], $0xffff;
	_ =	sdelay $0x1  }
0x238: {  	v60 =	vld [tilespmem:s17+$0x10];
	_ =	sdelay $0x2  }
0x239: {  	v0 =	vsub.f32 v0, v1;
	_ =	sdelay $0x1  }
0x23a: {  	v0 =	vsub.f32 v0, v60  }
0x23b: {  	v61 =	vld [tilespmem:s28+$0x10]  }
0x23c: {  	v0 =	vadd.f32 $1.000000000e-15, v0;
	_ =	sdelay $0x1  }
0x23d: {  	v0 =	vmul.f32 v0, v0;
	_ =	sdelay $0x1  }
0x23e: {  	v0 =	vadd.f32 v0, v61;
	_ =	sdelay $0x1  }
0x23f: {  	v1 =	vshra.s32 v0, $0x1;
	v62 =	vmul.f32 $5.000000000e-01, v0  }
0x240: {  	v1 =	vsub.s32 $0x5F3759DF, v1  }
0x241: {  	v63 =	vmul.f32 v1, v62;
	_ =	sdelay $0x1  }
0x242: {  	v3 =	vmul.f32 v1, v63;
	_ =	sdelay $0x1  }
0x243: {  	v3 =	vsub.f32 $1.500000000e+00, v3;
	_ =	sdelay $0x1  }
0x244: {  	v1 =	vmul.f32 v1, v3;
	_ =	sdelay $0x1  }
0x245: {  	v3 =	vmul.f32 v1, v62;
	_ =	sdelay $0x1  }
0x246: {  	v3 =	vmul.f32 v3, v1;
	_ =	sdelay $0x1  }
0x247: {  	v3 =	vsub.f32 $1.500000000e+00, v3;
	_ =	sdelay $0x1  }
0x248: {  	v1 =	vmul.f32 v3, v1;
	_ =	sdelay $0x1  }
0x249: {  	v2 =	vmul.f32 v1, v62;
	_ =	sdelay $0x1  }
0x24a: {  	v2 =	vmul.f32 v2, v1;
	_ =	sdelay $0x1  }
0x24b: {  	s12 =	sadd.s32 $0x4, s12;
	v2 =	vsub.f32 $1.500000000e+00, v2  }
0x24c: {  	p1 =	slt.u32 s12, $0x78  }
.Ltmp6:
0x24d: {  	v1 =	vmul.f32 v2, v1;
	(pc) =	sbr.rel @p1 .LBB2_15-.Ltmp6, $4  }
0x24e: {  	_ = 	snop  }
0x24f: {  	v0 =	vmul.f32 v1, v0  }
0x250: {  	s14 =	sadd.s32 $0x40, s14;
	s16 =	sadd.s32 $0x40, s16  }
0x251: {  	s17 =	sadd.s32 $0x40, s17;
	s28 =	sadd.s32 $0x40, s28;
	[tilespmem:s21+$0x10] =	vst v0;
	s21 =	sadd.s32 $0x40, s21  }
0x252: {  	v0 =	vld [tilespmem:$0x18E60]  }
0x253: {  	v1 =	vld [tilespmem:$0x19630];
	_ =	sdelay $0x6  }
0x254: {  	v0 =	vld.idx.msk [tilespmem:v0+s6+$0x0], $0xffff  }
0x255: {  	v1 =	vld.idx.msk [tilespmem:v1+s6+$0x0], $0xffff;
	_ =	sdelay $0x1  }
0x256: {  	v2 =	vld [tilespmem:$0x19E00];
	_ =	sdelay $0x2  }
0x257: {  	v0 =	vsub.f32 v0, v1;
	_ =	sdelay $0x1  }
0x258: {  	v0 =	vsub.f32 v0, v2  }
0x259: {  	v62 =	vld [tilespmem:$0x1A5D0]  }
0x25a: {  	v0 =	vadd.f32 $1.000000000e-15, v0;
	_ =	sdelay $0x1  }
0x25b: {  	v0 =	vmul.f32 v0, v0;
	_ =	sdelay $0x1  }
0x25c: {  	v0 =	vadd.f32 v0, v62;
	_ =	sdelay $0x1  }
0x25d: {  	v1 =	vshra.s32 v0, $0x1;
	v63 =	vmul.f32 $5.000000000e-01, v0  }
0x25e: {  	v1 =	vsub.s32 $0x5F3759DF, v1  }
0x25f: {  	v3 =	vmul.f32 v1, v63;
	_ =	sdelay $0x1  }
0x260: {  	v3 =	vmul.f32 v1, v3;
	_ =	sdelay $0x1  }
0x261: {  	v3 =	vsub.f32 $1.500000000e+00, v3;
	_ =	sdelay $0x1  }
0x262: {  	v1 =	vmul.f32 v1, v3;
	_ =	sdelay $0x1  }
0x263: {  	v3 =	vmul.f32 v1, v63;
	_ =	sdelay $0x1  }
0x264: {  	v3 =	vmul.f32 v3, v1;
	_ =	sdelay $0x1  }
0x265: {  	v3 =	vsub.f32 $1.500000000e+00, v3;
	_ =	sdelay $0x1  }
0x266: {  	v1 =	vmul.f32 v3, v1;
	_ =	sdelay $0x1  }
0x267: {  	v2 =	vmul.f32 v1, v63;
	_ =	sdelay $0x1  }
0x268: {  	v2 =	vmul.f32 v2, v1;
	_ =	sdelay $0x1  }
0x269: {  	v2 =	vsub.f32 $1.500000000e+00, v2;
	_ =	sdelay $0x1  }
0x26a: {  	s12 =	smul.u32 $0xFA0, s19;
	s23 =	sadd.s32 $0x2, s22;
	v1 =	vmul.f32 v2, v1  }
0x26b: {  	s16 =	smul.u32 $0x7D0, s23  }
0x26c: {  	p1 =	seq.s32 s23, $0x64;
	s14 =	sadd.s32 s8, s12;
	v0 =	vmul.f32 v1, v0  }
0x26d: {  	s14 =	sshrl.u32 s14, $0x3;
	s16 =	simm.s32 @p1 $0x0  }
0x26e: {  	s14 =	sadd.s32 s5, s14;
	s16 =	sadd.s32 s8, s16;
	[tilespmem:$0x1ADA0] =	vst v0  }
0x26f: {  	[hbm4b:s14+s6] =	stream.linear.scatter [tilespmem:s15], [sflag:$0x3], $0x7D0, $0x38;
	[tilespmem:$0x1D4C0] =	vst v63  }
0x270: {  	s14 =	sshrl.u32 s16, $0x3  }
0x271: {  	s17 =	sadd.s32 s2, s14  }
0x272: {  	[tilespmem:s29], [sflag:$0x1] =	stream.linear.gather [hbm4b:s17+s6], $0x7D0, $0x38;
	[tilespmem:$0x1D4C0] =	vst v63  }
0x273: {  	s21 =	sadd.s32 s4, s14  }
0x274: {  	[tilespmem:s30], [sflag:$0x1] =	stream.linear.gather [hbm4b:s21+s6], $0x7D0, $0x38;
	[tilespmem:$0x1D4C0] =	vst v63  }
0x275: {  	s23 =	sadd.s32 s11, s14  }
0x276: {  	[tilespmem:s31], [sflag:$0x1] =	stream.linear.gather [hbm4b:s23+s6], $0x7D0, $0x38;
	[tilespmem:$0x1D4C0] =	vst v63  }
0x277: {  	s14 =	sadd.s32 s5, s14  }
0x278: {  	[tilespmem:s24], [sflag:$0x1] =	stream.linear.gather [hbm4b:s14+s6], $0x7D0, $0x38;
	[tilespmem:$0x1D4C0] =	vst v63  }
0x279: {  	_ =	swait.ge [sflag:s18], $0x7D0  }
0x27a: {  	[sflag:s18] =	ssyncset.done $0x0  }
0x27b: {  	[sflag:s18] =	ssyncadd.s32 $0xFFFFF830  }
0x27c: {  	_ =	swait.ge [sflag:s18], $0x7D0  }
0x27d: {  	[sflag:s18] =	ssyncset.done $0x0  }
0x27e: {  	[sflag:s18] =	ssyncadd.s32 $0xFFFFF830  }
0x27f: {  	_ =	swait.ge [sflag:s18], $0x7D0  }
0x280: {  	[sflag:s18] =	ssyncset.done $0x0  }
0x281: {  	[sflag:s18] =	ssyncadd.s32 $0xFFFFF830  }
0x282: {  	_ =	swait.ge [sflag:s18], $0x7D0  }
0x283: {  	[sflag:s18] =	ssyncset.done $0x0  }
0x284: {  	s14 =	simm.s32 @!p0 $0x4;
	[sflag:s18] =	ssyncadd.s32 $0xFFFFF830  }
0x285: {  	s28 =	simm.s32 $0x1BD70;
	s16 =	simm.s32 $0x1ADD0;
	_ =	swait.ge @!p0 [sflag:s14], $0x7D0  }
0x286: {  	s17 =	simm.s32 $0x1B5A0;
	s21 =	simm.s32 $0x1C540;
	[sflag:s14] =	ssyncset.done @!p0 $0x0  }
0x287: {  	s23 =	simm.s32 $0x1CD10;
	[sflag:s14] =	ssyncadd.s32 @!p0 $0xFFFFF830;
	s14 =	simm.s32 $0xFFFFFFFC  }
.LBB2_17:
0x288: {  	v0 =	vld [tilespmem:s16+$0xFFFFFFE0]  }
0x289: {  	v1 =	vld [tilespmem:s17+$0xFFFFFFE0];
	_ =	sdelay $0x6  }
0x28a: {  	v0 =	vld.idx.msk [tilespmem:v0+s6+$0x0], $0xffff  }
0x28b: {  	v1 =	vld.idx.msk [tilespmem:v1+s6+$0x0], $0xffff;
	_ =	sdelay $0x1  }
0x28c: {  	v2 =	vld [tilespmem:s28+$0xFFFFFFE0];
	_ =	sdelay $0x2  }
0x28d: {  	v0 =	vsub.f32 v0, v1;
	_ =	sdelay $0x1  }
0x28e: {  	v0 =	vsub.f32 v0, v2  }
0x28f: {  	v47 =	vld [tilespmem:s21+$0xFFFFFFE0]  }
0x290: {  	v0 =	vadd.f32 $1.000000000e-15, v0;
	_ =	sdelay $0x1  }
0x291: {  	v0 =	vmul.f32 v0, v0;
	_ =	sdelay $0x1  }
0x292: {  	v0 =	vadd.f32 v0, v47;
	_ =	sdelay $0x1  }
0x293: {  	v1 =	vshra.s32 v0, $0x1;
	v48 =	vmul.f32 $5.000000000e-01, v0  }
0x294: {  	v1 =	vsub.s32 $0x5F3759DF, v1  }
0x295: {  	v3 =	vmul.f32 v1, v48;
	_ =	sdelay $0x1  }
0x296: {  	v3 =	vmul.f32 v1, v3;
	_ =	sdelay $0x1  }
0x297: {  	v3 =	vsub.f32 $1.500000000e+00, v3;
	_ =	sdelay $0x1  }
0x298: {  	v1 =	vmul.f32 v1, v3;
	_ =	sdelay $0x1  }
0x299: {  	v3 =	vmul.f32 v1, v48;
	_ =	sdelay $0x1  }
0x29a: {  	v3 =	vmul.f32 v3, v1;
	_ =	sdelay $0x1  }
0x29b: {  	v3 =	vsub.f32 $1.500000000e+00, v3;
	_ =	sdelay $0x1  }
0x29c: {  	v1 =	vmul.f32 v3, v1;
	_ =	sdelay $0x1  }
0x29d: {  	v2 =	vmul.f32 v1, v48;
	_ =	sdelay $0x1  }
0x29e: {  	v2 =	vmul.f32 v2, v1;
	_ =	sdelay $0x1  }
0x29f: {  	v2 =	vsub.f32 $1.500000000e+00, v2;
	_ =	sdelay $0x1  }
0x2a0: {  	v1 =	vmul.f32 v2, v1;
	_ =	sdelay $0x1  }
0x2a1: {  	v0 =	vmul.f32 v1, v0;
	_ =	sdelay $0x1  }
0x2a2: {  	[tilespmem:s23+$0xFFFFFFE0] =	vst v0  }
0x2a3: {  	v0 =	vld [tilespmem:s16+$0xFFFFFFF0]  }
0x2a4: {  	v49 =	vld [tilespmem:s17+$0xFFFFFFF0];
	_ =	sdelay $0x6  }
0x2a5: {  	v0 =	vld.idx.msk [tilespmem:v0+s6+$0x0], $0xffff  }
0x2a6: {  	v1 =	vld.idx.msk [tilespmem:v49+s6+$0x0], $0xffff;
	_ =	sdelay $0x1  }
0x2a7: {  	v50 =	vld [tilespmem:s28+$0xFFFFFFF0];
	_ =	sdelay $0x2  }
0x2a8: {  	v0 =	vsub.f32 v0, v1;
	_ =	sdelay $0x1  }
0x2a9: {  	v0 =	vsub.f32 v0, v50  }
0x2aa: {  	v51 =	vld [tilespmem:s21+$0xFFFFFFF0]  }
0x2ab: {  	v0 =	vadd.f32 $1.000000000e-15, v0;
	_ =	sdelay $0x1  }
0x2ac: {  	v0 =	vmul.f32 v0, v0;
	_ =	sdelay $0x1  }
0x2ad: {  	v0 =	vadd.f32 v0, v51;
	_ =	sdelay $0x1  }
0x2ae: {  	v1 =	vshra.s32 v0, $0x1;
	v52 =	vmul.f32 $5.000000000e-01, v0  }
0x2af: {  	v1 =	vsub.s32 $0x5F3759DF, v1  }
0x2b0: {  	v53 =	vmul.f32 v1, v52;
	_ =	sdelay $0x1  }
0x2b1: {  	v3 =	vmul.f32 v1, v53;
	_ =	sdelay $0x1  }
0x2b2: {  	v3 =	vsub.f32 $1.500000000e+00, v3;
	_ =	sdelay $0x1  }
0x2b3: {  	v1 =	vmul.f32 v1, v3;
	_ =	sdelay $0x1  }
0x2b4: {  	v3 =	vmul.f32 v1, v52;
	_ =	sdelay $0x1  }
0x2b5: {  	v3 =	vmul.f32 v3, v1;
	_ =	sdelay $0x1  }
0x2b6: {  	v3 =	vsub.f32 $1.500000000e+00, v3;
	_ =	sdelay $0x1  }
0x2b7: {  	v1 =	vmul.f32 v3, v1;
	_ =	sdelay $0x1  }
0x2b8: {  	v2 =	vmul.f32 v1, v52;
	_ =	sdelay $0x1  }
0x2b9: {  	v2 =	vmul.f32 v2, v1;
	_ =	sdelay $0x1  }
0x2ba: {  	v2 =	vsub.f32 $1.500000000e+00, v2;
	_ =	sdelay $0x1  }
0x2bb: {  	v1 =	vmul.f32 v2, v1;
	_ =	sdelay $0x1  }
0x2bc: {  	v0 =	vmul.f32 v1, v0;
	_ =	sdelay $0x1  }
0x2bd: {  	[tilespmem:s23+$0xFFFFFFF0] =	vst v0  }
0x2be: {  	v0 =	vld [tilespmem:s16+$0x0]  }
0x2bf: {  	v54 =	vld [tilespmem:s17+$0x0];
	_ =	sdelay $0x6  }
0x2c0: {  	v0 =	vld.idx.msk [tilespmem:v0+s6+$0x0], $0xffff  }
0x2c1: {  	v1 =	vld.idx.msk [tilespmem:v54+s6+$0x0], $0xffff;
	_ =	sdelay $0x1  }
0x2c2: {  	v55 =	vld [tilespmem:s28+$0x0];
	_ =	sdelay $0x2  }
0x2c3: {  	v0 =	vsub.f32 v0, v1;
	_ =	sdelay $0x1  }
0x2c4: {  	v0 =	vsub.f32 v0, v55  }
0x2c5: {  	v56 =	vld [tilespmem:s21+$0x0]  }
0x2c6: {  	v0 =	vadd.f32 $1.000000000e-15, v0;
	_ =	sdelay $0x1  }
0x2c7: {  	v0 =	vmul.f32 v0, v0;
	_ =	sdelay $0x1  }
0x2c8: {  	v0 =	vadd.f32 v0, v56;
	_ =	sdelay $0x1  }
0x2c9: {  	v1 =	vshra.s32 v0, $0x1;
	v57 =	vmul.f32 $5.000000000e-01, v0  }
0x2ca: {  	v1 =	vsub.s32 $0x5F3759DF, v1  }
0x2cb: {  	v58 =	vmul.f32 v1, v57;
	_ =	sdelay $0x1  }
0x2cc: {  	v3 =	vmul.f32 v1, v58;
	_ =	sdelay $0x1  }
0x2cd: {  	v3 =	vsub.f32 $1.500000000e+00, v3;
	_ =	sdelay $0x1  }
0x2ce: {  	v1 =	vmul.f32 v1, v3;
	_ =	sdelay $0x1  }
0x2cf: {  	v3 =	vmul.f32 v1, v57;
	_ =	sdelay $0x1  }
0x2d0: {  	v3 =	vmul.f32 v3, v1;
	_ =	sdelay $0x1  }
0x2d1: {  	v3 =	vsub.f32 $1.500000000e+00, v3;
	_ =	sdelay $0x1  }
0x2d2: {  	v1 =	vmul.f32 v3, v1;
	_ =	sdelay $0x1  }
0x2d3: {  	v2 =	vmul.f32 v1, v57;
	_ =	sdelay $0x1  }
0x2d4: {  	v2 =	vmul.f32 v2, v1;
	_ =	sdelay $0x1  }
0x2d5: {  	v2 =	vsub.f32 $1.500000000e+00, v2;
	_ =	sdelay $0x1  }
0x2d6: {  	v1 =	vmul.f32 v2, v1;
	_ =	sdelay $0x1  }
0x2d7: {  	v0 =	vmul.f32 v1, v0;
	_ =	sdelay $0x1  }
0x2d8: {  	[tilespmem:s23+$0x0] =	vst v0  }
0x2d9: {  	v0 =	vld [tilespmem:s16+$0x10]  }
0x2da: {  	v59 =	vld [tilespmem:s17+$0x10];
	_ =	sdelay $0x6  }
0x2db: {  	v0 =	vld.idx.msk [tilespmem:v0+s6+$0x0], $0xffff  }
0x2dc: {  	v1 =	vld.idx.msk [tilespmem:v59+s6+$0x0], $0xffff;
	_ =	sdelay $0x1  }
0x2dd: {  	v60 =	vld [tilespmem:s28+$0x10];
	_ =	sdelay $0x2  }
0x2de: {  	v0 =	vsub.f32 v0, v1;
	_ =	sdelay $0x1  }
0x2df: {  	v0 =	vsub.f32 v0, v60  }
0x2e0: {  	v61 =	vld [tilespmem:s21+$0x10]  }
0x2e1: {  	v0 =	vadd.f32 $1.000000000e-15, v0;
	_ =	sdelay $0x1  }
0x2e2: {  	v0 =	vmul.f32 v0, v0;
	_ =	sdelay $0x1  }
0x2e3: {  	v0 =	vadd.f32 v0, v61;
	_ =	sdelay $0x1  }
0x2e4: {  	v1 =	vshra.s32 v0, $0x1;
	v62 =	vmul.f32 $5.000000000e-01, v0  }
0x2e5: {  	v1 =	vsub.s32 $0x5F3759DF, v1  }
0x2e6: {  	v63 =	vmul.f32 v1, v62;
	_ =	sdelay $0x1  }
0x2e7: {  	v3 =	vmul.f32 v1, v63;
	_ =	sdelay $0x1  }
0x2e8: {  	v3 =	vsub.f32 $1.500000000e+00, v3;
	_ =	sdelay $0x1  }
0x2e9: {  	v1 =	vmul.f32 v1, v3;
	_ =	sdelay $0x1  }
0x2ea: {  	v3 =	vmul.f32 v1, v62;
	_ =	sdelay $0x1  }
0x2eb: {  	v3 =	vmul.f32 v3, v1;
	_ =	sdelay $0x1  }
0x2ec: {  	v3 =	vsub.f32 $1.500000000e+00, v3;
	_ =	sdelay $0x1  }
0x2ed: {  	v1 =	vmul.f32 v3, v1;
	_ =	sdelay $0x1  }
0x2ee: {  	v2 =	vmul.f32 v1, v62;
	_ =	sdelay $0x1  }
0x2ef: {  	v2 =	vmul.f32 v2, v1;
	_ =	sdelay $0x1  }
0x2f0: {  	s14 =	sadd.s32 $0x4, s14;
	v2 =	vsub.f32 $1.500000000e+00, v2  }
0x2f1: {  	p0 =	slt.u32 s14, $0x78  }
.Ltmp7:
0x2f2: {  	v1 =	vmul.f32 v2, v1;
	(pc) =	sbr.rel @p0 .LBB2_17-.Ltmp7, $4  }
0x2f3: {  	_ = 	snop  }
0x2f4: {  	v0 =	vmul.f32 v1, v0  }
0x2f5: {  	s16 =	sadd.s32 $0x40, s16;
	s17 =	sadd.s32 $0x40, s17  }
0x2f6: {  	s28 =	sadd.s32 $0x40, s28;
	s21 =	sadd.s32 $0x40, s21;
	[tilespmem:s23+$0x10] =	vst v0;
	s23 =	sadd.s32 $0x40, s23  }
0x2f7: {  	v0 =	vld [tilespmem:$0x1B570]  }
0x2f8: {  	v1 =	vld [tilespmem:$0x1BD40];
	_ =	sdelay $0x6  }
0x2f9: {  	v0 =	vld.idx.msk [tilespmem:v0+s6+$0x0], $0xffff  }
0x2fa: {  	v1 =	vld.idx.msk [tilespmem:v1+s6+$0x0], $0xffff;
	_ =	sdelay $0x1  }
0x2fb: {  	v2 =	vld [tilespmem:$0x1C510];
	_ =	sdelay $0x2  }
0x2fc: {  	v0 =	vsub.f32 v0, v1;
	_ =	sdelay $0x1  }
0x2fd: {  	v0 =	vsub.f32 v0, v2  }
0x2fe: {  	v62 =	vld [tilespmem:$0x1CCE0]  }
0x2ff: {  	v0 =	vadd.f32 $1.000000000e-15, v0;
	_ =	sdelay $0x1  }
0x300: {  	v0 =	vmul.f32 v0, v0;
	_ =	sdelay $0x1  }
0x301: {  	v0 =	vadd.f32 v0, v62;
	_ =	sdelay $0x1  }
0x302: {  	v1 =	vshra.s32 v0, $0x1;
	v63 =	vmul.f32 $5.000000000e-01, v0  }
0x303: {  	v1 =	vsub.s32 $0x5F3759DF, v1  }
0x304: {  	v3 =	vmul.f32 v1, v63;
	_ =	sdelay $0x1  }
0x305: {  	v3 =	vmul.f32 v1, v3;
	_ =	sdelay $0x1  }
0x306: {  	v3 =	vsub.f32 $1.500000000e+00, v3;
	_ =	sdelay $0x1  }
0x307: {  	v1 =	vmul.f32 v1, v3;
	_ =	sdelay $0x1  }
0x308: {  	v3 =	vmul.f32 v1, v63;
	_ =	sdelay $0x1  }
0x309: {  	v3 =	vmul.f32 v3, v1;
	_ =	sdelay $0x1  }
0x30a: {  	v3 =	vsub.f32 $1.500000000e+00, v3;
	_ =	sdelay $0x1  }
0x30b: {  	v1 =	vmul.f32 v3, v1;
	_ =	sdelay $0x1  }
0x30c: {  	v2 =	vmul.f32 v1, v63  }
0x30d: {  	s14 =	sadd.s32 $0x3, s22  }
0x30e: {  	s16 =	smulhi.u32 $0x51EB851F, s14;
	v2 =	vmul.f32 v2, v1;
	_ =	sdelay $0x1  }
0x30f: {  	s16 =	sshrl.u32 s16, $0x5;
	v2 =	vsub.f32 $1.500000000e+00, v2  }
0x310: {  	s16 =	smul.u32 $0x64, s16  }
0x311: {  	v1 =	vmul.f32 v2, v1  }
0x312: {  	s14 =	ssub.s32 s14, s16  }
0x313: {  	s12 =	sadd.s32 s12, s13;
	s14 =	smul.u32 $0x7D0, s14;
	v0 =	vmul.f32 v1, v0  }
0x314: {  	s12 =	sshrl.u32 s12, $0x3  }
0x315: {  	s12 =	sadd.s32 s5, s12;
	s21 =	sadd.s32 s8, s14;
	[tilespmem:$0x1D4B0] =	vst v0  }
0x316: {  	[hbm4b:s12+s6] =	stream.linear.scatter [tilespmem:s20], [sflag:$0x4], $0x7D0, $0x38;
	[tilespmem:$0x1D4C0] =	vst v63  }
0x317: {  	s12 =	sshrl.u32 s21, $0x3  }
0x318: {  	s19 =	sadd.s32 $0x1, s19;
	s22 =	sadd.s32 s2, s12  }
0x319: {  	[tilespmem:s0], [sflag:$0x2] =	stream.linear.gather [hbm4b:s22+s6], $0x7D0, $0x38;
	[tilespmem:$0x1D4C0] =	vst v63  }
0x31a: {  	p0 =	sne.s32 s19, $0x32;
	s23 =	sadd.s32 s4, s12  }
0x31b: {  	[tilespmem:s3], [sflag:$0x2] =	stream.linear.gather [hbm4b:s23+s6], $0x7D0, $0x38;
	[tilespmem:$0x1D4C0] =	vst v63  }
.Ltmp8:
0x31c: {  	_ = 	snop;
	(pc) =	sbr.rel @p0 .LBB2_14-.Ltmp8, $4  }
0x31d: {  	s28 =	sadd.s32 s11, s12  }
0x31e: {  	[tilespmem:s1], [sflag:$0x2] =	stream.linear.gather [hbm4b:s28+s6], $0x7D0, $0x38;
	[tilespmem:$0x1D4C0] =	vst v63  }
0x31f: {  	s12 =	sadd.s32 s5, s12  }
0x320: {  	[tilespmem:s25], [sflag:$0x2] =	stream.linear.gather [hbm4b:s12+s6], $0x7D0, $0x38;
	[tilespmem:$0x1D4C0] =	vst v63  }
0x321: {  	_ =	swait.ge [sflag:s7], $0x7D0  }
0x322: {  	[sflag:s7] =	ssyncset.done $0x0  }
0x323: {  	[sflag:s7] =	ssyncadd.s32 $0xFFFFF830  }
0x324: {  	_ =	swait.ge [sflag:s7], $0x7D0  }
0x325: {  	[sflag:s7] =	ssyncset.done $0x0  }
0x326: {  	[sflag:s7] =	ssyncadd.s32 $0xFFFFF830  }
0x327: {  	_ =	swait.ge [sflag:s7], $0x7D0  }
0x328: {  	[sflag:s7] =	ssyncset.done $0x0  }
0x329: {  	[sflag:s7] =	ssyncadd.s32 $0xFFFFF830  }
0x32a: {  	_ =	swait.ge [sflag:s7], $0x7D0  }
0x32b: {  	[sflag:s7] =	ssyncset.done $0x0  }
0x32c: {  	[sflag:s7] =	ssyncadd.s32 $0xFFFFF830  }
0x32d: {  	_ =	swait.ge [sflag:s18], $0x7D0  }
0x32e: {  	[sflag:s18] =	ssyncset.done $0x0  }
0x32f: {  	[sflag:s18] =	ssyncadd.s32 $0xFFFFF830  }
0x330: {  	_ =	swait.ge [sflag:s18], $0x7D0  }
0x331: {  	[sflag:s18] =	ssyncset.done $0x0  }
0x332: {  	[sflag:s18] =	ssyncadd.s32 $0xFFFFF830  }
0x333: {  	_ =	swait.ge [sflag:s18], $0x7D0  }
0x334: {  	[sflag:s18] =	ssyncset.done $0x0  }
0x335: {  	[sflag:s18] =	ssyncadd.s32 $0xFFFFF830  }
0x336: {  	_ =	swait.ge [sflag:s18], $0x7D0  }
0x337: {  	[sflag:s18] =	ssyncset.done $0x0  }
0x338: {  	s12 =	simm.s32 $0x3;
	[sflag:s18] =	ssyncadd.s32 $0xFFFFF830  }
0x339: {  	_ =	swait.ge [sflag:s12], $0x7D0  }
0x33a: {  	[sflag:s12] =	ssyncset.done $0x0  }
0x33b: {  	s14 =	simm.s32 $0x4;
	[sflag:s12] =	ssyncadd.s32 $0xFFFFF830  }
0x33c: {  	_ =	swait.ge [sflag:s14], $0x7D0  }
0x33d: {  	s26 =	sadd.s32 $0x1, s26;
	s28 =	rddreg [dreg:$0x12]  }
0x33e: {  	p0 =	sne.s32 s26, s28  }
.Ltmp9:
0x33f: {  	_ = 	snop;
	(pc) =	sbr.rel @p0 .LBB2_1-.Ltmp9, $3  }
0x340: {  	_ =	sdelay $0x1  }
0x341: {  	[sflag:s14] =	ssyncset.done $0x0  }
0x342: {  	[sflag:s14] =	ssyncadd.s32 $0xFFFFF830  }
0x343: {  	_ =	sfence.sel $0x180000  }
0x344: {  	[bflag:$0x0] =	sbarrier.arrive $0xFFFF  }
0x345: {  	_ =	strace $0x90000047  }
0x346: {  	s0 =	stileid.u32;
	[bflag:$0x2] =	sbarrier.arrive $0xFFFF  }
0x347: {  	p0 =	sne.s32 s0, $0x0;
	s0 =	rddreg [dreg:$0x4]  }
0x348: {  	s0 =	sadd.s32 @!p0 $0x100000, s0  }
0x349: {  	[sflag:s0] =	ssyncadd.tile.s32 @!p0 $0x1;
	_ =	shalt  }
.Lfunc_end2:
_tile_overlayer_lowered:
.L_overlay_start_2:
0x34a: {  	(tag) =	ssettag $0x2  }
0x34b: {  	s0 =	rddreg [dreg:$0x0];
	s2 =	stileid.u32  }
0x34c: {  	s1 =	rddreg [dreg:$0x1];
	p0 =	sne.s32 s2, $0x0  }
0x34d: {  	s3 =	rddreg [dreg:$0x2];
	[bflag:$0x3] =	sbarrier.arrive $0xFFFF;
	s2 =	simm.s32 @!p0 $0x1C05  }
0x34e: {  	[timem:s3], [sflag:s2] =	dma.local @!p0 [hbm:s0], s1  }
0x34f: {  	s0 =	simm.s32 @!p0 $0x5  }
0x350: {  	_ =	swait.ge @!p0 [sflag:s0], s1  }
0x351: {  	s1 =	ssub.s32 @!p0 $0x0, s1;
	[sflag:s0] =	ssyncset.done @!p0 $0x0  }
0x352: {  	[sflag:s0] =	ssyncadd.s32 @!p0 s1  }
0x353: {  	[bflag:$0x3] =	sbarrier.arrive $0xFFFF  }
0x354: {  	_ =	shalt  }

</sc_bundles>
